<compile_context>
chip_gen: v7x
topology: tpu7x:2x2x1
jax: 0.10.2.dev20260603
libtpu: 0.0.44.dev20260713+nightly
codegen_flags: <defaults>
</compile_context>

<pallas_src>
import jax
import jax.numpy as jnp
from jax import lax
from jax.experimental import pallas as pl
from jax.experimental.pallas import tpu as pltpu
from jax.experimental.pallas import tpu_sc as plsc

B, S, D, H, E, K, L, V, F = 1, 2048, 768, 12, 8, 2, 2, 32000, 1536
DH = D // H
BT = 512
NT = S // BT
BV = 1280
NV = V // BV
NSC = 32
TPW = S // NSC
BTM = 256
NB = 24
NBP = NB * BTM
JW = (K * S) // NSC

_BF = jnp.bfloat16
_F32 = jnp.float32


def _emb_gather(ids, table):
    mesh = plsc.VectorSubcoreMesh(core_axis_name="c", subcore_axis_name="s")

    def body(ids_hbm, table_hbm, out_hbm, idx_v, rows_v, sem):
        wid = lax.axis_index("s") * 2 + lax.axis_index("c")
        base = wid * TPW
        pltpu.sync_copy(ids_hbm.at[pl.ds(base, TPW)], idx_v)
        pltpu.async_copy(table_hbm.at[idx_v], rows_v, sem).wait()
        pltpu.sync_copy(rows_v, out_hbm.at[pl.ds(base, TPW)])

    call = pl.kernel(
        body,
        mesh=mesh,
        out_type=jax.ShapeDtypeStruct((S, D), _F32),
        scratch_types=[
            pltpu.VMEM((TPW,), jnp.int32),
            pltpu.VMEM((TPW, D), _F32),
            pltpu.SemaphoreType.DMA,
        ],
    )
    return call(ids, table)


def _ln(x, g, b):
    mu = jnp.mean(x, axis=-1, keepdims=True)
    var = jnp.mean((x - mu) ** 2, axis=-1, keepdims=True)
    return (x - mu) * lax.rsqrt(var + 1e-5) * g + b


def _qkv(x, wq, bq, wk, bk, wv, bv, pre=None):
    mode = pre[0] if pre is not None else None

    def body(*refs):
        if mode == 'add':
            (x_ref, p_ref, wq_ref, bq_ref, wk_ref, bk_ref, wv_ref, bv_ref,
             q_ref, k_ref, v_ref, xs_ref) = refs
            xs = x_ref[...] + p_ref[...]
        elif mode == 'combine':
            (x_ref, y0_ref, y1_ref, tg_ref, wq_ref, bq_ref, wk_ref,
             bk_ref, wv_ref, bv_ref, q_ref, k_ref, v_ref, xs_ref) = refs
            tg = tg_ref[...]
            xs = (x_ref[...] + tg[:, 0:1] * y0_ref[...]
                  + tg[:, 1:2] * y1_ref[...])
        else:
            (x_ref, wq_ref, bq_ref, wk_ref, bk_ref, wv_ref, bv_ref,
             q_ref, k_ref, v_ref, xs_ref) = refs
            xs = x_ref[...]
        xs_ref[...] = xs
        xb = xs.astype(_BF)
        for w_ref, b_ref, o_ref in ((wq_ref, bq_ref, q_ref),
                                    (wk_ref, bk_ref, k_ref),
                                    (wv_ref, bv_ref, v_ref)):
            o_ref[...] = jnp.dot(xb, w_ref[...].astype(_BF),
                                 preferred_element_type=_F32) + b_ref[...]

    xspec = pl.BlockSpec((BT, D), lambda t: (t, 0))
    wspec = pl.BlockSpec((D, D), lambda t: (0, 0))
    bspec = pl.BlockSpec((1, D), lambda t: (0, 0))
    in_specs = [xspec]
    args = [x]
    if mode == 'add':
        in_specs += [xspec]
        args += [pre[1]]
    elif mode == 'combine':
        in_specs += [xspec, xspec, pl.BlockSpec((BT, K), lambda t: (t, 0))]
        args += list(pre[1:])
    in_specs += [wspec, bspec, wspec, bspec, wspec, bspec]
    args += [wq, bq, wk, bk, wv, bv]
    return pl.pallas_call(
        body, grid=(NT,),
        in_specs=in_specs,
        out_specs=[xspec, xspec, xspec, xspec],
        out_shape=[jax.ShapeDtypeStruct((S, D), _F32)] * 4,
    )(*args)


def _attention(q, k, v):
    NH = 4

    def body(q_ref, k_ref, v_ref, o_ref):
        t = pl.program_id(1)
        ri = lax.broadcasted_iota(jnp.int32, (BT, BT), 0)
        ci = lax.broadcasted_iota(jnp.int32, (BT, BT), 1)
        diag_ok = ci <= ri

        m0 = jnp.full((BT, 1), -1e30, _F32)
        l0 = jnp.zeros((BT, 1), _F32)
        a0 = jnp.zeros((BT, DH), _F32)

        qb = (q_ref[...] * 0.125).astype(_BF)

        def step(c, carry):
            off_diag = c != t
            out = []
            for i in range(NH):
                m, l, acc = carry[i]
                kc = k_ref[pl.ds(c * BT, BT),
                           i * DH:(i + 1) * DH].astype(_BF)
                vc = v_ref[pl.ds(c * BT, BT),
                           i * DH:(i + 1) * DH].astype(_BF)
                s = lax.dot_general(qb[:, i * DH:(i + 1) * DH], kc,
                                    (((1,), (1,)), ((), ())),
                                    preferred_element_type=_F32)
                s = jnp.where(jnp.logical_or(off_diag, diag_ok), s, -1e9)
                mn = jnp.maximum(m, jnp.max(s, axis=-1, keepdims=True))
                p = jnp.exp(s - mn)
                corr = jnp.exp(m - mn)
                ln = l * corr + jnp.sum(p, axis=-1, keepdims=True)
                accn = acc * corr + jnp.dot(p.astype(_BF), vc,
                                            preferred_element_type=_F32)
                out.append((mn, ln, accn))
            return tuple(out)

        carry = lax.fori_loop(0, t + 1, step, tuple((m0, l0, a0)
                                                    for _ in range(NH)))
        o_ref[...] = jnp.concatenate([acc / l for (m, l, acc) in carry],
                                     axis=1)

    return pl.pallas_call(
        body, grid=(H // NH, NT),
        in_specs=[pl.BlockSpec((BT, NH * DH), lambda h, t: (t, h)),
                  pl.BlockSpec((S, NH * DH), lambda h, t: (0, h)),
                  pl.BlockSpec((S, NH * DH), lambda h, t: (0, h))],
        out_specs=pl.BlockSpec((BT, NH * DH), lambda h, t: (t, h)),
        out_shape=jax.ShapeDtypeStruct((S, D), _F32))(q, k, v)


def _oproj_lns(attn, wo, bo, x, g1, b1, g2, b2, wr, br):
    def body(a_ref, wo_ref, bo_ref, x_ref, g1_ref, b1_ref, g2_ref, b2_ref,
             wr_ref, br_ref, x1_ref, h_ref, ti_ref, tg_ref):
        a = jnp.dot(a_ref[...].astype(_BF), wo_ref[...].astype(_BF),
                    preferred_element_type=_F32)
        a = a + bo_ref[...] + x_ref[...]
        x1 = _ln(a, g1_ref[...], b1_ref[...])
        x1_ref[...] = x1
        hh = _ln(x1, g2_ref[...], b2_ref[...])
        h_ref[...] = hh
        rl = jnp.dot(hh, wr_ref[...],
                     preferred_element_type=_F32) + br_ref[...]
        iota = lax.broadcasted_iota(jnp.int32, (BT, E), 1)
        v1 = jnp.max(rl, axis=-1, keepdims=True)
        i1 = jnp.min(jnp.where(rl == v1, iota, E), axis=-1, keepdims=True)
        m1 = iota == i1
        rl2 = jnp.where(m1, -jnp.inf, rl)
        v2 = jnp.max(rl2, axis=-1, keepdims=True)
        i2 = jnp.min(jnp.where(rl2 == v2, iota, E), axis=-1, keepdims=True)
        m2 = iota == i2
        z = jnp.exp(v2 - v1)
        gate1 = 1.0 / (1.0 + z)
        gate2 = 1.0 - gate1
        ti_ref[...] = jnp.concatenate([i1, i2], axis=1)
        tg_ref[...] = jnp.concatenate([gate1, gate2], axis=1)

    xspec = pl.BlockSpec((BT, D), lambda t: (t, 0))
    wspec = pl.BlockSpec((D, D), lambda t: (0, 0))
    vspec = pl.BlockSpec((1, D), lambda t: (0, 0))
    tspec = pl.BlockSpec((BT, K), lambda t: (t, 0))
    return pl.pallas_call(
        body, grid=(NT,),
        in_specs=[xspec, wspec, vspec, xspec, vspec, vspec, vspec, vspec,
                  pl.BlockSpec((D, E), lambda t: (0, 0)),
                  pl.BlockSpec((1, E), lambda t: (0, 0))],
        out_specs=[xspec, xspec, tspec, tspec],
        out_shape=[jax.ShapeDtypeStruct((S, D), _F32),
                   jax.ShapeDtypeStruct((S, D), _F32),
                   jax.ShapeDtypeStruct((S, K), jnp.int32),
                   jax.ShapeDtypeStruct((S, K), _F32)],
    )(attn, wo, bo, x, g1, b1, g2, b2, wr, br)


def _route_meta(topi):
    CH = 512

    def body(ti_ref, pos_ref, be_ref, nb_ref):
        ti = ti_ref[...]
        lane_e = lax.broadcasted_iota(jnp.int32, (S, E), 1)
        oh = [jnp.where(lane_e == ti[:, kk:kk + 1], 1.0, 0.0)
              for kk in range(K)]
        lt = (lax.broadcasted_iota(jnp.int32, (CH, CH), 1) <
              lax.broadcasted_iota(jnp.int32, (CH, CH), 0)).astype(_F32)
        carry = jnp.zeros((1, E), _F32)
        ranks = []
        for kk in range(K):
            rk = []
            for ch in range(S // CH):
                blk = oh[kk][ch * CH:(ch + 1) * CH]
                rk.append(jnp.dot(lt, blk, preferred_element_type=_F32)
                          + carry)
                carry = carry + jnp.sum(blk, axis=0, keepdims=True)
            ranks.append(jnp.concatenate(rk, axis=0))
        counts = carry
        nblk = jnp.floor((counts + (BTM - 1)) / BTM)
        ut8 = (lax.broadcasted_iota(jnp.int32, (E, E), 0) <=
               lax.broadcasted_iota(jnp.int32, (E, E), 1)).astype(_F32)
        cumblk = jnp.dot(nblk, ut8, preferred_element_type=_F32)
        pad_off = (cumblk - nblk) * BTM
        poss = [jnp.sum(oh[kk] * (pad_off + ranks[kk]), axis=1,
                        keepdims=True) for kk in range(K)]
        pos_ref[...] = jnp.concatenate(poss, axis=1).astype(jnp.int32)
        cumblk_i = cumblk.astype(jnp.int32)
        rows_b = lax.broadcasted_iota(jnp.int32, (NB, E), 0)
        be = jnp.sum(jnp.where(rows_b >= cumblk_i, 1, 0), axis=1,
                     keepdims=True)
        be_ref[...] = jnp.minimum(be, E - 1)
        nb_ref[...] = jnp.sum(
            jnp.where(lax.broadcasted_iota(jnp.int32, (1, E), 1) == E - 1,
                      cumblk_i, 0), axis=1, keepdims=True)

    return pl.pallas_call(
        body, grid=(1,),
        in_specs=[pl.BlockSpec((S, K), lambda i: (0, 0))],
        out_specs=[pl.BlockSpec((S, K), lambda i: (0, 0)),
                   pl.BlockSpec((NB, 1), lambda i: (0, 0)),
                   pl.BlockSpec((1, 1), lambda i: (0, 0))],
        out_shape=[jax.ShapeDtypeStruct((S, K), jnp.int32),
                   jax.ShapeDtypeStruct((NB, 1), jnp.int32),
                   jax.ShapeDtypeStruct((1, 1), jnp.int32)])(topi)


def _moe_scatter(h, pos2):
    mesh = plsc.VectorSubcoreMesh(core_axis_name="c", subcore_axis_name="s")

    def body(h_hbm, pos_hbm, xg_hbm, pos_v, rows_v, sem):
        wid = lax.axis_index("s") * 2 + lax.axis_index("c")
        t0 = lax.rem(wid, NSC // K) * JW
        pltpu.sync_copy(pos_hbm.at[wid], pos_v)
        pltpu.sync_copy(h_hbm.at[pl.ds(t0, JW)], rows_v)
        pltpu.async_copy(rows_v, xg_hbm.at[pos_v], sem).wait()

    call = pl.kernel(
        body, mesh=mesh,
        out_type=jax.ShapeDtypeStruct((NBP, D), _F32),
        scratch_types=[pltpu.VMEM((JW,), jnp.int32),
                       pltpu.VMEM((JW, D), _F32),
                       pltpu.SemaphoreType.DMA])
    return call(h, pos2)


def _moe_ffn(xg, w1, b1, w2, b2, be, nb):
    def body(be_s, nb_s, xg_ref, w1_ref, b1_ref, w2_ref, b2_ref, o_ref):
        b = pl.program_id(0)

        @pl.when(b < nb_s[0])
        def _():
            xb = xg_ref[...].astype(_BF)
            hh = jnp.dot(xb, w1_ref[0].astype(_BF),
                         preferred_element_type=_F32) + b1_ref[0]
            act = jax.nn.gelu(hh)
            o_ref[...] = jnp.dot(act.astype(_BF), w2_ref[0].astype(_BF),
                                 preferred_element_type=_F32) + b2_ref[0]

    grid_spec = pltpu.PrefetchScalarGridSpec(
        num_scalar_prefetch=2,
        grid=(NB,),
        in_specs=[
            pl.BlockSpec((BTM, D), lambda b, be, nb: (b, 0)),
            pl.BlockSpec((1, D, F), lambda b, be, nb: (be[b], 0, 0)),
            pl.BlockSpec((1, 1, F), lambda b, be, nb: (be[b], 0, 0)),
            pl.BlockSpec((1, F, D), lambda b, be, nb: (be[b], 0, 0)),
            pl.BlockSpec((1, 1, D), lambda b, be, nb: (be[b], 0, 0)),
        ],
        out_specs=pl.BlockSpec((BTM, D), lambda b, be, nb: (b, 0)),
    )
    return pl.pallas_call(
        body, grid_spec=grid_spec,
        out_shape=jax.ShapeDtypeStruct((NBP, D), _F32),
    )(be, nb, xg, w1, b1, w2, b2)


def _moe_gather(yg, pos2):
    mesh = plsc.VectorSubcoreMesh(core_axis_name="c", subcore_axis_name="s")

    def body(yg_hbm, pos_hbm, yy_hbm, pos_v, rows_v, sem):
        wid = lax.axis_index("s") * 2 + lax.axis_index("c")
        pltpu.sync_copy(pos_hbm.at[wid], pos_v)
        pltpu.async_copy(yg_hbm.at[pos_v], rows_v, sem).wait()
        pltpu.sync_copy(rows_v, yy_hbm.at[pl.ds(wid * JW, JW)])

    call = pl.kernel(
        body, mesh=mesh,
        out_type=jax.ShapeDtypeStruct((K * S, D), _F32),
        scratch_types=[pltpu.VMEM((JW,), jnp.int32),
                       pltpu.VMEM((JW, D), _F32),
                       pltpu.SemaphoreType.DMA])
    return call(yg, pos2)


def _combine_lnf(x1, y0, y1, tg, lng, lnb):
    def body(x1_ref, y0_ref, y1_ref, tg_ref, g_ref, b_ref, o_ref):
        tg = tg_ref[...]
        out = (x1_ref[...] + tg[:, 0:1] * y0_ref[...]
               + tg[:, 1:2] * y1_ref[...])
        o_ref[...] = _ln(out, g_ref[...], b_ref[...]).astype(_BF)

    xspec = pl.BlockSpec((BT, D), lambda t: (t, 0))
    vspec = pl.BlockSpec((1, D), lambda t: (0, 0))
    return pl.pallas_call(
        body, grid=(NT,),
        in_specs=[xspec, xspec, xspec,
                  pl.BlockSpec((BT, K), lambda t: (t, 0)), vspec, vspec],
        out_specs=xspec,
        out_shape=jax.ShapeDtypeStruct((S, D), _BF))(x1, y0, y1, tg,
                                                     lng, lnb)


def _logits(xf, wout):
    def body(x_ref, w_ref, o_ref):
        o_ref[...] = jnp.dot(x_ref[...], w_ref[...].astype(_BF),
                             preferred_element_type=_F32)

    return pl.pallas_call(
        body, grid=(NV,),
        in_specs=[pl.BlockSpec((S, D), lambda i: (0, 0)),
                  pl.BlockSpec((D, BV), lambda i: (0, i))],
        out_specs=pl.BlockSpec((S, BV), lambda i: (0, i)),
        out_shape=jax.ShapeDtypeStruct((S, V), _F32))(xf, wout)


def kernel(input_ids, params):
    p = params
    ids = input_ids.reshape(S).astype(jnp.int32)
    emb = _emb_gather(ids, p['tok_emb'])
    pre = ('add', p['pos_emb'])
    for l in range(L):
        q, k_, v, x = _qkv(emb if l == 0 else x1,
                           p['Wq'][l], p['bq'][l].reshape(1, D),
                           p['Wk'][l], p['bk'][l].reshape(1, D),
                           p['Wv'][l], p['bv'][l].reshape(1, D), pre=pre)
        attn = _attention(q, k_, v)
        x1, h, ti, tg = _oproj_lns(attn, p['Wo'][l],
                                   p['bo'][l].reshape(1, D), x,
                                   p['ln1_g'][l].reshape(1, D),
                                   p['ln1_b'][l].reshape(1, D),
                                   p['ln2_g'][l].reshape(1, D),
                                   p['ln2_b'][l].reshape(1, D),
                                   p['Wr'][l], p['br'][l].reshape(1, E))
        pos, be, nb = _route_meta(ti)
        pos2 = pos.T.reshape(NSC, JW)
        xg = _moe_scatter(h, pos2)
        yg = _moe_ffn(xg, p['W1'][l], p['b1'][l].reshape(E, 1, F),
                      p['W2'][l], p['b2'][l].reshape(E, 1, D),
                      be.reshape(NB), nb.reshape(1))
        yy = _moe_gather(yg, pos2)
        pre = ('combine', yy[:S], yy[S:], tg)
    xf = _combine_lnf(x1, yy[:S], yy[S:], tg,
                      p['lnf_g'].reshape(1, D), p['lnf_b'].reshape(1, D))
    logits = _logits(xf, p['Wout'])
    return logits.reshape(B, S, V)

# --- scband reference (transcript-rebuilt; emitter-appended) ---
"""Pipeline reference for scband-streaming-dwrtransformer-80968723464197 (READ-ONLY COPY).

The authoritative reference and input builder live on the scoring server;
editing this copy changes nothing except your own understanding.
"""

import jax, jax.numpy as jnp
import numpy as np

B, S, D, H, E, K, L, V, F = 1, 2048, 768, 12, 8, 2, 2, 32000, 1536
DH = D // H


def layer_norm(x, g, b, eps=1e-5):
    mu = jnp.mean(x, axis=-1, keepdims=True)
    var = jnp.mean((x - mu) ** 2, axis=-1, keepdims=True)
    return (x - mu) / jnp.sqrt(var + eps) * g + b


def setup_inputs(seed: int = 0) -> dict:
    key = jax.random.key(seed)
    ks = jax.random.split(key, 24)
    s = 0.02
    params = {
        'tok_emb': jax.random.normal(ks[0], (V, D), jnp.float32) * s,
        'pos_emb': jax.random.normal(ks[1], (S, D), jnp.float32) * s,
        'Wq': jax.random.normal(ks[2], (L, D, D), jnp.float32) * s,
        'bq': jnp.zeros((L, D), jnp.float32),
        'Wk': jax.random.normal(ks[3], (L, D, D), jnp.float32) * s,
        'bk': jnp.zeros((L, D), jnp.float32),
        'Wv': jax.random.normal(ks[4], (L, D, D), jnp.float32) * s,
        'bv': jnp.zeros((L, D), jnp.float32),
        'Wo': jax.random.normal(ks[5], (L, D, D), jnp.float32) * s,
        'bo': jnp.zeros((L, D), jnp.float32),
        'ln1_g': jnp.ones((L, D), jnp.float32),
        'ln1_b': jnp.zeros((L, D), jnp.float32),
        'ln2_g': jnp.ones((L, D), jnp.float32),
        'ln2_b': jnp.zeros((L, D), jnp.float32),
        'Wr': jax.random.normal(ks[6], (L, D, E), jnp.float32) * s,
        'br': jnp.zeros((L, E), jnp.float32),
        'W1': jax.random.normal(ks[7], (L, E, D, F), jnp.float32) * s,
        'b1': jnp.zeros((L, E, F), jnp.float32),
        'W2': jax.random.normal(ks[8], (L, E, F, D), jnp.float32) * s,
        'b2': jnp.zeros((L, E, D), jnp.float32),
        'lnf_g': jnp.ones((D,), jnp.float32),
        'lnf_b': jnp.zeros((D,), jnp.float32),
        'Wout': jax.random.normal(ks[9], (D, V), jnp.float32) * s,
    }
    input_ids = jax.random.randint(ks[10], (B, S), 0, V, dtype=jnp.int64)
    return {'input_ids': input_ids, 'params': params}


def _forward(input_ids, p):
    b, s = input_ids.shape
    x = jnp.take(p['tok_emb'], input_ids, axis=0) + p['pos_emb'][:s][None, :, :]
    mask = jnp.triu(jnp.full((s, s), -1e9, jnp.float32), k=1)
    T = b * s
    for l in range(L):
        # multi-head self-attention
        q = (x @ p['Wq'][l] + p['bq'][l]).reshape(b, s, H, DH).transpose(0, 2, 1, 3)
        k_ = (x @ p['Wk'][l] + p['bk'][l]).reshape(b, s, H, DH).transpose(0, 2, 1, 3)
        v = (x @ p['Wv'][l] + p['bv'][l]).reshape(b, s, H, DH).transpose(0, 2, 1, 3)
        scores = jnp.einsum('bhqd,bhkd->bhqk', q, k_) / jnp.sqrt(DH).astype(jnp.float32)
        scores = scores + mask[None, None, :, :]
        w = jax.nn.softmax(scores, axis=-1)
        attn = jnp.einsum('bhqk,bhkd->bhqd', w, v).transpose(0, 2, 1, 3).reshape(b, s, D)
        attn = attn @ p['Wo'][l] + p['bo'][l]
        x = layer_norm(x + attn, p['ln1_g'][l], p['ln1_b'][l])
        # streaming DWR MoE FFN (top-k routing)
        h = layer_norm(x, p['ln2_g'][l], p['ln2_b'][l])
        hf = h.reshape(T, D)
        rl = hf @ p['Wr'][l] + p['br'][l]  # [T, E]
        topv, topi = jax.lax.top_k(rl, K)
        gates = jax.nn.softmax(topv, axis=-1)
        gates_full = jnp.zeros((T, E), jnp.float32).at[jnp.arange(T)[:, None], topi].add(gates)
        moe_out = jnp.zeros((T, D), jnp.float32)
        for e in range(E):
            he = jax.nn.gelu(hf @ p['W1'][l, e] + p['b1'][l, e]) @ p['W2'][l, e] + p['b2'][l, e]
            moe_out = moe_out + gates_full[:, e:e + 1] * he
        x = x + moe_out.reshape(b, s, D)
    x = layer_norm(x, p['lnf_g'], p['lnf_b'])
    logits = x @ p['Wout']
    return logits


def reference(input_ids, params):
    return _forward(input_ids, params)

if __name__ == "__main__":
    import jax
    _d = setup_inputs()
    print(jax.jit(kernel)(*tuple(_d.values())))

</pallas_src>

<mosaic_0001>
#map = affine_map<(d0, d1) -> (0, 0)>
module attributes {stable_mosaic.version = 14 : i64} {
  func.func @body(%arg0: i32, %arg1: i32, %arg2: memref<2048x768xf32, #tpu.memory_space<hbm>>, %arg3: memref<32x128xi32, #tpu.memory_space<hbm>>, %arg4: memref<6144x768xf32, #tpu.memory_space<hbm>>, %arg5: memref<128xi32, #tpu.memory_space<vmem>>, %arg6: memref<128x768xf32, #tpu.memory_space<vmem>>, %arg7: memref<!tpu.dma_semaphore, #tpu.memory_space<semaphore_mem>>) attributes {dimension_semantics = [#tpu.dimension_semantics<core_parallel>, #tpu.dimension_semantics<subcore_parallel>], iteration_bounds = array<i64: 2, 16>, scalar_prefetch = 0 : i64, scratch_operands = 3 : i64, tpu.core_type = #tpu.core_type<sc_vector_subcore>, window_params = [{transform_indices = #map}, {transform_indices = #map}, {transform_indices = #map}]} {
    %mul3A = arith.constant 2 : i32
    %mul3A_0 = arith.muli %arg1, %mul3A : i32
    %add3A = arith.addi %mul3A_0, %arg0 : i32
    %rem3A = arith.constant 16 : i32
    %rem3A_1 = arith.remsi %add3A, %rem3A : i32
    %mul3A_2 = arith.constant 128 : i32
    %mul3A_3 = arith.muli %rem3A_1, %mul3A_2 : i32
    "tpu.region"() ({
      %run_scoped3A = tpu.sem_alloc : memref<!tpu.dma_semaphore, #tpu.memory_space<semaphore_mem>>
      %dma_start3A_8 = arith.constant 0 : i32
      %dma_start3A_9 = tpu.memref_slice %arg3[%add3A, %dma_start3A_8] : memref<32x128xi32, #tpu.memory_space<hbm>> -> memref<1x128xi32, #tpu.memory_space<hbm>>
      %dma_start3A_10 = tpu.memref_squeeze %dma_start3A_9 : memref<1x128xi32, #tpu.memory_space<hbm>> -> memref<128xi32, #tpu.memory_space<hbm>>
      %dma_start3A_11 = arith.constant 0 : i32
      %dma_start3A_12 = tpu.memref_slice %arg3[%add3A, %dma_start3A_11] : memref<32x128xi32, #tpu.memory_space<hbm>> -> memref<1x128xi32, #tpu.memory_space<hbm>>
      %dma_start3A_13 = tpu.memref_squeeze %dma_start3A_12 : memref<1x128xi32, #tpu.memory_space<hbm>> -> memref<128xi32, #tpu.memory_space<hbm>>
      tpu.enqueue_dma source(%dma_start3A_13 : memref<128xi32, #tpu.memory_space<hbm>>) target(%arg5 : memref<128xi32, #tpu.memory_space<vmem>>) target_semaphore(%run_scoped3A : memref<!tpu.dma_semaphore, #tpu.memory_space<semaphore_mem>>)
      %dma_wait3A_14 = arith.constant 0 : i32
      %dma_wait3A_15 = tpu.memref_slice %arg3[%add3A, %dma_wait3A_14] : memref<32x128xi32, #tpu.memory_space<hbm>> -> memref<1x128xi32, #tpu.memory_space<hbm>>
      %dma_wait3A_16 = tpu.memref_squeeze %dma_wait3A_15 : memref<1x128xi32, #tpu.memory_space<hbm>> -> memref<128xi32, #tpu.memory_space<hbm>>
      %dma_wait3A_17 = arith.constant 0 : i32
      %dma_wait3A_18 = tpu.memref_slice %arg3[%add3A, %dma_wait3A_17] : memref<32x128xi32, #tpu.memory_space<hbm>> -> memref<1x128xi32, #tpu.memory_space<hbm>>
      %dma_wait3A_19 = tpu.memref_squeeze %dma_wait3A_18 : memref<1x128xi32, #tpu.memory_space<hbm>> -> memref<128xi32, #tpu.memory_space<hbm>>
      tpu.wait_dma2 semaphore(%run_scoped3A : memref<!tpu.dma_semaphore, #tpu.memory_space<semaphore_mem>>) src(%dma_wait3A_19 : memref<128xi32, #tpu.memory_space<hbm>>) dst(%arg5 : memref<128xi32, #tpu.memory_space<vmem>>)
      tpu.yield
    }) : () -> ()
    "tpu.region"() ({
      %run_scoped3A = tpu.sem_alloc : memref<!tpu.dma_semaphore, #tpu.memory_space<semaphore_mem>>
      %dma_start3A_8 = arith.constant 0 : i32
      %dma_start3A_9 = tpu.memref_slice %arg2[%mul3A_3, %dma_start3A_8] : memref<2048x768xf32, #tpu.memory_space<hbm>> -> memref<128x768xf32, #tpu.memory_space<hbm>>
      %dma_start3A_10 = arith.constant 0 : i32
      %dma_start3A_11 = tpu.memref_slice %arg2[%mul3A_3, %dma_start3A_10] : memref<2048x768xf32, #tpu.memory_space<hbm>> -> memref<128x768xf32, #tpu.memory_space<hbm>>
      tpu.enqueue_dma source(%dma_start3A_11 : memref<128x768xf32, #tpu.memory_space<hbm>>) target(%arg6 : memref<128x768xf32, #tpu.memory_space<vmem>>) target_semaphore(%run_scoped3A : memref<!tpu.dma_semaphore, #tpu.memory_space<semaphore_mem>>)
      %dma_wait3A_12 = arith.constant 0 : i32
      %dma_wait3A_13 = tpu.memref_slice %arg2[%mul3A_3, %dma_wait3A_12] : memref<2048x768xf32, #tpu.memory_space<hbm>> -> memref<128x768xf32, #tpu.memory_space<hbm>>
      %dma_wait3A_14 = arith.constant 0 : i32
      %dma_wait3A_15 = tpu.memref_slice %arg2[%mul3A_3, %dma_wait3A_14] : memref<2048x768xf32, #tpu.memory_space<hbm>> -> memref<128x768xf32, #tpu.memory_space<hbm>>
      tpu.wait_dma2 semaphore(%run_scoped3A : memref<!tpu.dma_semaphore, #tpu.memory_space<semaphore_mem>>) src(%dma_wait3A_15 : memref<128x768xf32, #tpu.memory_space<hbm>>) dst(%arg6 : memref<128x768xf32, #tpu.memory_space<vmem>>)
      tpu.yield
    }) : () -> ()
    %dma_start3A = arith.constant 0 : i32
    %dma_start3A_4 = arith.constant 0 : i32
    %dma_start3A_5 = tpu.memref_slice %arg4[%dma_start3A, %dma_start3A_4] : memref<6144x768xf32, #tpu.memory_space<hbm>> -> memref<6144x768xf32, #tpu.memory_space<hbm>>
    tpu.enqueue_indirect_dma source(%arg6 : memref<128x768xf32, #tpu.memory_space<vmem>>) target(%dma_start3A_5 : memref<6144x768xf32, #tpu.memory_space<hbm>>) offsets(%arg5 : memref<128xi32, #tpu.memory_space<vmem>>) semaphore(%arg7 : memref<!tpu.dma_semaphore, #tpu.memory_space<semaphore_mem>>)
    %dma_wait3A = arith.constant 0 : i32
    %dma_wait3A_6 = arith.constant 0 : i32
    %dma_wait3A_7 = tpu.memref_slice %arg4[%dma_wait3A, %dma_wait3A_6] : memref<6144x768xf32, #tpu.memory_space<hbm>> -> memref<6144x768xf32, #tpu.memory_space<hbm>>
    tpu.wait_indirect_dma semaphore(%arg7 : memref<!tpu.dma_semaphore, #tpu.memory_space<semaphore_mem>>) src(%arg6 : memref<128x768xf32, #tpu.memory_space<vmem>>) dst(%dma_wait3A_7 : memref<6144x768xf32, #tpu.memory_space<hbm>>)
    return
  }
}

#map = affine_map<(d0, d1) -> (0, 0)>
module attributes {stable_mosaic.version = 14 : i64} {
  func.func @body(%arg0: i32, %arg1: i32, %arg2: memref<6144x768xf32, #tpu.memory_space<hbm>>, %arg3: memref<32x128xi32, #tpu.memory_space<hbm>>, %arg4: memref<4096x768xf32, #tpu.memory_space<hbm>>, %arg5: memref<128xi32, #tpu.memory_space<vmem>>, %arg6: memref<128x768xf32, #tpu.memory_space<vmem>>, %arg7: memref<!tpu.dma_semaphore, #tpu.memory_space<semaphore_mem>>) attributes {dimension_semantics = [#tpu.dimension_semantics<core_parallel>, #tpu.dimension_semantics<subcore_parallel>], iteration_bounds = array<i64: 2, 16>, scalar_prefetch = 0 : i64, scratch_operands = 3 : i64, tpu.core_type = #tpu.core_type<sc_vector_subcore>, window_params = [{transform_indices = #map}, {transform_indices = #map}, {transform_indices = #map}]} {
    %mul3A = arith.constant 2 : i32
    %mul3A_0 = arith.muli %arg1, %mul3A : i32
    %add3A = arith.addi %mul3A_0, %arg0 : i32
    "tpu.region"() ({
      %run_scoped3A = tpu.sem_alloc : memref<!tpu.dma_semaphore, #tpu.memory_space<semaphore_mem>>
      %dma_start3A_7 = arith.constant 0 : i32
      %dma_start3A_8 = tpu.memref_slice %arg3[%add3A, %dma_start3A_7] : memref<32x128xi32, #tpu.memory_space<hbm>> -> memref<1x128xi32, #tpu.memory_space<hbm>>
      %dma_start3A_9 = tpu.memref_squeeze %dma_start3A_8 : memref<1x128xi32, #tpu.memory_space<hbm>> -> memref<128xi32, #tpu.memory_space<hbm>>
      %dma_start3A_10 = arith.constant 0 : i32
      %dma_start3A_11 = tpu.memref_slice %arg3[%add3A, %dma_start3A_10] : memref<32x128xi32, #tpu.memory_space<hbm>> -> memref<1x128xi32, #tpu.memory_space<hbm>>
      %dma_start3A_12 = tpu.memref_squeeze %dma_start3A_11 : memref<1x128xi32, #tpu.memory_space<hbm>> -> memref<128xi32, #tpu.memory_space<hbm>>
      tpu.enqueue_dma source(%dma_start3A_12 : memref<128xi32, #tpu.memory_space<hbm>>) target(%arg5 : memref<128xi32, #tpu.memory_space<vmem>>) target_semaphore(%run_scoped3A : memref<!tpu.dma_semaphore, #tpu.memory_space<semaphore_mem>>)
      %dma_wait3A_13 = arith.constant 0 : i32
      %dma_wait3A_14 = tpu.memref_slice %arg3[%add3A, %dma_wait3A_13] : memref<32x128xi32, #tpu.memory_space<hbm>> -> memref<1x128xi32, #tpu.memory_space<hbm>>
      %dma_wait3A_15 = tpu.memref_squeeze %dma_wait3A_14 : memref<1x128xi32, #tpu.memory_space<hbm>> -> memref<128xi32, #tpu.memory_space<hbm>>
      %dma_wait3A_16 = arith.constant 0 : i32
      %dma_wait3A_17 = tpu.memref_slice %arg3[%add3A, %dma_wait3A_16] : memref<32x128xi32, #tpu.memory_space<hbm>> -> memref<1x128xi32, #tpu.memory_space<hbm>>
      %dma_wait3A_18 = tpu.memref_squeeze %dma_wait3A_17 : memref<1x128xi32, #tpu.memory_space<hbm>> -> memref<128xi32, #tpu.memory_space<hbm>>
      tpu.wait_dma2 semaphore(%run_scoped3A : memref<!tpu.dma_semaphore, #tpu.memory_space<semaphore_mem>>) src(%dma_wait3A_18 : memref<128xi32, #tpu.memory_space<hbm>>) dst(%arg5 : memref<128xi32, #tpu.memory_space<vmem>>)
      tpu.yield
    }) : () -> ()
    %dma_start3A = arith.constant 0 : i32
    %dma_start3A_1 = arith.constant 0 : i32
    %dma_start3A_2 = tpu.memref_slice %arg2[%dma_start3A, %dma_start3A_1] : memref<6144x768xf32, #tpu.memory_space<hbm>> -> memref<6144x768xf32, #tpu.memory_space<hbm>>
    tpu.enqueue_indirect_dma source(%dma_start3A_2 : memref<6144x768xf32, #tpu.memory_space<hbm>>) target(%arg6 : memref<128x768xf32, #tpu.memory_space<vmem>>) offsets(%arg5 : memref<128xi32, #tpu.memory_space<vmem>>) semaphore(%arg7 : memref<!tpu.dma_semaphore, #tpu.memory_space<semaphore_mem>>)
    %dma_wait3A = arith.constant 0 : i32
    %dma_wait3A_3 = arith.constant 0 : i32
    %dma_wait3A_4 = tpu.memref_slice %arg2[%dma_wait3A, %dma_wait3A_3] : memref<6144x768xf32, #tpu.memory_space<hbm>> -> memref<6144x768xf32, #tpu.memory_space<hbm>>
    tpu.wait_indirect_dma semaphore(%arg7 : memref<!tpu.dma_semaphore, #tpu.memory_space<semaphore_mem>>) src(%dma_wait3A_4 : memref<6144x768xf32, #tpu.memory_space<hbm>>) dst(%arg6 : memref<128x768xf32, #tpu.memory_space<vmem>>)
    %mul3A_5 = arith.constant 128 : i32
    %mul3A_6 = arith.muli %add3A, %mul3A_5 : i32
    "tpu.region"() ({
      %run_scoped3A = tpu.sem_alloc : memref<!tpu.dma_semaphore, #tpu.memory_space<semaphore_mem>>
      %dma_start3A_7 = arith.constant 0 : i32
      %dma_start3A_8 = tpu.memref_slice %arg4[%mul3A_6, %dma_start3A_7] : memref<4096x768xf32, #tpu.memory_space<hbm>> -> memref<128x768xf32, #tpu.memory_space<hbm>>
      %dma_start3A_9 = arith.constant 0 : i32
      %dma_start3A_10 = tpu.memref_slice %arg4[%mul3A_6, %dma_start3A_9] : memref<4096x768xf32, #tpu.memory_space<hbm>> -> memref<128x768xf32, #tpu.memory_space<hbm>>
      tpu.enqueue_dma source(%arg6 : memref<128x768xf32, #tpu.memory_space<vmem>>) target(%dma_start3A_10 : memref<128x768xf32, #tpu.memory_space<hbm>>) target_semaphore(%run_scoped3A : memref<!tpu.dma_semaphore, #tpu.memory_space<semaphore_mem>>)
      %dma_wait3A_11 = arith.constant 0 : i32
      %dma_wait3A_12 = tpu.memref_slice %arg4[%mul3A_6, %dma_wait3A_11] : memref<4096x768xf32, #tpu.memory_space<hbm>> -> memref<128x768xf32, #tpu.memory_space<hbm>>
      %dma_wait3A_13 = arith.constant 0 : i32
      %dma_wait3A_14 = tpu.memref_slice %arg4[%mul3A_6, %dma_wait3A_13] : memref<4096x768xf32, #tpu.memory_space<hbm>> -> memref<128x768xf32, #tpu.memory_space<hbm>>
      tpu.wait_dma2 semaphore(%run_scoped3A : memref<!tpu.dma_semaphore, #tpu.memory_space<semaphore_mem>>) src(%arg6 : memref<128x768xf32, #tpu.memory_space<vmem>>) dst(%dma_wait3A_14 : memref<128x768xf32, #tpu.memory_space<hbm>>)
      tpu.yield
    }) : () -> ()
    return
  }
}

#map = affine_map<(d0, d1) -> (0, 0)>
module attributes {stable_mosaic.version = 14 : i64} {
  func.func @body(%arg0: i32, %arg1: i32, %arg2: memref<2048x768xf32, #tpu.memory_space<hbm>>, %arg3: memref<32x128xi32, #tpu.memory_space<hbm>>, %arg4: memref<6144x768xf32, #tpu.memory_space<hbm>>, %arg5: memref<128xi32, #tpu.memory_space<vmem>>, %arg6: memref<128x768xf32, #tpu.memory_space<vmem>>, %arg7: memref<!tpu.dma_semaphore, #tpu.memory_space<semaphore_mem>>) attributes {dimension_semantics = [#tpu.dimension_semantics<core_parallel>, #tpu.dimension_semantics<subcore_parallel>], iteration_bounds = array<i64: 2, 16>, scalar_prefetch = 0 : i64, scratch_operands = 3 : i64, tpu.core_type = #tpu.core_type<sc_vector_subcore>, window_params = [{transform_indices = #map}, {transform_indices = #map}, {transform_indices = #map}]} {
    %mul3A = arith.constant 2 : i32
    %mul3A_0 = arith.muli %arg1, %mul3A : i32
    %add3A = arith.addi %mul3A_0, %arg0 : i32
    %rem3A = arith.constant 16 : i32
    %rem3A_1 = arith.remsi %add3A, %rem3A : i32
    %mul3A_2 = arith.constant 128 : i32
    %mul3A_3 = arith.muli %rem3A_1, %mul3A_2 : i32
    "tpu.region"() ({
      %run_scoped3A = tpu.sem_alloc : memref<!tpu.dma_semaphore, #tpu.memory_space<semaphore_mem>>
      %dma_start3A_8 = arith.constant 0 : i32
      %dma_start3A_9 = tpu.memref_slice %arg3[%add3A, %dma_start3A_8] : memref<32x128xi32, #tpu.memory_space<hbm>> -> memref<1x128xi32, #tpu.memory_space<hbm>>
      %dma_start3A_10 = tpu.memref_squeeze %dma_start3A_9 : memref<1x128xi32, #tpu.memory_space<hbm>> -> memref<128xi32, #tpu.memory_space<hbm>>
      %dma_start3A_11 = arith.constant 0 : i32
      %dma_start3A_12 = tpu.memref_slice %arg3[%add3A, %dma_start3A_11] : memref<32x128xi32, #tpu.memory_space<hbm>> -> memref<1x128xi32, #tpu.memory_space<hbm>>
      %dma_start3A_13 = tpu.memref_squeeze %dma_start3A_12 : memref<1x128xi32, #tpu.memory_space<hbm>> -> memref<128xi32, #tpu.memory_space<hbm>>
      tpu.enqueue_dma source(%dma_start3A_13 : memref<128xi32, #tpu.memory_space<hbm>>) target(%arg5 : memref<128xi32, #tpu.memory_space<vmem>>) target_semaphore(%run_scoped3A : memref<!tpu.dma_semaphore, #tpu.memory_space<semaphore_mem>>)
      %dma_wait3A_14 = arith.constant 0 : i32
      %dma_wait3A_15 = tpu.memref_slice %arg3[%add3A, %dma_wait3A_14] : memref<32x128xi32, #tpu.memory_space<hbm>> -> memref<1x128xi32, #tpu.memory_space<hbm>>
      %dma_wait3A_16 = tpu.memref_squeeze %dma_wait3A_15 : memref<1x128xi32, #tpu.memory_space<hbm>> -> memref<128xi32, #tpu.memory_space<hbm>>
      %dma_wait3A_17 = arith.constant 0 : i32
      %dma_wait3A_18 = tpu.memref_slice %arg3[%add3A, %dma_wait3A_17] : memref<32x128xi32, #tpu.memory_space<hbm>> -> memref<1x128xi32, #tpu.memory_space<hbm>>
      %dma_wait3A_19 = tpu.memref_squeeze %dma_wait3A_18 : memref<1x128xi32, #tpu.memory_space<hbm>> -> memref<128xi32, #tpu.memory_space<hbm>>
      tpu.wait_dma2 semaphore(%run_scoped3A : memref<!tpu.dma_semaphore, #tpu.memory_space<semaphore_mem>>) src(%dma_wait3A_19 : memref<128xi32, #tpu.memory_space<hbm>>) dst(%arg5 : memref<128xi32, #tpu.memory_space<vmem>>)
      tpu.yield
    }) : () -> ()
    "tpu.region"() ({
      %run_scoped3A = tpu.sem_alloc : memref<!tpu.dma_semaphore, #tpu.memory_space<semaphore_mem>>
      %dma_start3A_8 = arith.constant 0 : i32
      %dma_start3A_9 = tpu.memref_slice %arg2[%mul3A_3, %dma_start3A_8] : memref<2048x768xf32, #tpu.memory_space<hbm>> -> memref<128x768xf32, #tpu.memory_space<hbm>>
      %dma_start3A_10 = arith.constant 0 : i32
      %dma_start3A_11 = tpu.memref_slice %arg2[%mul3A_3, %dma_start3A_10] : memref<2048x768xf32, #tpu.memory_space<hbm>> -> memref<128x768xf32, #tpu.memory_space<hbm>>
      tpu.enqueue_dma source(%dma_start3A_11 : memref<128x768xf32, #tpu.memory_space<hbm>>) target(%arg6 : memref<128x768xf32, #tpu.memory_space<vmem>>) target_semaphore(%run_scoped3A : memref<!tpu.dma_semaphore, #tpu.memory_space<semaphore_mem>>)
      %dma_wait3A_12 = arith.constant 0 : i32
      %dma_wait3A_13 = tpu.memref_slice %arg2[%mul3A_3, %dma_wait3A_12] : memref<2048x768xf32, #tpu.memory_space<hbm>> -> memref<128x768xf32, #tpu.memory_space<hbm>>
      %dma_wait3A_14 = arith.constant 0 : i32
      %dma_wait3A_15 = tpu.memref_slice %arg2[%mul3A_3, %dma_wait3A_14] : memref<2048x768xf32, #tpu.memory_space<hbm>> -> memref<128x768xf32, #tpu.memory_space<hbm>>
      tpu.wait_dma2 semaphore(%run_scoped3A : memref<!tpu.dma_semaphore, #tpu.memory_space<semaphore_mem>>) src(%dma_wait3A_15 : memref<128x768xf32, #tpu.memory_space<hbm>>) dst(%arg6 : memref<128x768xf32, #tpu.memory_space<vmem>>)
      tpu.yield
    }) : () -> ()
    %dma_start3A = arith.constant 0 : i32
    %dma_start3A_4 = arith.constant 0 : i32
    %dma_start3A_5 = tpu.memref_slice %arg4[%dma_start3A, %dma_start3A_4] : memref<6144x768xf32, #tpu.memory_space<hbm>> -> memref<6144x768xf32, #tpu.memory_space<hbm>>
    tpu.enqueue_indirect_dma source(%arg6 : memref<128x768xf32, #tpu.memory_space<vmem>>) target(%dma_start3A_5 : memref<6144x768xf32, #tpu.memory_space<hbm>>) offsets(%arg5 : memref<128xi32, #tpu.memory_space<vmem>>) semaphore(%arg7 : memref<!tpu.dma_semaphore, #tpu.memory_space<semaphore_mem>>)
    %dma_wait3A = arith.constant 0 : i32
    %dma_wait3A_6 = arith.constant 0 : i32
    %dma_wait3A_7 = tpu.memref_slice %arg4[%dma_wait3A, %dma_wait3A_6] : memref<6144x768xf32, #tpu.memory_space<hbm>> -> memref<6144x768xf32, #tpu.memory_space<hbm>>
    tpu.wait_indirect_dma semaphore(%arg7 : memref<!tpu.dma_semaphore, #tpu.memory_space<semaphore_mem>>) src(%arg6 : memref<128x768xf32, #tpu.memory_space<vmem>>) dst(%dma_wait3A_7 : memref<6144x768xf32, #tpu.memory_space<hbm>>)
    return
  }
}

#map = affine_map<(d0, d1) -> (0)>
#map1 = affine_map<(d0, d1) -> (0, 0)>
module attributes {stable_mosaic.version = 14 : i64} {
  func.func @body(%arg0: i32, %arg1: i32, %arg2: memref<2048xi32, #tpu.memory_space<hbm>>, %arg3: memref<32000x768xf32, #tpu.memory_space<hbm>>, %arg4: memref<2048x768xf32, #tpu.memory_space<hbm>>, %arg5: memref<64xi32, #tpu.memory_space<vmem>>, %arg6: memref<64x768xf32, #tpu.memory_space<vmem>>, %arg7: memref<!tpu.dma_semaphore, #tpu.memory_space<semaphore_mem>>) attributes {dimension_semantics = [#tpu.dimension_semantics<core_parallel>, #tpu.dimension_semantics<subcore_parallel>], iteration_bounds = array<i64: 2, 16>, scalar_prefetch = 0 : i64, scratch_operands = 3 : i64, tpu.core_type = #tpu.core_type<sc_vector_subcore>, window_params = [{transform_indices = #map}, {transform_indices = #map1}, {transform_indices = #map1}]} {
    %mul3A = arith.constant 2 : i32
    %mul3A_0 = arith.muli %arg1, %mul3A : i32
    %add3A = arith.addi %mul3A_0, %arg0 : i32
    %mul3A_1 = arith.constant 64 : i32
    %mul3A_2 = arith.muli %add3A, %mul3A_1 : i32
    "tpu.region"() ({
      %run_scoped3A = tpu.sem_alloc : memref<!tpu.dma_semaphore, #tpu.memory_space<semaphore_mem>>
      %dma_start3A_7 = tpu.memref_slice %arg2[%mul3A_2] : memref<2048xi32, #tpu.memory_space<hbm>> -> memref<64xi32, #tpu.memory_space<hbm>>
      %dma_start3A_8 = tpu.memref_slice %arg2[%mul3A_2] : memref<2048xi32, #tpu.memory_space<hbm>> -> memref<64xi32, #tpu.memory_space<hbm>>
      tpu.enqueue_dma source(%dma_start3A_8 : memref<64xi32, #tpu.memory_space<hbm>>) target(%arg5 : memref<64xi32, #tpu.memory_space<vmem>>) target_semaphore(%run_scoped3A : memref<!tpu.dma_semaphore, #tpu.memory_space<semaphore_mem>>)
      %dma_wait3A_9 = tpu.memref_slice %arg2[%mul3A_2] : memref<2048xi32, #tpu.memory_space<hbm>> -> memref<64xi32, #tpu.memory_space<hbm>>
      %dma_wait3A_10 = tpu.memref_slice %arg2[%mul3A_2] : memref<2048xi32, #tpu.memory_space<hbm>> -> memref<64xi32, #tpu.memory_space<hbm>>
      tpu.wait_dma2 semaphore(%run_scoped3A : memref<!tpu.dma_semaphore, #tpu.memory_space<semaphore_mem>>) src(%dma_wait3A_10 : memref<64xi32, #tpu.memory_space<hbm>>) dst(%arg5 : memref<64xi32, #tpu.memory_space<vmem>>)
      tpu.yield
    }) : () -> ()
    %dma_start3A = arith.constant 0 : i32
    %dma_start3A_3 = arith.constant 0 : i32
    %dma_start3A_4 = tpu.memref_slice %arg3[%dma_start3A, %dma_start3A_3] : memref<32000x768xf32, #tpu.memory_space<hbm>> -> memref<32000x768xf32, #tpu.memory_space<hbm>>
    tpu.enqueue_indirect_dma source(%dma_start3A_4 : memref<32000x768xf32, #tpu.memory_space<hbm>>) target(%arg6 : memref<64x768xf32, #tpu.memory_space<vmem>>) offsets(%arg5 : memref<64xi32, #tpu.memory_space<vmem>>) semaphore(%arg7 : memref<!tpu.dma_semaphore, #tpu.memory_space<semaphore_mem>>)
    %dma_wait3A = arith.constant 0 : i32
    %dma_wait3A_5 = arith.constant 0 : i32
    %dma_wait3A_6 = tpu.memref_slice %arg3[%dma_wait3A, %dma_wait3A_5] : memref<32000x768xf32, #tpu.memory_space<hbm>> -> memref<32000x768xf32, #tpu.memory_space<hbm>>
    tpu.wait_indirect_dma semaphore(%arg7 : memref<!tpu.dma_semaphore, #tpu.memory_space<semaphore_mem>>) src(%dma_wait3A_6 : memref<32000x768xf32, #tpu.memory_space<hbm>>) dst(%arg6 : memref<64x768xf32, #tpu.memory_space<vmem>>)
    "tpu.region"() ({
      %run_scoped3A = tpu.sem_alloc : memref<!tpu.dma_semaphore, #tpu.memory_space<semaphore_mem>>
      %dma_start3A_7 = arith.constant 0 : i32
      %dma_start3A_8 = tpu.memref_slice %arg4[%mul3A_2, %dma_start3A_7] : memref<2048x768xf32, #tpu.memory_space<hbm>> -> memref<64x768xf32, #tpu.memory_space<hbm>>
      %dma_start3A_9 = arith.constant 0 : i32
      %dma_start3A_10 = tpu.memref_slice %arg4[%mul3A_2, %dma_start3A_9] : memref<2048x768xf32, #tpu.memory_space<hbm>> -> memref<64x768xf32, #tpu.memory_space<hbm>>
      tpu.enqueue_dma source(%arg6 : memref<64x768xf32, #tpu.memory_space<vmem>>) target(%dma_start3A_10 : memref<64x768xf32, #tpu.memory_space<hbm>>) target_semaphore(%run_scoped3A : memref<!tpu.dma_semaphore, #tpu.memory_space<semaphore_mem>>)
      %dma_wait3A_11 = arith.constant 0 : i32
      %dma_wait3A_12 = tpu.memref_slice %arg4[%mul3A_2, %dma_wait3A_11] : memref<2048x768xf32, #tpu.memory_space<hbm>> -> memref<64x768xf32, #tpu.memory_space<hbm>>
      %dma_wait3A_13 = arith.constant 0 : i32
      %dma_wait3A_14 = tpu.memref_slice %arg4[%mul3A_2, %dma_wait3A_13] : memref<2048x768xf32, #tpu.memory_space<hbm>> -> memref<64x768xf32, #tpu.memory_space<hbm>>
      tpu.wait_dma2 semaphore(%run_scoped3A : memref<!tpu.dma_semaphore, #tpu.memory_space<semaphore_mem>>) src(%arg6 : memref<64x768xf32, #tpu.memory_space<vmem>>) dst(%dma_wait3A_14 : memref<64x768xf32, #tpu.memory_space<hbm>>)
      tpu.yield
    }) : () -> ()
    return
  }
}

#map = affine_map<(d0, d1) -> (0, 0)>
module attributes {stable_mosaic.version = 14 : i64} {
  func.func @body(%arg0: i32, %arg1: i32, %arg2: memref<6144x768xf32, #tpu.memory_space<hbm>>, %arg3: memref<32x128xi32, #tpu.memory_space<hbm>>, %arg4: memref<4096x768xf32, #tpu.memory_space<hbm>>, %arg5: memref<128xi32, #tpu.memory_space<vmem>>, %arg6: memref<128x768xf32, #tpu.memory_space<vmem>>, %arg7: memref<!tpu.dma_semaphore, #tpu.memory_space<semaphore_mem>>) attributes {dimension_semantics = [#tpu.dimension_semantics<core_parallel>, #tpu.dimension_semantics<subcore_parallel>], iteration_bounds = array<i64: 2, 16>, scalar_prefetch = 0 : i64, scratch_operands = 3 : i64, tpu.core_type = #tpu.core_type<sc_vector_subcore>, window_params = [{transform_indices = #map}, {transform_indices = #map}, {transform_indices = #map}]} {
    %mul3A = arith.constant 2 : i32
    %mul3A_0 = arith.muli %arg1, %mul3A : i32
    %add3A = arith.addi %mul3A_0, %arg0 : i32
    "tpu.region"() ({
      %run_scoped3A = tpu.sem_alloc : memref<!tpu.dma_semaphore, #tpu.memory_space<semaphore_mem>>
      %dma_start3A_7 = arith.constant 0 : i32
      %dma_start3A_8 = tpu.memref_slice %arg3[%add3A, %dma_start3A_7] : memref<32x128xi32, #tpu.memory_space<hbm>> -> memref<1x128xi32, #tpu.memory_space<hbm>>
      %dma_start3A_9 = tpu.memref_squeeze %dma_start3A_8 : memref<1x128xi32, #tpu.memory_space<hbm>> -> memref<128xi32, #tpu.memory_space<hbm>>
      %dma_start3A_10 = arith.constant 0 : i32
      %dma_start3A_11 = tpu.memref_slice %arg3[%add3A, %dma_start3A_10] : memref<32x128xi32, #tpu.memory_space<hbm>> -> memref<1x128xi32, #tpu.memory_space<hbm>>
      %dma_start3A_12 = tpu.memref_squeeze %dma_start3A_11 : memref<1x128xi32, #tpu.memory_space<hbm>> -> memref<128xi32, #tpu.memory_space<hbm>>
      tpu.enqueue_dma source(%dma_start3A_12 : memref<128xi32, #tpu.memory_space<hbm>>) target(%arg5 : memref<128xi32, #tpu.memory_space<vmem>>) target_semaphore(%run_scoped3A : memref<!tpu.dma_semaphore, #tpu.memory_space<semaphore_mem>>)
      %dma_wait3A_13 = arith.constant 0 : i32
      %dma_wait3A_14 = tpu.memref_slice %arg3[%add3A, %dma_wait3A_13] : memref<32x128xi32, #tpu.memory_space<hbm>> -> memref<1x128xi32, #tpu.memory_space<hbm>>
      %dma_wait3A_15 = tpu.memref_squeeze %dma_wait3A_14 : memref<1x128xi32, #tpu.memory_space<hbm>> -> memref<128xi32, #tpu.memory_space<hbm>>
      %dma_wait3A_16 = arith.constant 0 : i32
      %dma_wait3A_17 = tpu.memref_slice %arg3[%add3A, %dma_wait3A_16] : memref<32x128xi32, #tpu.memory_space<hbm>> -> memref<1x128xi32, #tpu.memory_space<hbm>>
      %dma_wait3A_18 = tpu.memref_squeeze %dma_wait3A_17 : memref<1x128xi32, #tpu.memory_space<hbm>> -> memref<128xi32, #tpu.memory_space<hbm>>
      tpu.wait_dma2 semaphore(%run_scoped3A : memref<!tpu.dma_semaphore, #tpu.memory_space<semaphore_mem>>) src(%dma_wait3A_18 : memref<128xi32, #tpu.memory_space<hbm>>) dst(%arg5 : memref<128xi32, #tpu.memory_space<vmem>>)
      tpu.yield
    }) : () -> ()
    %dma_start3A = arith.constant 0 : i32
    %dma_start3A_1 = arith.constant 0 : i32
    %dma_start3A_2 = tpu.memref_slice %arg2[%dma_start3A, %dma_start3A_1] : memref<6144x768xf32, #tpu.memory_space<hbm>> -> memref<6144x768xf32, #tpu.memory_space<hbm>>
    tpu.enqueue_indirect_dma source(%dma_start3A_2 : memref<6144x768xf32, #tpu.memory_space<hbm>>) target(%arg6 : memref<128x768xf32, #tpu.memory_space<vmem>>) offsets(%arg5 : memref<128xi32, #tpu.memory_space<vmem>>) semaphore(%arg7 : memref<!tpu.dma_semaphore, #tpu.memory_space<semaphore_mem>>)
    %dma_wait3A = arith.constant 0 : i32
    %dma_wait3A_3 = arith.constant 0 : i32
    %dma_wait3A_4 = tpu.memref_slice %arg2[%dma_wait3A, %dma_wait3A_3] : memref<6144x768xf32, #tpu.memory_space<hbm>> -> memref<6144x768xf32, #tpu.memory_space<hbm>>
    tpu.wait_indirect_dma semaphore(%arg7 : memref<!tpu.dma_semaphore, #tpu.memory_space<semaphore_mem>>) src(%dma_wait3A_4 : memref<6144x768xf32, #tpu.memory_space<hbm>>) dst(%arg6 : memref<128x768xf32, #tpu.memory_space<vmem>>)
    %mul3A_5 = arith.constant 128 : i32
    %mul3A_6 = arith.muli %add3A, %mul3A_5 : i32
    "tpu.region"() ({
      %run_scoped3A = tpu.sem_alloc : memref<!tpu.dma_semaphore, #tpu.memory_space<semaphore_mem>>
      %dma_start3A_7 = arith.constant 0 : i32
      %dma_start3A_8 = tpu.memref_slice %arg4[%mul3A_6, %dma_start3A_7] : memref<4096x768xf32, #tpu.memory_space<hbm>> -> memref<128x768xf32, #tpu.memory_space<hbm>>
      %dma_start3A_9 = arith.constant 0 : i32
      %dma_start3A_10 = tpu.memref_slice %arg4[%mul3A_6, %dma_start3A_9] : memref<4096x768xf32, #tpu.memory_space<hbm>> -> memref<128x768xf32, #tpu.memory_space<hbm>>
      tpu.enqueue_dma source(%arg6 : memref<128x768xf32, #tpu.memory_space<vmem>>) target(%dma_start3A_10 : memref<128x768xf32, #tpu.memory_space<hbm>>) target_semaphore(%run_scoped3A : memref<!tpu.dma_semaphore, #tpu.memory_space<semaphore_mem>>)
      %dma_wait3A_11 = arith.constant 0 : i32
      %dma_wait3A_12 = tpu.memref_slice %arg4[%mul3A_6, %dma_wait3A_11] : memref<4096x768xf32, #tpu.memory_space<hbm>> -> memref<128x768xf32, #tpu.memory_space<hbm>>
      %dma_wait3A_13 = arith.constant 0 : i32
      %dma_wait3A_14 = tpu.memref_slice %arg4[%mul3A_6, %dma_wait3A_13] : memref<4096x768xf32, #tpu.memory_space<hbm>> -> memref<128x768xf32, #tpu.memory_space<hbm>>
      tpu.wait_dma2 semaphore(%run_scoped3A : memref<!tpu.dma_semaphore, #tpu.memory_space<semaphore_mem>>) src(%arg6 : memref<128x768xf32, #tpu.memory_space<vmem>>) dst(%dma_wait3A_14 : memref<128x768xf32, #tpu.memory_space<hbm>>)
      tpu.yield
    }) : () -> ()
    return
  }
}

module attributes {stable_mosaic.version = 14 : i64} {
  func.func @body(%arg0: i32, %arg1: memref<512x768xf32, #tpu.memory_space<vmem>>, %arg2: memref<512x768xf32, #tpu.memory_space<vmem>>, %arg3: memref<768x768xf32, #tpu.memory_space<vmem>>, %arg4: memref<1x768xf32, #tpu.memory_space<vmem>>, %arg5: memref<768x768xf32, #tpu.memory_space<vmem>>, %arg6: memref<1x768xf32, #tpu.memory_space<vmem>>, %arg7: memref<768x768xf32, #tpu.memory_space<vmem>>, %arg8: memref<1x768xf32, #tpu.memory_space<vmem>>, %arg9: memref<512x768xf32, #tpu.memory_space<vmem>>, %arg10: memref<512x768xf32, #tpu.memory_space<vmem>>, %arg11: memref<512x768xf32, #tpu.memory_space<vmem>>, %arg12: memref<512x768xf32, #tpu.memory_space<vmem>>) attributes {dimension_semantics = [#tpu.dimension_semantics<arbitrary>], iteration_bounds = array<i64: 4>, scalar_prefetch = 0 : i64, scratch_operands = 0 : i64, tpu.core_type = #tpu.core_type<tc>, window_params = [{transform_indices = @transform_0, window_bounds = array<i64: 512, 768>}, {transform_indices = @transform_1, window_bounds = array<i64: 512, 768>}, {pipeline_mode = #tpu.pipeline_mode<synchronous>, transform_indices = @transform_2, window_bounds = array<i64: 768, 768>}, {pipeline_mode = #tpu.pipeline_mode<synchronous>, transform_indices = @transform_3, window_bounds = array<i64: 1, 768>}, {pipeline_mode = #tpu.pipeline_mode<synchronous>, transform_indices = @transform_4, window_bounds = array<i64: 768, 768>}, {pipeline_mode = #tpu.pipeline_mode<synchronous>, transform_indices = @transform_5, window_bounds = array<i64: 1, 768>}, {pipeline_mode = #tpu.pipeline_mode<synchronous>, transform_indices = @transform_6, window_bounds = array<i64: 768, 768>}, {pipeline_mode = #tpu.pipeline_mode<synchronous>, transform_indices = @transform_7, window_bounds = array<i64: 1, 768>}, {transform_indices = @transform_8, window_bounds = array<i64: 512, 768>}, {transform_indices = @transform_9, window_bounds = array<i64: 512, 768>}, {transform_indices = @transform_10, window_bounds = array<i64: 512, 768>}, {transform_indices = @transform_11, window_bounds = array<i64: 512, 768>}]} {
    %get3A = arith.constant 0 : index
    %get3A_0 = arith.constant 0 : index
    %get3A_1 = vector.load %arg1[%get3A, %get3A_0] : memref<512x768xf32, #tpu.memory_space<vmem>>, vector<512x768xf32>
    %get3A_2 = arith.constant 0 : index
    %get3A_3 = arith.constant 0 : index
    %get3A_4 = vector.load %arg2[%get3A_2, %get3A_3] : memref<512x768xf32, #tpu.memory_space<vmem>>, vector<512x768xf32>
    %add3A = arith.addf %get3A_1, %get3A_4 : vector<512x768xf32>
    %swap3A = arith.constant 0 : index
    %swap3A_5 = arith.constant 0 : index
    %swap3A_6 = vector.load %arg12[%swap3A, %swap3A_5] : memref<512x768xf32, #tpu.memory_space<vmem>>, vector<512x768xf32>
    tpu.vector_store %arg12[%swap3A, %swap3A_5], %add3A {strides = array<i32>} : memref<512x768xf32, #tpu.memory_space<vmem>>, vector<512x768xf32>,
    %convert_element_type3A = arith.truncf %add3A : vector<512x768xf32> to vector<512x768xbf16>
    %get3A_7 = arith.constant 0 : index
    %get3A_8 = arith.constant 0 : index
    %get3A_9 = vector.load %arg3[%get3A_7, %get3A_8] : memref<768x768xf32, #tpu.memory_space<vmem>>, vector<768x768xf32>
    %convert_element_type3A_10 = arith.truncf %get3A_9 : vector<768x768xf32> to vector<768x768xbf16>
    %dot_general3A = arith.constant dense<0.000000e+00> : vector<512x768xf32>
    %dot_general3A_11 = tpu.matmul %convert_element_type3A, %convert_element_type3A_10, %dot_general3A {dimension_numbers = #tpu.dot_dimension_numbers<[1], [0], [0], [1], [0, 0, 1, 1], [], []>, transpose_lhs_hint = false} : vector<512x768xbf16>, vector<768x768xbf16>, vector<512x768xf32> -> vector<512x768xf32>
    %get3A_12 = arith.constant 0 : index
    %get3A_13 = arith.constant 0 : index
    %get3A_14 = vector.load %arg4[%get3A_12, %get3A_13] : memref<1x768xf32, #tpu.memory_space<vmem>>, vector<1x768xf32>
    %add3A_15 = vector.broadcast %get3A_14 : vector<1x768xf32> to vector<512x768xf32>
    %add3A_16 = arith.addf %dot_general3A_11, %add3A_15 : vector<512x768xf32>
    %swap3A_17 = arith.constant 0 : index
    %swap3A_18 = arith.constant 0 : index
    %swap3A_19 = vector.load %arg9[%swap3A_17, %swap3A_18] : memref<512x768xf32, #tpu.memory_space<vmem>>, vector<512x768xf32>
    tpu.vector_store %arg9[%swap3A_17, %swap3A_18], %add3A_16 {strides = array<i32>} : memref<512x768xf32, #tpu.memory_space<vmem>>, vector<512x768xf32>,
    %get3A_20 = arith.constant 0 : index
    %get3A_21 = arith.constant 0 : index
    %get3A_22 = vector.load %arg5[%get3A_20, %get3A_21] : memref<768x768xf32, #tpu.memory_space<vmem>>, vector<768x768xf32>
    %convert_element_type3A_23 = arith.truncf %get3A_22 : vector<768x768xf32> to vector<768x768xbf16>
    %dot_general3A_24 = arith.constant dense<0.000000e+00> : vector<512x768xf32>
    %dot_general3A_25 = tpu.matmul %convert_element_type3A, %convert_element_type3A_23, %dot_general3A_24 {dimension_numbers = #tpu.dot_dimension_numbers<[1], [0], [0], [1], [0, 0, 1, 1], [], []>, transpose_lhs_hint = false} : vector<512x768xbf16>, vector<768x768xbf16>, vector<512x768xf32> -> vector<512x768xf32>
    %get3A_26 = arith.constant 0 : index
    %get3A_27 = arith.constant 0 : index
    %get3A_28 = vector.load %arg6[%get3A_26, %get3A_27] : memref<1x768xf32, #tpu.memory_space<vmem>>, vector<1x768xf32>
    %add3A_29 = vector.broadcast %get3A_28 : vector<1x768xf32> to vector<512x768xf32>
    %add3A_30 = arith.addf %dot_general3A_25, %add3A_29 : vector<512x768xf32>
    %swap3A_31 = arith.constant 0 : index
    %swap3A_32 = arith.constant 0 : index
    %swap3A_33 = vector.load %arg10[%swap3A_31, %swap3A_32] : memref<512x768xf32, #tpu.memory_space<vmem>>, vector<512x768xf32>
    tpu.vector_store %arg10[%swap3A_31, %swap3A_32], %add3A_30 {strides = array<i32>} : memref<512x768xf32, #tpu.memory_space<vmem>>, vector<512x768xf32>,
    %get3A_34 = arith.constant 0 : index
    %get3A_35 = arith.constant 0 : index
    %get3A_36 = vector.load %arg7[%get3A_34, %get3A_35] : memref<768x768xf32, #tpu.memory_space<vmem>>, vector<768x768xf32>
    %convert_element_type3A_37 = arith.truncf %get3A_36 : vector<768x768xf32> to vector<768x768xbf16>
    %dot_general3A_38 = arith.constant dense<0.000000e+00> : vector<512x768xf32>
    %dot_general3A_39 = tpu.matmul %convert_element_type3A, %convert_element_type3A_37, %dot_general3A_38 {dimension_numbers = #tpu.dot_dimension_numbers<[1], [0], [0], [1], [0, 0, 1, 1], [], []>, transpose_lhs_hint = false} : vector<512x768xbf16>, vector<768x768xbf16>, vector<512x768xf32> -> vector<512x768xf32>
    %get3A_40 = arith.constant 0 : index
    %get3A_41 = arith.constant 0 : index
    %get3A_42 = vector.load %arg8[%get3A_40, %get3A_41] : memref<1x768xf32, #tpu.memory_space<vmem>>, vector<1x768xf32>
    %add3A_43 = vector.broadcast %get3A_42 : vector<1x768xf32> to vector<512x768xf32>
    %add3A_44 = arith.addf %dot_general3A_39, %add3A_43 : vector<512x768xf32>
    %swap3A_45 = arith.constant 0 : index
    %swap3A_46 = arith.constant 0 : index
    %swap3A_47 = vector.load %arg11[%swap3A_45, %swap3A_46] : memref<512x768xf32, #tpu.memory_space<vmem>>, vector<512x768xf32>
    tpu.vector_store %arg11[%swap3A_45, %swap3A_46], %add3A_44 {strides = array<i32>} : memref<512x768xf32, #tpu.memory_space<vmem>>, vector<512x768xf32>,
    return
  }
  func.func @transform_0(%arg0: i32) -> (i32, i32) {
    %c0_i32 = arith.constant 0 : i32
    %c0_i32_0 = arith.constant 0 : i32
    return %arg0, %c0_i32 : i32, i32
  }
  func.func @transform_1(%arg0: i32) -> (i32, i32) {
    %c0_i32 = arith.constant 0 : i32
    %c0_i32_0 = arith.constant 0 : i32
    return %arg0, %c0_i32 : i32, i32
  }
  func.func @transform_2(%arg0: i32) -> (i32, i32) {
    %c0_i32 = arith.constant 0 : i32
    %c0_i32_0 = arith.constant 0 : i32
    %c0_i32_1 = arith.constant 0 : i32
    return %c0_i32, %c0_i32_0 : i32, i32
  }
  func.func @transform_3(%arg0: i32) -> (i32, i32) {
    %c0_i32 = arith.constant 0 : i32
    %c0_i32_0 = arith.constant 0 : i32
    %c0_i32_1 = arith.constant 0 : i32
    return %c0_i32, %c0_i32_0 : i32, i32
  }
  func.func @transform_4(%arg0: i32) -> (i32, i32) {
    %c0_i32 = arith.constant 0 : i32
    %c0_i32_0 = arith.constant 0 : i32
    %c0_i32_1 = arith.constant 0 : i32
    return %c0_i32, %c0_i32_0 : i32, i32
  }
  func.func @transform_5(%arg0: i32) -> (i32, i32) {
    %c0_i32 = arith.constant 0 : i32
    %c0_i32_0 = arith.constant 0 : i32
    %c0_i32_1 = arith.constant 0 : i32
    return %c0_i32, %c0_i32_0 : i32, i32
  }
  func.func @transform_6(%arg0: i32) -> (i32, i32) {
    %c0_i32 = arith.constant 0 : i32
    %c0_i32_0 = arith.constant 0 : i32
    %c0_i32_1 = arith.constant 0 : i32
    return %c0_i32, %c0_i32_0 : i32, i32
  }
  func.func @transform_7(%arg0: i32) -> (i32, i32) {
    %c0_i32 = arith.constant 0 : i32
    %c0_i32_0 = arith.constant 0 : i32
    %c0_i32_1 = arith.constant 0 : i32
    return %c0_i32, %c0_i32_0 : i32, i32
  }
  func.func @transform_8(%arg0: i32) -> (i32, i32) {
    %c0_i32 = arith.constant 0 : i32
    %c0_i32_0 = arith.constant 0 : i32
    return %arg0, %c0_i32 : i32, i32
  }
  func.func @transform_9(%arg0: i32) -> (i32, i32) {
    %c0_i32 = arith.constant 0 : i32
    %c0_i32_0 = arith.constant 0 : i32
    return %arg0, %c0_i32 : i32, i32
  }
  func.func @transform_10(%arg0: i32) -> (i32, i32) {
    %c0_i32 = arith.constant 0 : i32
    %c0_i32_0 = arith.constant 0 : i32
    return %arg0, %c0_i32 : i32, i32
  }
  func.func @transform_11(%arg0: i32) -> (i32, i32) {
    %c0_i32 = arith.constant 0 : i32
    %c0_i32_0 = arith.constant 0 : i32
    return %arg0, %c0_i32 : i32, i32
  }
}

module attributes {stable_mosaic.version = 14 : i64} {
  func.func @body(%arg0: i32, %arg1: i32, %arg2: memref<512x256xf32, #tpu.memory_space<vmem>>, %arg3: memref<2048x256xf32, #tpu.memory_space<vmem>>, %arg4: memref<2048x256xf32, #tpu.memory_space<vmem>>, %arg5: memref<512x256xf32, #tpu.memory_space<vmem>>) attributes {dimension_semantics = [#tpu.dimension_semantics<arbitrary>, #tpu.dimension_semantics<arbitrary>], iteration_bounds = array<i64: 3, 4>, scalar_prefetch = 0 : i64, scratch_operands = 0 : i64, tpu.core_type = #tpu.core_type<tc>, window_params = [{transform_indices = @transform_0, window_bounds = array<i64: 512, 256>}, {transform_indices = @transform_1, window_bounds = array<i64: 2048, 256>}, {transform_indices = @transform_2, window_bounds = array<i64: 2048, 256>}, {transform_indices = @transform_3, window_bounds = array<i64: 512, 256>}]} {
    %iota3A = tpu.iota {dimensions = array<i32: 0>} : vector<512x512xi32>
    %iota3A_0 = tpu.iota {dimensions = array<i32: 1>} : vector<512x512xi32>
    %le3A = arith.cmpi sle, %iota3A_0, %iota3A : vector<512x512xi32>
    %broadcast_in_dim3A = arith.constant -1.000000e+30 : f32
    %broadcast_in_dim3A_1 = vector.broadcast %broadcast_in_dim3A : f32 to vector<512x1xf32>
    %broadcast_in_dim3A_2 = arith.constant 0.000000e+00 : f32
    %broadcast_in_dim3A_3 = vector.broadcast %broadcast_in_dim3A_2 : f32 to vector<512x1xf32>
    %broadcast_in_dim3A_4 = arith.constant 0.000000e+00 : f32
    %broadcast_in_dim3A_5 = vector.broadcast %broadcast_in_dim3A_4 : f32 to vector<512x64xf32>
    %get3A = arith.constant 0 : index
    %get3A_6 = arith.constant 0 : index
    %get3A_7 = vector.load %arg2[%get3A, %get3A_6] : memref<512x256xf32, #tpu.memory_space<vmem>>, vector<512x256xf32>
    %mul3A = arith.constant 1.250000e-01 : f32
    %mul3A_8 = vector.broadcast %mul3A : f32 to vector<512x256xf32>
    %mul3A_9 = arith.mulf %get3A_7, %mul3A_8 : vector<512x256xf32>
    %convert_element_type3A = arith.truncf %mul3A_9 : vector<512x256xf32> to vector<512x256xbf16>
    %add3A = arith.constant 1 : i32
    %add3A_10 = arith.addi %arg1, %add3A : i32
    %while3A = arith.constant 0 : i32
    %while3A_11 = arith.subi %add3A_10, %while3A : i32
    %while3A_12 = arith.addi %while3A, %while3A_11 : i32
    %while3A_13 = arith.constant 1 : i32
    %while3A_14 = arith.divsi %while3A_11, %while3A_13 : i32
    %while3A_15 = arith.muli %while3A_14, %while3A_13 : i32
    %while3A_16 = arith.addi %while3A, %while3A_15 : i32
    %while3A_17 = arith.constant 1 : i32
    %while3A_18:12 = scf.for %while3A_30 = %while3A to %while3A_16 step %while3A_17 iter_args(%while3A_31 = %broadcast_in_dim3A_1, %while3A_32 = %broadcast_in_dim3A_3, %while3A_33 = %broadcast_in_dim3A_5, %while3A_34 = %broadcast_in_dim3A_1, %while3A_35 = %broadcast_in_dim3A_3, %while3A_36 = %broadcast_in_dim3A_5, %while3A_37 = %broadcast_in_dim3A_1, %while3A_38 = %broadcast_in_dim3A_3, %while3A_39 = %broadcast_in_dim3A_5, %while3A_40 = %broadcast_in_dim3A_1, %while3A_41 = %broadcast_in_dim3A_3, %while3A_42 = %broadcast_in_dim3A_5) -> (vector<512x1xf32>, vector<512x1xf32>, vector<512x64xf32>, vector<512x1xf32>, vector<512x1xf32>, vector<512x64xf32>, vector<512x1xf32>, vector<512x1xf32>, vector<512x64xf32>, vector<512x1xf32>, vector<512x1xf32>, vector<512x64xf32>)  : i32 {
      %ne3A = arith.cmpi ne, %while3A_30, %arg1 : i32
      %mul3A_43 = arith.constant 512 : i32
      %mul3A_44 = arith.muli %while3A_30, %mul3A_43 : i32
      %get3A_45 = arith.index_cast %mul3A_44 : i32 to index
      %get3A_46 = arith.constant 0 : index
      %get3A_47 = vector.load %arg3[%get3A_45, %get3A_46] : memref<2048x256xf32, #tpu.memory_space<vmem>>, vector<512x64xf32>
      %convert_element_type3A_48 = arith.truncf %get3A_47 : vector<512x64xf32> to vector<512x64xbf16>
      %mul3A_49 = arith.constant 512 : i32
      %mul3A_50 = arith.muli %while3A_30, %mul3A_49 : i32
      %get3A_51 = arith.index_cast %mul3A_50 : i32 to index
      %get3A_52 = arith.constant 0 : index
      %get3A_53 = vector.load %arg4[%get3A_51, %get3A_52] : memref<2048x256xf32, #tpu.memory_space<vmem>>, vector<512x64xf32>
      %convert_element_type3A_54 = arith.truncf %get3A_53 : vector<512x64xf32> to vector<512x64xbf16>
      %slice3A = vector.extract_strided_slice %convert_element_type3A {offsets = [0, 0], sizes = [512, 64], strides = [1, 1]} : vector<512x256xbf16> to vector<512x64xbf16>
      %dot_general3A = arith.constant dense<0.000000e+00> : vector<512x512xf32>
      %dot_general3A_55 = tpu.matmul %slice3A, %convert_element_type3A_48, %dot_general3A {dimension_numbers = #tpu.dot_dimension_numbers<[1], [1], [0], [0], [0, 0, 1, 0], [], []>, transpose_lhs_hint = false} : vector<512x64xbf16>, vector<512x64xbf16>, vector<512x512xf32> -> vector<512x512xf32>
      %or3A = vector.broadcast %ne3A : i1 to vector<512x512xi1>
      %or3A_56 = arith.ori %or3A, %le3A : vector<512x512xi1>
      %jit3A = arith.constant -1.000000e+09 : f32
      %broadcast_in_dim3A_57 = vector.broadcast %jit3A : f32 to vector<512x512xf32>
      %select_n3A = arith.select %or3A_56, %dot_general3A_55, %broadcast_in_dim3A_57 : vector<512x512xi1>, vector<512x512xf32>
      %reduce_max3A = arith.constant dense<0xFF800000> : vector<512xf32>
      %reduce_max3A_58 = vector.multi_reduction <maximumf>, %select_n3A, %reduce_max3A [1] : vector<512x512xf32> to vector<512xf32>
      %broadcast_in_dim3A_59 = vector.shape_cast %reduce_max3A_58 : vector<512xf32> to vector<512x1xf32>
      %max3A = arith.maximumf %while3A_31, %broadcast_in_dim3A_59 : vector<512x1xf32>
      %sub3A = vector.broadcast %max3A : vector<512x1xf32> to vector<512x512xf32>
      %sub3A_60 = arith.subf %select_n3A, %sub3A : vector<512x512xf32>
      %exp3A = math.exp %sub3A_60 : vector<512x512xf32>
      %sub3A_61 = arith.subf %while3A_31, %max3A : vector<512x1xf32>
      %exp3A_62 = math.exp %sub3A_61 : vector<512x1xf32>
      %mul3A_63 = arith.mulf %while3A_32, %exp3A_62 : vector<512x1xf32>
      %reduce_sum3A = arith.constant dense<0.000000e+00> : vector<512xf32>
      %reduce_sum3A_64 = vector.multi_reduction <add>, %exp3A, %reduce_sum3A [1] : vector<512x512xf32> to vector<512xf32>
      %broadcast_in_dim3A_65 = vector.shape_cast %reduce_sum3A_64 : vector<512xf32> to vector<512x1xf32>
      %add3A_66 = arith.addf %mul3A_63, %broadcast_in_dim3A_65 : vector<512x1xf32>
      %mul3A_67 = vector.broadcast %exp3A_62 : vector<512x1xf32> to vector<512x64xf32>
      %mul3A_68 = arith.mulf %while3A_33, %mul3A_67 : vector<512x64xf32>
      %convert_element_type3A_69 = arith.truncf %exp3A : vector<512x512xf32> to vector<512x512xbf16>
      %dot_general3A_70 = arith.constant dense<0.000000e+00> : vector<512x64xf32>
      %dot_general3A_71 = tpu.matmul %convert_element_type3A_69, %convert_element_type3A_54, %dot_general3A_70 {dimension_numbers = #tpu.dot_dimension_numbers<[1], [0], [0], [1], [0, 0, 1, 1], [], []>, transpose_lhs_hint = false} : vector<512x512xbf16>, vector<512x64xbf16>, vector<512x64xf32> -> vector<512x64xf32>
      %add3A_72 = arith.addf %mul3A_68, %dot_general3A_71 : vector<512x64xf32>
      %mul3A_73 = arith.constant 512 : i32
      %mul3A_74 = arith.muli %while3A_30, %mul3A_73 : i32
      %get3A_75 = arith.index_cast %mul3A_74 : i32 to index
      %get3A_76 = arith.constant 64 : index
      %get3A_77 = vector.load %arg3[%get3A_75, %get3A_76] : memref<2048x256xf32, #tpu.memory_space<vmem>>, vector<512x64xf32>
      %convert_element_type3A_78 = arith.truncf %get3A_77 : vector<512x64xf32> to vector<512x64xbf16>
      %mul3A_79 = arith.constant 512 : i32
      %mul3A_80 = arith.muli %while3A_30, %mul3A_79 : i32
      %get3A_81 = arith.index_cast %mul3A_80 : i32 to index
      %get3A_82 = arith.constant 64 : index
      %get3A_83 = vector.load %arg4[%get3A_81, %get3A_82] : memref<2048x256xf32, #tpu.memory_space<vmem>>, vector<512x64xf32>
      %convert_element_type3A_84 = arith.truncf %get3A_83 : vector<512x64xf32> to vector<512x64xbf16>
      %slice3A_85 = vector.extract_strided_slice %convert_element_type3A {offsets = [0, 64], sizes = [512, 64], strides = [1, 1]} : vector<512x256xbf16> to vector<512x64xbf16>
      %dot_general3A_86 = arith.constant dense<0.000000e+00> : vector<512x512xf32>
      %dot_general3A_87 = tpu.matmul %slice3A_85, %convert_element_type3A_78, %dot_general3A_86 {dimension_numbers = #tpu.dot_dimension_numbers<[1], [1], [0], [0], [0, 0, 1, 0], [], []>, transpose_lhs_hint = false} : vector<512x64xbf16>, vector<512x64xbf16>, vector<512x512xf32> -> vector<512x512xf32>
      %or3A_88 = vector.broadcast %ne3A : i1 to vector<512x512xi1>
      %or3A_89 = arith.ori %or3A_88, %le3A : vector<512x512xi1>
      %jit3A_90 = arith.constant -1.000000e+09 : f32
      %broadcast_in_dim3A_91 = vector.broadcast %jit3A_90 : f32 to vector<512x512xf32>
      %select_n3A_92 = arith.select %or3A_89, %dot_general3A_87, %broadcast_in_dim3A_91 : vector<512x512xi1>, vector<512x512xf32>
      %reduce_max3A_93 = arith.constant dense<0xFF800000> : vector<512xf32>
      %reduce_max3A_94 = vector.multi_reduction <maximumf>, %select_n3A_92, %reduce_max3A_93 [1] : vector<512x512xf32> to vector<512xf32>
      %broadcast_in_dim3A_95 = vector.shape_cast %reduce_max3A_94 : vector<512xf32> to vector<512x1xf32>
      %max3A_96 = arith.maximumf %while3A_34, %broadcast_in_dim3A_95 : vector<512x1xf32>
      %sub3A_97 = vector.broadcast %max3A_96 : vector<512x1xf32> to vector<512x512xf32>
      %sub3A_98 = arith.subf %select_n3A_92, %sub3A_97 : vector<512x512xf32>
      %exp3A_99 = math.exp %sub3A_98 : vector<512x512xf32>
      %sub3A_100 = arith.subf %while3A_34, %max3A_96 : vector<512x1xf32>
      %exp3A_101 = math.exp %sub3A_100 : vector<512x1xf32>
      %mul3A_102 = arith.mulf %while3A_35, %exp3A_101 : vector<512x1xf32>
      %reduce_sum3A_103 = arith.constant dense<0.000000e+00> : vector<512xf32>
      %reduce_sum3A_104 = vector.multi_reduction <add>, %exp3A_99, %reduce_sum3A_103 [1] : vector<512x512xf32> to vector<512xf32>
      %broadcast_in_dim3A_105 = vector.shape_cast %reduce_sum3A_104 : vector<512xf32> to vector<512x1xf32>
      %add3A_106 = arith.addf %mul3A_102, %broadcast_in_dim3A_105 : vector<512x1xf32>
      %mul3A_107 = vector.broadcast %exp3A_101 : vector<512x1xf32> to vector<512x64xf32>
      %mul3A_108 = arith.mulf %while3A_36, %mul3A_107 : vector<512x64xf32>
      %convert_element_type3A_109 = arith.truncf %exp3A_99 : vector<512x512xf32> to vector<512x512xbf16>
      %dot_general3A_110 = arith.constant dense<0.000000e+00> : vector<512x64xf32>
      %dot_general3A_111 = tpu.matmul %convert_element_type3A_109, %convert_element_type3A_84, %dot_general3A_110 {dimension_numbers = #tpu.dot_dimension_numbers<[1], [0], [0], [1], [0, 0, 1, 1], [], []>, transpose_lhs_hint = false} : vector<512x512xbf16>, vector<512x64xbf16>, vector<512x64xf32> -> vector<512x64xf32>
      %add3A_112 = arith.addf %mul3A_108, %dot_general3A_111 : vector<512x64xf32>
      %mul3A_113 = arith.constant 512 : i32
      %mul3A_114 = arith.muli %while3A_30, %mul3A_113 : i32
      %get3A_115 = arith.index_cast %mul3A_114 : i32 to index
      %get3A_116 = arith.constant 128 : index
      %get3A_117 = vector.load %arg3[%get3A_115, %get3A_116] : memref<2048x256xf32, #tpu.memory_space<vmem>>, vector<512x64xf32>
      %convert_element_type3A_118 = arith.truncf %get3A_117 : vector<512x64xf32> to vector<512x64xbf16>
      %mul3A_119 = arith.constant 512 : i32
      %mul3A_120 = arith.muli %while3A_30, %mul3A_119 : i32
      %get3A_121 = arith.index_cast %mul3A_120 : i32 to index
      %get3A_122 = arith.constant 128 : index
      %get3A_123 = vector.load %arg4[%get3A_121, %get3A_122] : memref<2048x256xf32, #tpu.memory_space<vmem>>, vector<512x64xf32>
      %convert_element_type3A_124 = arith.truncf %get3A_123 : vector<512x64xf32> to vector<512x64xbf16>
      %slice3A_125 = vector.extract_strided_slice %convert_element_type3A {offsets = [0, 128], sizes = [512, 64], strides = [1, 1]} : vector<512x256xbf16> to vector<512x64xbf16>
      %dot_general3A_126 = arith.constant dense<0.000000e+00> : vector<512x512xf32>
      %dot_general3A_127 = tpu.matmul %slice3A_125, %convert_element_type3A_118, %dot_general3A_126 {dimension_numbers = #tpu.dot_dimension_numbers<[1], [1], [0], [0], [0, 0, 1, 0], [], []>, transpose_lhs_hint = false} : vector<512x64xbf16>, vector<512x64xbf16>, vector<512x512xf32> -> vector<512x512xf32>
      %or3A_128 = vector.broadcast %ne3A : i1 to vector<512x512xi1>
      %or3A_129 = arith.ori %or3A_128, %le3A : vector<512x512xi1>
      %jit3A_130 = arith.constant -1.000000e+09 : f32
      %broadcast_in_dim3A_131 = vector.broadcast %jit3A_130 : f32 to vector<512x512xf32>
      %select_n3A_132 = arith.select %or3A_129, %dot_general3A_127, %broadcast_in_dim3A_131 : vector<512x512xi1>, vector<512x512xf32>
      %reduce_max3A_133 = arith.constant dense<0xFF800000> : vector<512xf32>
      %reduce_max3A_134 = vector.multi_reduction <maximumf>, %select_n3A_132, %reduce_max3A_133 [1] : vector<512x512xf32> to vector<512xf32>
      %broadcast_in_dim3A_135 = vector.shape_cast %reduce_max3A_134 : vector<512xf32> to vector<512x1xf32>
      %max3A_136 = arith.maximumf %while3A_37, %broadcast_in_dim3A_135 : vector<512x1xf32>
      %sub3A_137 = vector.broadcast %max3A_136 : vector<512x1xf32> to vector<512x512xf32>
      %sub3A_138 = arith.subf %select_n3A_132, %sub3A_137 : vector<512x512xf32>
      %exp3A_139 = math.exp %sub3A_138 : vector<512x512xf32>
      %sub3A_140 = arith.subf %while3A_37, %max3A_136 : vector<512x1xf32>
      %exp3A_141 = math.exp %sub3A_140 : vector<512x1xf32>
      %mul3A_142 = arith.mulf %while3A_38, %exp3A_141 : vector<512x1xf32>
      %reduce_sum3A_143 = arith.constant dense<0.000000e+00> : vector<512xf32>
      %reduce_sum3A_144 = vector.multi_reduction <add>, %exp3A_139, %reduce_sum3A_143 [1] : vector<512x512xf32> to vector<512xf32>
      %broadcast_in_dim3A_145 = vector.shape_cast %reduce_sum3A_144 : vector<512xf32> to vector<512x1xf32>
      %add3A_146 = arith.addf %mul3A_142, %broadcast_in_dim3A_145 : vector<512x1xf32>
      %mul3A_147 = vector.broadcast %exp3A_141 : vector<512x1xf32> to vector<512x64xf32>
      %mul3A_148 = arith.mulf %while3A_39, %mul3A_147 : vector<512x64xf32>
      %convert_element_type3A_149 = arith.truncf %exp3A_139 : vector<512x512xf32> to vector<512x512xbf16>
      %dot_general3A_150 = arith.constant dense<0.000000e+00> : vector<512x64xf32>
      %dot_general3A_151 = tpu.matmul %convert_element_type3A_149, %convert_element_type3A_124, %dot_general3A_150 {dimension_numbers = #tpu.dot_dimension_numbers<[1], [0], [0], [1], [0, 0, 1, 1], [], []>, transpose_lhs_hint = false} : vector<512x512xbf16>, vector<512x64xbf16>, vector<512x64xf32> -> vector<512x64xf32>
      %add3A_152 = arith.addf %mul3A_148, %dot_general3A_151 : vector<512x64xf32>
      %mul3A_153 = arith.constant 512 : i32
      %mul3A_154 = arith.muli %while3A_30, %mul3A_153 : i32
      %get3A_155 = arith.index_cast %mul3A_154 : i32 to index
      %get3A_156 = arith.constant 192 : index
      %get3A_157 = vector.load %arg3[%get3A_155, %get3A_156] : memref<2048x256xf32, #tpu.memory_space<vmem>>, vector<512x64xf32>
      %convert_element_type3A_158 = arith.truncf %get3A_157 : vector<512x64xf32> to vector<512x64xbf16>
      %mul3A_159 = arith.constant 512 : i32
      %mul3A_160 = arith.muli %while3A_30, %mul3A_159 : i32
      %get3A_161 = arith.index_cast %mul3A_160 : i32 to index
      %get3A_162 = arith.constant 192 : index
      %get3A_163 = vector.load %arg4[%get3A_161, %get3A_162] : memref<2048x256xf32, #tpu.memory_space<vmem>>, vector<512x64xf32>
      %convert_element_type3A_164 = arith.truncf %get3A_163 : vector<512x64xf32> to vector<512x64xbf16>
      %slice3A_165 = vector.extract_strided_slice %convert_element_type3A {offsets = [0, 192], sizes = [512, 64], strides = [1, 1]} : vector<512x256xbf16> to vector<512x64xbf16>
      %dot_general3A_166 = arith.constant dense<0.000000e+00> : vector<512x512xf32>
      %dot_general3A_167 = tpu.matmul %slice3A_165, %convert_element_type3A_158, %dot_general3A_166 {dimension_numbers = #tpu.dot_dimension_numbers<[1], [1], [0], [0], [0, 0, 1, 0], [], []>, transpose_lhs_hint = false} : vector<512x64xbf16>, vector<512x64xbf16>, vector<512x512xf32> -> vector<512x512xf32>
      %or3A_168 = vector.broadcast %ne3A : i1 to vector<512x512xi1>
      %or3A_169 = arith.ori %or3A_168, %le3A : vector<512x512xi1>
      %jit3A_170 = arith.constant -1.000000e+09 : f32
      %broadcast_in_dim3A_171 = vector.broadcast %jit3A_170 : f32 to vector<512x512xf32>
      %select_n3A_172 = arith.select %or3A_169, %dot_general3A_167, %broadcast_in_dim3A_171 : vector<512x512xi1>, vector<512x512xf32>
      %reduce_max3A_173 = arith.constant dense<0xFF800000> : vector<512xf32>
      %reduce_max3A_174 = vector.multi_reduction <maximumf>, %select_n3A_172, %reduce_max3A_173 [1] : vector<512x512xf32> to vector<512xf32>
      %broadcast_in_dim3A_175 = vector.shape_cast %reduce_max3A_174 : vector<512xf32> to vector<512x1xf32>
      %max3A_176 = arith.maximumf %while3A_40, %broadcast_in_dim3A_175 : vector<512x1xf32>
      %sub3A_177 = vector.broadcast %max3A_176 : vector<512x1xf32> to vector<512x512xf32>
      %sub3A_178 = arith.subf %select_n3A_172, %sub3A_177 : vector<512x512xf32>
      %exp3A_179 = math.exp %sub3A_178 : vector<512x512xf32>
      %sub3A_180 = arith.subf %while3A_40, %max3A_176 : vector<512x1xf32>
      %exp3A_181 = math.exp %sub3A_180 : vector<512x1xf32>
      %mul3A_182 = arith.mulf %while3A_41, %exp3A_181 : vector<512x1xf32>
      %reduce_sum3A_183 = arith.constant dense<0.000000e+00> : vector<512xf32>
      %reduce_sum3A_184 = vector.multi_reduction <add>, %exp3A_179, %reduce_sum3A_183 [1] : vector<512x512xf32> to vector<512xf32>
      %broadcast_in_dim3A_185 = vector.shape_cast %reduce_sum3A_184 : vector<512xf32> to vector<512x1xf32>
      %add3A_186 = arith.addf %mul3A_182, %broadcast_in_dim3A_185 : vector<512x1xf32>
      %mul3A_187 = vector.broadcast %exp3A_181 : vector<512x1xf32> to vector<512x64xf32>
      %mul3A_188 = arith.mulf %while3A_42, %mul3A_187 : vector<512x64xf32>
      %convert_element_type3A_189 = arith.truncf %exp3A_179 : vector<512x512xf32> to vector<512x512xbf16>
      %dot_general3A_190 = arith.constant dense<0.000000e+00> : vector<512x64xf32>
      %dot_general3A_191 = tpu.matmul %convert_element_type3A_189, %convert_element_type3A_164, %dot_general3A_190 {dimension_numbers = #tpu.dot_dimension_numbers<[1], [0], [0], [1], [0, 0, 1, 1], [], []>, transpose_lhs_hint = false} : vector<512x512xbf16>, vector<512x64xbf16>, vector<512x64xf32> -> vector<512x64xf32>
      %add3A_192 = arith.addf %mul3A_188, %dot_general3A_191 : vector<512x64xf32>
      scf.yield %max3A, %add3A_66, %add3A_72, %max3A_96, %add3A_106, %add3A_112, %max3A_136, %add3A_146, %add3A_152, %max3A_176, %add3A_186, %add3A_192 : vector<512x1xf32>, vector<512x1xf32>, vector<512x64xf32>, vector<512x1xf32>, vector<512x1xf32>, vector<512x64xf32>, vector<512x1xf32>, vector<512x1xf32>, vector<512x64xf32>, vector<512x1xf32>, vector<512x1xf32>, vector<512x64xf32>
    }
    %while3A_19 = arith.constant 1 : i32
    %while3A_20:12 = scf.for %while3A_30 = %while3A_16 to %while3A_12 step %while3A_19 iter_args(%while3A_31 = %while3A_18#0, %while3A_32 = %while3A_18#1, %while3A_33 = %while3A_18#2, %while3A_34 = %while3A_18#3, %while3A_35 = %while3A_18#4, %while3A_36 = %while3A_18#5, %while3A_37 = %while3A_18#6, %while3A_38 = %while3A_18#7, %while3A_39 = %while3A_18#8, %while3A_40 = %while3A_18#9, %while3A_41 = %while3A_18#10, %while3A_42 = %while3A_18#11) -> (vector<512x1xf32>, vector<512x1xf32>, vector<512x64xf32>, vector<512x1xf32>, vector<512x1xf32>, vector<512x64xf32>, vector<512x1xf32>, vector<512x1xf32>, vector<512x64xf32>, vector<512x1xf32>, vector<512x1xf32>, vector<512x64xf32>)  : i32 {
      %ne3A = arith.cmpi ne, %while3A_30, %arg1 : i32
      %mul3A_43 = arith.constant 512 : i32
      %mul3A_44 = arith.muli %while3A_30, %mul3A_43 : i32
      %get3A_45 = arith.index_cast %mul3A_44 : i32 to index
      %get3A_46 = arith.constant 0 : index
      %get3A_47 = vector.load %arg3[%get3A_45, %get3A_46] : memref<2048x256xf32, #tpu.memory_space<vmem>>, vector<512x64xf32>
      %convert_element_type3A_48 = arith.truncf %get3A_47 : vector<512x64xf32> to vector<512x64xbf16>
      %mul3A_49 = arith.constant 512 : i32
      %mul3A_50 = arith.muli %while3A_30, %mul3A_49 : i32
      %get3A_51 = arith.index_cast %mul3A_50 : i32 to index
      %get3A_52 = arith.constant 0 : index
      %get3A_53 = vector.load %arg4[%get3A_51, %get3A_52] : memref<2048x256xf32, #tpu.memory_space<vmem>>, vector<512x64xf32>
      %convert_element_type3A_54 = arith.truncf %get3A_53 : vector<512x64xf32> to vector<512x64xbf16>
      %slice3A = vector.extract_strided_slice %convert_element_type3A {offsets = [0, 0], sizes = [512, 64], strides = [1, 1]} : vector<512x256xbf16> to vector<512x64xbf16>
      %dot_general3A = arith.constant dense<0.000000e+00> : vector<512x512xf32>
      %dot_general3A_55 = tpu.matmul %slice3A, %convert_element_type3A_48, %dot_general3A {dimension_numbers = #tpu.dot_dimension_numbers<[1], [1], [0], [0], [0, 0, 1, 0], [], []>, transpose_lhs_hint = false} : vector<512x64xbf16>, vector<512x64xbf16>, vector<512x512xf32> -> vector<512x512xf32>
      %or3A = vector.broadcast %ne3A : i1 to vector<512x512xi1>
      %or3A_56 = arith.ori %or3A, %le3A : vector<512x512xi1>
      %jit3A = arith.constant -1.000000e+09 : f32
      %broadcast_in_dim3A_57 = vector.broadcast %jit3A : f32 to vector<512x512xf32>
      %select_n3A = arith.select %or3A_56, %dot_general3A_55, %broadcast_in_dim3A_57 : vector<512x512xi1>, vector<512x512xf32>
      %reduce_max3A = arith.constant dense<0xFF800000> : vector<512xf32>
      %reduce_max3A_58 = vector.multi_reduction <maximumf>, %select_n3A, %reduce_max3A [1] : vector<512x512xf32> to vector<512xf32>
      %broadcast_in_dim3A_59 = vector.shape_cast %reduce_max3A_58 : vector<512xf32> to vector<512x1xf32>
      %max3A = arith.maximumf %while3A_31, %broadcast_in_dim3A_59 : vector<512x1xf32>
      %sub3A = vector.broadcast %max3A : vector<512x1xf32> to vector<512x512xf32>
      %sub3A_60 = arith.subf %select_n3A, %sub3A : vector<512x512xf32>
      %exp3A = math.exp %sub3A_60 : vector<512x512xf32>
      %sub3A_61 = arith.subf %while3A_31, %max3A : vector<512x1xf32>
      %exp3A_62 = math.exp %sub3A_61 : vector<512x1xf32>
      %mul3A_63 = arith.mulf %while3A_32, %exp3A_62 : vector<512x1xf32>
      %reduce_sum3A = arith.constant dense<0.000000e+00> : vector<512xf32>
      %reduce_sum3A_64 = vector.multi_reduction <add>, %exp3A, %reduce_sum3A [1] : vector<512x512xf32> to vector<512xf32>
      %broadcast_in_dim3A_65 = vector.shape_cast %reduce_sum3A_64 : vector<512xf32> to vector<512x1xf32>
      %add3A_66 = arith.addf %mul3A_63, %broadcast_in_dim3A_65 : vector<512x1xf32>
      %mul3A_67 = vector.broadcast %exp3A_62 : vector<512x1xf32> to vector<512x64xf32>
      %mul3A_68 = arith.mulf %while3A_33, %mul3A_67 : vector<512x64xf32>
      %convert_element_type3A_69 = arith.truncf %exp3A : vector<512x512xf32> to vector<512x512xbf16>
      %dot_general3A_70 = arith.constant dense<0.000000e+00> : vector<512x64xf32>
      %dot_general3A_71 = tpu.matmul %convert_element_type3A_69, %convert_element_type3A_54, %dot_general3A_70 {dimension_numbers = #tpu.dot_dimension_numbers<[1], [0], [0], [1], [0, 0, 1, 1], [], []>, transpose_lhs_hint = false} : vector<512x512xbf16>, vector<512x64xbf16>, vector<512x64xf32> -> vector<512x64xf32>
      %add3A_72 = arith.addf %mul3A_68, %dot_general3A_71 : vector<512x64xf32>
      %mul3A_73 = arith.constant 512 : i32
      %mul3A_74 = arith.muli %while3A_30, %mul3A_73 : i32
      %get3A_75 = arith.index_cast %mul3A_74 : i32 to index
      %get3A_76 = arith.constant 64 : index
      %get3A_77 = vector.load %arg3[%get3A_75, %get3A_76] : memref<2048x256xf32, #tpu.memory_space<vmem>>, vector<512x64xf32>
      %convert_element_type3A_78 = arith.truncf %get3A_77 : vector<512x64xf32> to vector<512x64xbf16>
      %mul3A_79 = arith.constant 512 : i32
      %mul3A_80 = arith.muli %while3A_30, %mul3A_79 : i32
      %get3A_81 = arith.index_cast %mul3A_80 : i32 to index
      %get3A_82 = arith.constant 64 : index
      %get3A_83 = vector.load %arg4[%get3A_81, %get3A_82] : memref<2048x256xf32, #tpu.memory_space<vmem>>, vector<512x64xf32>
      %convert_element_type3A_84 = arith.truncf %get3A_83 : vector<512x64xf32> to vector<512x64xbf16>
      %slice3A_85 = vector.extract_strided_slice %convert_element_type3A {offsets = [0, 64], sizes = [512, 64], strides = [1, 1]} : vector<512x256xbf16> to vector<512x64xbf16>
      %dot_general3A_86 = arith.constant dense<0.000000e+00> : vector<512x512xf32>
      %dot_general3A_87 = tpu.matmul %slice3A_85, %convert_element_type3A_78, %dot_general3A_86 {dimension_numbers = #tpu.dot_dimension_numbers<[1], [1], [0], [0], [0, 0, 1, 0], [], []>, transpose_lhs_hint = false} : vector<512x64xbf16>, vector<512x64xbf16>, vector<512x512xf32> -> vector<512x512xf32>
      %or3A_88 = vector.broadcast %ne3A : i1 to vector<512x512xi1>
      %or3A_89 = arith.ori %or3A_88, %le3A : vector<512x512xi1>
      %jit3A_90 = arith.constant -1.000000e+09 : f32
      %broadcast_in_dim3A_91 = vector.broadcast %jit3A_90 : f32 to vector<512x512xf32>
      %select_n3A_92 = arith.select %or3A_89, %dot_general3A_87, %broadcast_in_dim3A_91 : vector<512x512xi1>, vector<512x512xf32>
      %reduce_max3A_93 = arith.constant dense<0xFF800000> : vector<512xf32>
      %reduce_max3A_94 = vector.multi_reduction <maximumf>, %select_n3A_92, %reduce_max3A_93 [1] : vector<512x512xf32> to vector<512xf32>
      %broadcast_in_dim3A_95 = vector.shape_cast %reduce_max3A_94 : vector<512xf32> to vector<512x1xf32>
      %max3A_96 = arith.maximumf %while3A_34, %broadcast_in_dim3A_95 : vector<512x1xf32>
      %sub3A_97 = vector.broadcast %max3A_96 : vector<512x1xf32> to vector<512x512xf32>
      %sub3A_98 = arith.subf %select_n3A_92, %sub3A_97 : vector<512x512xf32>
      %exp3A_99 = math.exp %sub3A_98 : vector<512x512xf32>
      %sub3A_100 = arith.subf %while3A_34, %max3A_96 : vector<512x1xf32>
      %exp3A_101 = math.exp %sub3A_100 : vector<512x1xf32>
      %mul3A_102 = arith.mulf %while3A_35, %exp3A_101 : vector<512x1xf32>
      %reduce_sum3A_103 = arith.constant dense<0.000000e+00> : vector<512xf32>
      %reduce_sum3A_104 = vector.multi_reduction <add>, %exp3A_99, %reduce_sum3A_103 [1] : vector<512x512xf32> to vector<512xf32>
      %broadcast_in_dim3A_105 = vector.shape_cast %reduce_sum3A_104 : vector<512xf32> to vector<512x1xf32>
      %add3A_106 = arith.addf %mul3A_102, %broadcast_in_dim3A_105 : vector<512x1xf32>
      %mul3A_107 = vector.broadcast %exp3A_101 : vector<512x1xf32> to vector<512x64xf32>
      %mul3A_108 = arith.mulf %while3A_36, %mul3A_107 : vector<512x64xf32>
      %convert_element_type3A_109 = arith.truncf %exp3A_99 : vector<512x512xf32> to vector<512x512xbf16>
      %dot_general3A_110 = arith.constant dense<0.000000e+00> : vector<512x64xf32>
      %dot_general3A_111 = tpu.matmul %convert_element_type3A_109, %convert_element_type3A_84, %dot_general3A_110 {dimension_numbers = #tpu.dot_dimension_numbers<[1], [0], [0], [1], [0, 0, 1, 1], [], []>, transpose_lhs_hint = false} : vector<512x512xbf16>, vector<512x64xbf16>, vector<512x64xf32> -> vector<512x64xf32>
      %add3A_112 = arith.addf %mul3A_108, %dot_general3A_111 : vector<512x64xf32>
      %mul3A_113 = arith.constant 512 : i32
      %mul3A_114 = arith.muli %while3A_30, %mul3A_113 : i32
      %get3A_115 = arith.index_cast %mul3A_114 : i32 to index
      %get3A_116 = arith.constant 128 : index
      %get3A_117 = vector.load %arg3[%get3A_115, %get3A_116] : memref<2048x256xf32, #tpu.memory_space<vmem>>, vector<512x64xf32>
      %convert_element_type3A_118 = arith.truncf %get3A_117 : vector<512x64xf32> to vector<512x64xbf16>
      %mul3A_119 = arith.constant 512 : i32
      %mul3A_120 = arith.muli %while3A_30, %mul3A_119 : i32
      %get3A_121 = arith.index_cast %mul3A_120 : i32 to index
      %get3A_122 = arith.constant 128 : index
      %get3A_123 = vector.load %arg4[%get3A_121, %get3A_122] : memref<2048x256xf32, #tpu.memory_space<vmem>>, vector<512x64xf32>
      %convert_element_type3A_124 = arith.truncf %get3A_123 : vector<512x64xf32> to vector<512x64xbf16>
      %slice3A_125 = vector.extract_strided_slice %convert_element_type3A {offsets = [0, 128], sizes = [512, 64], strides = [1, 1]} : vector<512x256xbf16> to vector<512x64xbf16>
      %dot_general3A_126 = arith.constant dense<0.000000e+00> : vector<512x512xf32>
      %dot_general3A_127 = tpu.matmul %slice3A_125, %convert_element_type3A_118, %dot_general3A_126 {dimension_numbers = #tpu.dot_dimension_numbers<[1], [1], [0], [0], [0, 0, 1, 0], [], []>, transpose_lhs_hint = false} : vector<512x64xbf16>, vector<512x64xbf16>, vector<512x512xf32> -> vector<512x512xf32>
      %or3A_128 = vector.broadcast %ne3A : i1 to vector<512x512xi1>
      %or3A_129 = arith.ori %or3A_128, %le3A : vector<512x512xi1>
      %jit3A_130 = arith.constant -1.000000e+09 : f32
      %broadcast_in_dim3A_131 = vector.broadcast %jit3A_130 : f32 to vector<512x512xf32>
      %select_n3A_132 = arith.select %or3A_129, %dot_general3A_127, %broadcast_in_dim3A_131 : vector<512x512xi1>, vector<512x512xf32>
      %reduce_max3A_133 = arith.constant dense<0xFF800000> : vector<512xf32>
      %reduce_max3A_134 = vector.multi_reduction <maximumf>, %select_n3A_132, %reduce_max3A_133 [1] : vector<512x512xf32> to vector<512xf32>
      %broadcast_in_dim3A_135 = vector.shape_cast %reduce_max3A_134 : vector<512xf32> to vector<512x1xf32>
      %max3A_136 = arith.maximumf %while3A_37, %broadcast_in_dim3A_135 : vector<512x1xf32>
      %sub3A_137 = vector.broadcast %max3A_136 : vector<512x1xf32> to vector<512x512xf32>
      %sub3A_138 = arith.subf %select_n3A_132, %sub3A_137 : vector<512x512xf32>
      %exp3A_139 = math.exp %sub3A_138 : vector<512x512xf32>
      %sub3A_140 = arith.subf %while3A_37, %max3A_136 : vector<512x1xf32>
      %exp3A_141 = math.exp %sub3A_140 : vector<512x1xf32>
      %mul3A_142 = arith.mulf %while3A_38, %exp3A_141 : vector<512x1xf32>
      %reduce_sum3A_143 = arith.constant dense<0.000000e+00> : vector<512xf32>
      %reduce_sum3A_144 = vector.multi_reduction <add>, %exp3A_139, %reduce_sum3A_143 [1] : vector<512x512xf32> to vector<512xf32>
      %broadcast_in_dim3A_145 = vector.shape_cast %reduce_sum3A_144 : vector<512xf32> to vector<512x1xf32>
      %add3A_146 = arith.addf %mul3A_142, %broadcast_in_dim3A_145 : vector<512x1xf32>
      %mul3A_147 = vector.broadcast %exp3A_141 : vector<512x1xf32> to vector<512x64xf32>
      %mul3A_148 = arith.mulf %while3A_39, %mul3A_147 : vector<512x64xf32>
      %convert_element_type3A_149 = arith.truncf %exp3A_139 : vector<512x512xf32> to vector<512x512xbf16>
      %dot_general3A_150 = arith.constant dense<0.000000e+00> : vector<512x64xf32>
      %dot_general3A_151 = tpu.matmul %convert_element_type3A_149, %convert_element_type3A_124, %dot_general3A_150 {dimension_numbers = #tpu.dot_dimension_numbers<[1], [0], [0], [1], [0, 0, 1, 1], [], []>, transpose_lhs_hint = false} : vector<512x512xbf16>, vector<512x64xbf16>, vector<512x64xf32> -> vector<512x64xf32>
      %add3A_152 = arith.addf %mul3A_148, %dot_general3A_151 : vector<512x64xf32>
      %mul3A_153 = arith.constant 512 : i32
      %mul3A_154 = arith.muli %while3A_30, %mul3A_153 : i32
      %get3A_155 = arith.index_cast %mul3A_154 : i32 to index
      %get3A_156 = arith.constant 192 : index
      %get3A_157 = vector.load %arg3[%get3A_155, %get3A_156] : memref<2048x256xf32, #tpu.memory_space<vmem>>, vector<512x64xf32>
      %convert_element_type3A_158 = arith.truncf %get3A_157 : vector<512x64xf32> to vector<512x64xbf16>
      %mul3A_159 = arith.constant 512 : i32
      %mul3A_160 = arith.muli %while3A_30, %mul3A_159 : i32
      %get3A_161 = arith.index_cast %mul3A_160 : i32 to index
      %get3A_162 = arith.constant 192 : index
      %get3A_163 = vector.load %arg4[%get3A_161, %get3A_162] : memref<2048x256xf32, #tpu.memory_space<vmem>>, vector<512x64xf32>
      %convert_element_type3A_164 = arith.truncf %get3A_163 : vector<512x64xf32> to vector<512x64xbf16>
      %slice3A_165 = vector.extract_strided_slice %convert_element_type3A {offsets = [0, 192], sizes = [512, 64], strides = [1, 1]} : vector<512x256xbf16> to vector<512x64xbf16>
      %dot_general3A_166 = arith.constant dense<0.000000e+00> : vector<512x512xf32>
      %dot_general3A_167 = tpu.matmul %slice3A_165, %convert_element_type3A_158, %dot_general3A_166 {dimension_numbers = #tpu.dot_dimension_numbers<[1], [1], [0], [0], [0, 0, 1, 0], [], []>, transpose_lhs_hint = false} : vector<512x64xbf16>, vector<512x64xbf16>, vector<512x512xf32> -> vector<512x512xf32>
      %or3A_168 = vector.broadcast %ne3A : i1 to vector<512x512xi1>
      %or3A_169 = arith.ori %or3A_168, %le3A : vector<512x512xi1>
      %jit3A_170 = arith.constant -1.000000e+09 : f32
      %broadcast_in_dim3A_171 = vector.broadcast %jit3A_170 : f32 to vector<512x512xf32>
      %select_n3A_172 = arith.select %or3A_169, %dot_general3A_167, %broadcast_in_dim3A_171 : vector<512x512xi1>, vector<512x512xf32>
      %reduce_max3A_173 = arith.constant dense<0xFF800000> : vector<512xf32>
      %reduce_max3A_174 = vector.multi_reduction <maximumf>, %select_n3A_172, %reduce_max3A_173 [1] : vector<512x512xf32> to vector<512xf32>
      %broadcast_in_dim3A_175 = vector.shape_cast %reduce_max3A_174 : vector<512xf32> to vector<512x1xf32>
      %max3A_176 = arith.maximumf %while3A_40, %broadcast_in_dim3A_175 : vector<512x1xf32>
      %sub3A_177 = vector.broadcast %max3A_176 : vector<512x1xf32> to vector<512x512xf32>
      %sub3A_178 = arith.subf %select_n3A_172, %sub3A_177 : vector<512x512xf32>
      %exp3A_179 = math.exp %sub3A_178 : vector<512x512xf32>
      %sub3A_180 = arith.subf %while3A_40, %max3A_176 : vector<512x1xf32>
      %exp3A_181 = math.exp %sub3A_180 : vector<512x1xf32>
      %mul3A_182 = arith.mulf %while3A_41, %exp3A_181 : vector<512x1xf32>
      %reduce_sum3A_183 = arith.constant dense<0.000000e+00> : vector<512xf32>
      %reduce_sum3A_184 = vector.multi_reduction <add>, %exp3A_179, %reduce_sum3A_183 [1] : vector<512x512xf32> to vector<512xf32>
      %broadcast_in_dim3A_185 = vector.shape_cast %reduce_sum3A_184 : vector<512xf32> to vector<512x1xf32>
      %add3A_186 = arith.addf %mul3A_182, %broadcast_in_dim3A_185 : vector<512x1xf32>
      %mul3A_187 = vector.broadcast %exp3A_181 : vector<512x1xf32> to vector<512x64xf32>
      %mul3A_188 = arith.mulf %while3A_42, %mul3A_187 : vector<512x64xf32>
      %convert_element_type3A_189 = arith.truncf %exp3A_179 : vector<512x512xf32> to vector<512x512xbf16>
      %dot_general3A_190 = arith.constant dense<0.000000e+00> : vector<512x64xf32>
      %dot_general3A_191 = tpu.matmul %convert_element_type3A_189, %convert_element_type3A_164, %dot_general3A_190 {dimension_numbers = #tpu.dot_dimension_numbers<[1], [0], [0], [1], [0, 0, 1, 1], [], []>, transpose_lhs_hint = false} : vector<512x512xbf16>, vector<512x64xbf16>, vector<512x64xf32> -> vector<512x64xf32>
      %add3A_192 = arith.addf %mul3A_188, %dot_general3A_191 : vector<512x64xf32>
      scf.yield %max3A, %add3A_66, %add3A_72, %max3A_96, %add3A_106, %add3A_112, %max3A_136, %add3A_146, %add3A_152, %max3A_176, %add3A_186, %add3A_192 : vector<512x1xf32>, vector<512x1xf32>, vector<512x64xf32>, vector<512x1xf32>, vector<512x1xf32>, vector<512x64xf32>, vector<512x1xf32>, vector<512x1xf32>, vector<512x64xf32>, vector<512x1xf32>, vector<512x1xf32>, vector<512x64xf32>
    }
    %div3A = vector.broadcast %while3A_20#1 : vector<512x1xf32> to vector<512x64xf32>
    %div3A_21 = arith.divf %while3A_20#2, %div3A : vector<512x64xf32>
    %div3A_22 = vector.broadcast %while3A_20#4 : vector<512x1xf32> to vector<512x64xf32>
    %div3A_23 = arith.divf %while3A_20#5, %div3A_22 : vector<512x64xf32>
    %div3A_24 = vector.broadcast %while3A_20#7 : vector<512x1xf32> to vector<512x64xf32>
    %div3A_25 = arith.divf %while3A_20#8, %div3A_24 : vector<512x64xf32>
    %div3A_26 = vector.broadcast %while3A_20#10 : vector<512x1xf32> to vector<512x64xf32>
    %div3A_27 = arith.divf %while3A_20#11, %div3A_26 : vector<512x64xf32>
    %concatenate3A = tpu.concatenate %div3A_21, %div3A_23, %div3A_25, %div3A_27 in 1 : vector<512x64xf32>, vector<512x64xf32>, vector<512x64xf32>, vector<512x64xf32> -> vector<512x256xf32>
    %swap3A = arith.constant 0 : index
    %swap3A_28 = arith.constant 0 : index
    %swap3A_29 = vector.load %arg5[%swap3A, %swap3A_28] : memref<512x256xf32, #tpu.memory_space<vmem>>, vector<512x256xf32>
    tpu.vector_store %arg5[%swap3A, %swap3A_28], %concatenate3A {strides = array<i32>} : memref<512x256xf32, #tpu.memory_space<vmem>>, vector<512x256xf32>,
    return
  }
  func.func @transform_0(%arg0: i32, %arg1: i32) -> (i32, i32) {
    %c0_i32 = arith.constant 0 : i32
    return %arg1, %arg0 : i32, i32
  }
  func.func @transform_1(%arg0: i32, %arg1: i32) -> (i32, i32) {
    %c0_i32 = arith.constant 0 : i32
    %c0_i32_0 = arith.constant 0 : i32
    return %c0_i32, %arg0 : i32, i32
  }
  func.func @transform_2(%arg0: i32, %arg1: i32) -> (i32, i32) {
    %c0_i32 = arith.constant 0 : i32
    %c0_i32_0 = arith.constant 0 : i32
    return %c0_i32, %arg0 : i32, i32
  }
  func.func @transform_3(%arg0: i32, %arg1: i32) -> (i32, i32) {
    %c0_i32 = arith.constant 0 : i32
    return %arg1, %arg0 : i32, i32
  }
}

module attributes {stable_mosaic.version = 14 : i64} {
  func.func @body(%arg0: i32, %arg1: memref<512x768xf32, #tpu.memory_space<vmem>>, %arg2: memref<768x768xf32, #tpu.memory_space<vmem>>, %arg3: memref<1x768xf32, #tpu.memory_space<vmem>>, %arg4: memref<512x768xf32, #tpu.memory_space<vmem>>, %arg5: memref<1x768xf32, #tpu.memory_space<vmem>>, %arg6: memref<1x768xf32, #tpu.memory_space<vmem>>, %arg7: memref<1x768xf32, #tpu.memory_space<vmem>>, %arg8: memref<1x768xf32, #tpu.memory_space<vmem>>, %arg9: memref<768x8xf32, #tpu.memory_space<vmem>>, %arg10: memref<1x8xf32, #tpu.memory_space<vmem>>, %arg11: memref<512x768xf32, #tpu.memory_space<vmem>>, %arg12: memref<512x768xf32, #tpu.memory_space<vmem>>, %arg13: memref<512x2xi32, #tpu.memory_space<vmem>>, %arg14: memref<512x2xf32, #tpu.memory_space<vmem>>) attributes {dimension_semantics = [#tpu.dimension_semantics<arbitrary>], iteration_bounds = array<i64: 4>, scalar_prefetch = 0 : i64, scratch_operands = 0 : i64, tpu.core_type = #tpu.core_type<tc>, window_params = [{transform_indices = @transform_0, window_bounds = array<i64: 512, 768>}, {pipeline_mode = #tpu.pipeline_mode<synchronous>, transform_indices = @transform_1, window_bounds = array<i64: 768, 768>}, {pipeline_mode = #tpu.pipeline_mode<synchronous>, transform_indices = @transform_2, window_bounds = array<i64: 1, 768>}, {transform_indices = @transform_3, window_bounds = array<i64: 512, 768>}, {pipeline_mode = #tpu.pipeline_mode<synchronous>, transform_indices = @transform_4, window_bounds = array<i64: 1, 768>}, {pipeline_mode = #tpu.pipeline_mode<synchronous>, transform_indices = @transform_5, window_bounds = array<i64: 1, 768>}, {pipeline_mode = #tpu.pipeline_mode<synchronous>, transform_indices = @transform_6, window_bounds = array<i64: 1, 768>}, {pipeline_mode = #tpu.pipeline_mode<synchronous>, transform_indices = @transform_7, window_bounds = array<i64: 1, 768>}, {pipeline_mode = #tpu.pipeline_mode<synchronous>, transform_indices = @transform_8, window_bounds = array<i64: 768, 8>}, {pipeline_mode = #tpu.pipeline_mode<synchronous>, transform_indices = @transform_9, window_bounds = array<i64: 1, 8>}, {transform_indices = @transform_10, window_bounds = array<i64: 512, 768>}, {transform_indices = @transform_11, window_bounds = array<i64: 512, 768>}, {transform_indices = @transform_12, window_bounds = array<i64: 512, 2>}, {transform_indices = @transform_13, window_bounds = array<i64: 512, 2>}]} {
    %get3A = arith.constant 0 : index
    %get3A_0 = arith.constant 0 : index
    %get3A_1 = vector.load %arg1[%get3A, %get3A_0] : memref<512x768xf32, #tpu.memory_space<vmem>>, vector<512x768xf32>
    %convert_element_type3A = arith.truncf %get3A_1 : vector<512x768xf32> to vector<512x768xbf16>
    %get3A_2 = arith.constant 0 : index
    %get3A_3 = arith.constant 0 : index
    %get3A_4 = vector.load %arg2[%get3A_2, %get3A_3] : memref<768x768xf32, #tpu.memory_space<vmem>>, vector<768x768xf32>
    %convert_element_type3A_5 = arith.truncf %get3A_4 : vector<768x768xf32> to vector<768x768xbf16>
    %dot_general3A = arith.constant dense<0.000000e+00> : vector<512x768xf32>
    %dot_general3A_6 = tpu.matmul %convert_element_type3A, %convert_element_type3A_5, %dot_general3A {dimension_numbers = #tpu.dot_dimension_numbers<[1], [0], [0], [1], [0, 0, 1, 1], [], []>, transpose_lhs_hint = false} : vector<512x768xbf16>, vector<768x768xbf16>, vector<512x768xf32> -> vector<512x768xf32>
    %get3A_7 = arith.constant 0 : index
    %get3A_8 = arith.constant 0 : index
    %get3A_9 = vector.load %arg3[%get3A_7, %get3A_8] : memref<1x768xf32, #tpu.memory_space<vmem>>, vector<1x768xf32>
    %add3A = vector.broadcast %get3A_9 : vector<1x768xf32> to vector<512x768xf32>
    %add3A_10 = arith.addf %dot_general3A_6, %add3A : vector<512x768xf32>
    %get3A_11 = arith.constant 0 : index
    %get3A_12 = arith.constant 0 : index
    %get3A_13 = vector.load %arg4[%get3A_11, %get3A_12] : memref<512x768xf32, #tpu.memory_space<vmem>>, vector<512x768xf32>
    %add3A_14 = arith.addf %add3A_10, %get3A_13 : vector<512x768xf32>
    %get3A_15 = arith.constant 0 : index
    %get3A_16 = arith.constant 0 : index
    %get3A_17 = vector.load %arg5[%get3A_15, %get3A_16] : memref<1x768xf32, #tpu.memory_space<vmem>>, vector<1x768xf32>
    %get3A_18 = arith.constant 0 : index
    %get3A_19 = arith.constant 0 : index
    %get3A_20 = vector.load %arg6[%get3A_18, %get3A_19] : memref<1x768xf32, #tpu.memory_space<vmem>>, vector<1x768xf32>
    %reduce_sum3A = arith.constant dense<0.000000e+00> : vector<512xf32>
    %reduce_sum3A_21 = vector.multi_reduction <add>, %add3A_14, %reduce_sum3A [1] : vector<512x768xf32> to vector<512xf32>
    %broadcast_in_dim3A = vector.shape_cast %reduce_sum3A_21 : vector<512xf32> to vector<512x1xf32>
    %div3A = arith.constant 7.680000e+02 : f32
    %div3A_22 = vector.broadcast %div3A : f32 to vector<512x1xf32>
    %div3A_23 = arith.divf %broadcast_in_dim3A, %div3A_22 : vector<512x1xf32>
    %sub3A = vector.broadcast %div3A_23 : vector<512x1xf32> to vector<512x768xf32>
    %sub3A_24 = arith.subf %add3A_14, %sub3A : vector<512x768xf32>
    %integer_pow3A = arith.mulf %sub3A_24, %sub3A_24 : vector<512x768xf32>
    %reduce_sum3A_25 = arith.constant dense<0.000000e+00> : vector<512xf32>
    %reduce_sum3A_26 = vector.multi_reduction <add>, %integer_pow3A, %reduce_sum3A_25 [1] : vector<512x768xf32> to vector<512xf32>
    %broadcast_in_dim3A_27 = vector.shape_cast %reduce_sum3A_26 : vector<512xf32> to vector<512x1xf32>
    %div3A_28 = arith.constant 7.680000e+02 : f32
    %div3A_29 = vector.broadcast %div3A_28 : f32 to vector<512x1xf32>
    %div3A_30 = arith.divf %broadcast_in_dim3A_27, %div3A_29 : vector<512x1xf32>
    %sub3A_31 = vector.broadcast %div3A_23 : vector<512x1xf32> to vector<512x768xf32>
    %sub3A_32 = arith.subf %add3A_14, %sub3A_31 : vector<512x768xf32>
    %add3A_33 = arith.constant 9.99999974E-6 : f32
    %add3A_34 = vector.broadcast %add3A_33 : f32 to vector<512x1xf32>
    %add3A_35 = arith.addf %div3A_30, %add3A_34 : vector<512x1xf32>
    %rsqrt3A = math.rsqrt %add3A_35 : vector<512x1xf32>
    %mul3A = vector.broadcast %rsqrt3A : vector<512x1xf32> to vector<512x768xf32>
    %mul3A_36 = arith.mulf %sub3A_32, %mul3A : vector<512x768xf32>
    %mul3A_37 = vector.broadcast %get3A_17 : vector<1x768xf32> to vector<512x768xf32>
    %mul3A_38 = arith.mulf %mul3A_36, %mul3A_37 : vector<512x768xf32>
    %add3A_39 = vector.broadcast %get3A_20 : vector<1x768xf32> to vector<512x768xf32>
    %add3A_40 = arith.addf %mul3A_38, %add3A_39 : vector<512x768xf32>
    %swap3A = arith.constant 0 : index
    %swap3A_41 = arith.constant 0 : index
    %swap3A_42 = vector.load %arg11[%swap3A, %swap3A_41] : memref<512x768xf32, #tpu.memory_space<vmem>>, vector<512x768xf32>
    tpu.vector_store %arg11[%swap3A, %swap3A_41], %add3A_40 {strides = array<i32>} : memref<512x768xf32, #tpu.memory_space<vmem>>, vector<512x768xf32>,
    %get3A_43 = arith.constant 0 : index
    %get3A_44 = arith.constant 0 : index
    %get3A_45 = vector.load %arg7[%get3A_43, %get3A_44] : memref<1x768xf32, #tpu.memory_space<vmem>>, vector<1x768xf32>
    %get3A_46 = arith.constant 0 : index
    %get3A_47 = arith.constant 0 : index
    %get3A_48 = vector.load %arg8[%get3A_46, %get3A_47] : memref<1x768xf32, #tpu.memory_space<vmem>>, vector<1x768xf32>
    %reduce_sum3A_49 = arith.constant dense<0.000000e+00> : vector<512xf32>
    %reduce_sum3A_50 = vector.multi_reduction <add>, %add3A_40, %reduce_sum3A_49 [1] : vector<512x768xf32> to vector<512xf32>
    %broadcast_in_dim3A_51 = vector.shape_cast %reduce_sum3A_50 : vector<512xf32> to vector<512x1xf32>
    %div3A_52 = arith.constant 7.680000e+02 : f32
    %div3A_53 = vector.broadcast %div3A_52 : f32 to vector<512x1xf32>
    %div3A_54 = arith.divf %broadcast_in_dim3A_51, %div3A_53 : vector<512x1xf32>
    %sub3A_55 = vector.broadcast %div3A_54 : vector<512x1xf32> to vector<512x768xf32>
    %sub3A_56 = arith.subf %add3A_40, %sub3A_55 : vector<512x768xf32>
    %integer_pow3A_57 = arith.mulf %sub3A_56, %sub3A_56 : vector<512x768xf32>
    %reduce_sum3A_58 = arith.constant dense<0.000000e+00> : vector<512xf32>
    %reduce_sum3A_59 = vector.multi_reduction <add>, %integer_pow3A_57, %reduce_sum3A_58 [1] : vector<512x768xf32> to vector<512xf32>
    %broadcast_in_dim3A_60 = vector.shape_cast %reduce_sum3A_59 : vector<512xf32> to vector<512x1xf32>
    %div3A_61 = arith.constant 7.680000e+02 : f32
    %div3A_62 = vector.broadcast %div3A_61 : f32 to vector<512x1xf32>
    %div3A_63 = arith.divf %broadcast_in_dim3A_60, %div3A_62 : vector<512x1xf32>
    %sub3A_64 = vector.broadcast %div3A_54 : vector<512x1xf32> to vector<512x768xf32>
    %sub3A_65 = arith.subf %add3A_40, %sub3A_64 : vector<512x768xf32>
    %add3A_66 = arith.constant 9.99999974E-6 : f32
    %add3A_67 = vector.broadcast %add3A_66 : f32 to vector<512x1xf32>
    %add3A_68 = arith.addf %div3A_63, %add3A_67 : vector<512x1xf32>
    %rsqrt3A_69 = math.rsqrt %add3A_68 : vector<512x1xf32>
    %mul3A_70 = vector.broadcast %rsqrt3A_69 : vector<512x1xf32> to vector<512x768xf32>
    %mul3A_71 = arith.mulf %sub3A_65, %mul3A_70 : vector<512x768xf32>
    %mul3A_72 = vector.broadcast %get3A_45 : vector<1x768xf32> to vector<512x768xf32>
    %mul3A_73 = arith.mulf %mul3A_71, %mul3A_72 : vector<512x768xf32>
    %add3A_74 = vector.broadcast %get3A_48 : vector<1x768xf32> to vector<512x768xf32>
    %add3A_75 = arith.addf %mul3A_73, %add3A_74 : vector<512x768xf32>
    %swap3A_76 = arith.constant 0 : index
    %swap3A_77 = arith.constant 0 : index
    %swap3A_78 = vector.load %arg12[%swap3A_76, %swap3A_77] : memref<512x768xf32, #tpu.memory_space<vmem>>, vector<512x768xf32>
    tpu.vector_store %arg12[%swap3A_76, %swap3A_77], %add3A_75 {strides = array<i32>} : memref<512x768xf32, #tpu.memory_space<vmem>>, vector<512x768xf32>,
    %get3A_79 = arith.constant 0 : index
    %get3A_80 = arith.constant 0 : index
    %get3A_81 = vector.load %arg9[%get3A_79, %get3A_80] : memref<768x8xf32, #tpu.memory_space<vmem>>, vector<768x8xf32>
    %dot_general3A_82 = arith.constant dense<0.000000e+00> : vector<512x8xf32>
    %dot_general3A_83 = tpu.matmul %add3A_75, %get3A_81, %dot_general3A_82 {dimension_numbers = #tpu.dot_dimension_numbers<[1], [0], [0], [1], [0, 0, 1, 1], [], []>, transpose_lhs_hint = false} : vector<512x768xf32>, vector<768x8xf32>, vector<512x8xf32> -> vector<512x8xf32>
    %get3A_84 = arith.constant 0 : index
    %get3A_85 = arith.constant 0 : index
    %get3A_86 = vector.load %arg10[%get3A_84, %get3A_85] : memref<1x8xf32, #tpu.memory_space<vmem>>, vector<1x8xf32>
    %add3A_87 = vector.broadcast %get3A_86 : vector<1x8xf32> to vector<512x8xf32>
    %add3A_88 = arith.addf %dot_general3A_83, %add3A_87 : vector<512x8xf32>
    %iota3A = tpu.iota {dimensions = array<i32: 1>} : vector<512x8xi32>
    %reduce_max3A = arith.constant dense<0xFF800000> : vector<512xf32>
    %reduce_max3A_89 = vector.multi_reduction <maximumf>, %add3A_88, %reduce_max3A [1] : vector<512x8xf32> to vector<512xf32>
    %broadcast_in_dim3A_90 = vector.shape_cast %reduce_max3A_89 : vector<512xf32> to vector<512x1xf32>
    %eq3A = vector.broadcast %broadcast_in_dim3A_90 : vector<512x1xf32> to vector<512x8xf32>
    %eq3A_91 = arith.cmpf oeq, %add3A_88, %eq3A : vector<512x8xf32>
    %jit3A = arith.constant 8 : i32
    %broadcast_in_dim3A_92 = vector.broadcast %jit3A : i32 to vector<512x8xi32>
    %select_n3A = arith.select %eq3A_91, %iota3A, %broadcast_in_dim3A_92 : vector<512x8xi1>, vector<512x8xi32>
    %reduce_min3A = arith.constant dense<2147483647> : vector<512xi32>
    %reduce_min3A_93 = vector.multi_reduction <minsi>, %select_n3A, %reduce_min3A [1] : vector<512x8xi32> to vector<512xi32>
    %broadcast_in_dim3A_94 = vector.shape_cast %reduce_min3A_93 : vector<512xi32> to vector<512x1xi32>
    %eq3A_95 = vector.broadcast %broadcast_in_dim3A_94 : vector<512x1xi32> to vector<512x8xi32>
    %eq3A_96 = arith.cmpi eq, %iota3A, %eq3A_95 : vector<512x8xi32>
    %jit3A_97 = arith.constant 0xFF800000 : f32
    %broadcast_in_dim3A_98 = vector.broadcast %jit3A_97 : f32 to vector<512x8xf32>
    %select_n3A_99 = arith.select %eq3A_96, %broadcast_in_dim3A_98, %add3A_88 : vector<512x8xi1>, vector<512x8xf32>
    %reduce_max3A_100 = arith.constant dense<0xFF800000> : vector<512xf32>
    %reduce_max3A_101 = vector.multi_reduction <maximumf>, %select_n3A_99, %reduce_max3A_100 [1] : vector<512x8xf32> to vector<512xf32>
    %broadcast_in_dim3A_102 = vector.shape_cast %reduce_max3A_101 : vector<512xf32> to vector<512x1xf32>
    %eq3A_103 = vector.broadcast %broadcast_in_dim3A_102 : vector<512x1xf32> to vector<512x8xf32>
    %eq3A_104 = arith.cmpf oeq, %select_n3A_99, %eq3A_103 : vector<512x8xf32>
    %jit3A_105 = arith.constant 8 : i32
    %broadcast_in_dim3A_106 = vector.broadcast %jit3A_105 : i32 to vector<512x8xi32>
    %select_n3A_107 = arith.select %eq3A_104, %iota3A, %broadcast_in_dim3A_106 : vector<512x8xi1>, vector<512x8xi32>
    %reduce_min3A_108 = arith.constant dense<2147483647> : vector<512xi32>
    %reduce_min3A_109 = vector.multi_reduction <minsi>, %select_n3A_107, %reduce_min3A_108 [1] : vector<512x8xi32> to vector<512xi32>
    %broadcast_in_dim3A_110 = vector.shape_cast %reduce_min3A_109 : vector<512xi32> to vector<512x1xi32>
    %sub3A_111 = arith.subf %broadcast_in_dim3A_102, %broadcast_in_dim3A_90 : vector<512x1xf32>
    %exp3A = math.exp %sub3A_111 : vector<512x1xf32>
    %add3A_112 = arith.constant 1.000000e+00 : f32
    %add3A_113 = vector.broadcast %add3A_112 : f32 to vector<512x1xf32>
    %add3A_114 = arith.addf %add3A_113, %exp3A : vector<512x1xf32>
    %div3A_115 = arith.constant 1.000000e+00 : f32
    %div3A_116 = vector.broadcast %div3A_115 : f32 to vector<512x1xf32>
    %div3A_117 = arith.divf %div3A_116, %add3A_114 : vector<512x1xf32>
    %sub3A_118 = arith.constant 1.000000e+00 : f32
    %sub3A_119 = vector.broadcast %sub3A_118 : f32 to vector<512x1xf32>
    %sub3A_120 = arith.subf %sub3A_119, %div3A_117 : vector<512x1xf32>
    %concatenate3A = tpu.concatenate %broadcast_in_dim3A_94, %broadcast_in_dim3A_110 in 1 : vector<512x1xi32>, vector<512x1xi32> -> vector<512x2xi32>
    %swap3A_121 = arith.constant 0 : index
    %swap3A_122 = arith.constant 0 : index
    %swap3A_123 = vector.load %arg13[%swap3A_121, %swap3A_122] : memref<512x2xi32, #tpu.memory_space<vmem>>, vector<512x2xi32>
    tpu.vector_store %arg13[%swap3A_121, %swap3A_122], %concatenate3A {strides = array<i32>} : memref<512x2xi32, #tpu.memory_space<vmem>>, vector<512x2xi32>,
    %concatenate3A_124 = tpu.concatenate %div3A_117, %sub3A_120 in 1 : vector<512x1xf32>, vector<512x1xf32> -> vector<512x2xf32>
    %swap3A_125 = arith.constant 0 : index
    %swap3A_126 = arith.constant 0 : index
    %swap3A_127 = vector.load %arg14[%swap3A_125, %swap3A_126] : memref<512x2xf32, #tpu.memory_space<vmem>>, vector<512x2xf32>
    tpu.vector_store %arg14[%swap3A_125, %swap3A_126], %concatenate3A_124 {strides = array<i32>} : memref<512x2xf32, #tpu.memory_space<vmem>>, vector<512x2xf32>,
    return
  }
  func.func @transform_0(%arg0: i32) -> (i32, i32) {
    %c0_i32 = arith.constant 0 : i32
    %c0_i32_0 = arith.constant 0 : i32
    return %arg0, %c0_i32 : i32, i32
  }
  func.func @transform_1(%arg0: i32) -> (i32, i32) {
    %c0_i32 = arith.constant 0 : i32
    %c0_i32_0 = arith.constant 0 : i32
    %c0_i32_1 = arith.constant 0 : i32
    return %c0_i32, %c0_i32_0 : i32, i32
  }
  func.func @transform_2(%arg0: i32) -> (i32, i32) {
    %c0_i32 = arith.constant 0 : i32
    %c0_i32_0 = arith.constant 0 : i32
    %c0_i32_1 = arith.constant 0 : i32
    return %c0_i32, %c0_i32_0 : i32, i32
  }
  func.func @transform_3(%arg0: i32) -> (i32, i32) {
    %c0_i32 = arith.constant 0 : i32
    %c0_i32_0 = arith.constant 0 : i32
    return %arg0, %c0_i32 : i32, i32
  }
  func.func @transform_4(%arg0: i32) -> (i32, i32) {
    %c0_i32 = arith.constant 0 : i32
    %c0_i32_0 = arith.constant 0 : i32
    %c0_i32_1 = arith.constant 0 : i32
    return %c0_i32, %c0_i32_0 : i32, i32
  }
  func.func @transform_5(%arg0: i32) -> (i32, i32) {
    %c0_i32 = arith.constant 0 : i32
    %c0_i32_0 = arith.constant 0 : i32
    %c0_i32_1 = arith.constant 0 : i32
    return %c0_i32, %c0_i32_0 : i32, i32
  }
  func.func @transform_6(%arg0: i32) -> (i32, i32) {
    %c0_i32 = arith.constant 0 : i32
    %c0_i32_0 = arith.constant 0 : i32
    %c0_i32_1 = arith.constant 0 : i32
    return %c0_i32, %c0_i32_0 : i32, i32
  }
  func.func @transform_7(%arg0: i32) -> (i32, i32) {
    %c0_i32 = arith.constant 0 : i32
    %c0_i32_0 = arith.constant 0 : i32
    %c0_i32_1 = arith.constant 0 : i32
    return %c0_i32, %c0_i32_0 : i32, i32
  }
  func.func @transform_8(%arg0: i32) -> (i32, i32) {
    %c0_i32 = arith.constant 0 : i32
    %c0_i32_0 = arith.constant 0 : i32
    %c0_i32_1 = arith.constant 0 : i32
    return %c0_i32, %c0_i32_0 : i32, i32
  }
  func.func @transform_9(%arg0: i32) -> (i32, i32) {
    %c0_i32 = arith.constant 0 : i32
    %c0_i32_0 = arith.constant 0 : i32
    %c0_i32_1 = arith.constant 0 : i32
    return %c0_i32, %c0_i32_0 : i32, i32
  }
  func.func @transform_10(%arg0: i32) -> (i32, i32) {
    %c0_i32 = arith.constant 0 : i32
    %c0_i32_0 = arith.constant 0 : i32
    return %arg0, %c0_i32 : i32, i32
  }
  func.func @transform_11(%arg0: i32) -> (i32, i32) {
    %c0_i32 = arith.constant 0 : i32
    %c0_i32_0 = arith.constant 0 : i32
    return %arg0, %c0_i32 : i32, i32
  }
  func.func @transform_12(%arg0: i32) -> (i32, i32) {
    %c0_i32 = arith.constant 0 : i32
    %c0_i32_0 = arith.constant 0 : i32
    return %arg0, %c0_i32 : i32, i32
  }
  func.func @transform_13(%arg0: i32) -> (i32, i32) {
    %c0_i32 = arith.constant 0 : i32
    %c0_i32_0 = arith.constant 0 : i32
    return %arg0, %c0_i32 : i32, i32
  }
}

module attributes {stable_mosaic.version = 14 : i64} {
  func.func @body(%arg0: i32, %arg1: memref<2048x2xi32, #tpu.memory_space<vmem>>, %arg2: memref<2048x2xi32, #tpu.memory_space<vmem>>, %arg3: memref<24x1xi32, #tpu.memory_space<vmem>>, %arg4: memref<1x1xi32, #tpu.memory_space<vmem>>) attributes {dimension_semantics = [#tpu.dimension_semantics<arbitrary>], iteration_bounds = array<i64: 1>, scalar_prefetch = 0 : i64, scratch_operands = 0 : i64, tpu.core_type = #tpu.core_type<tc>, window_params = [{pipeline_mode = #tpu.pipeline_mode<synchronous>, transform_indices = @transform_0, window_bounds = array<i64: 2048, 2>}, {pipeline_mode = #tpu.pipeline_mode<synchronous>, transform_indices = @transform_1, window_bounds = array<i64: 2048, 2>}, {pipeline_mode = #tpu.pipeline_mode<synchronous>, transform_indices = @transform_2, window_bounds = array<i64: 24, 1>}, {pipeline_mode = #tpu.pipeline_mode<synchronous>, transform_indices = @transform_3, window_bounds = array<i64: 1, 1>}]} {
    %get3A = arith.constant 0 : index
    %get3A_0 = arith.constant 0 : index
    %get3A_1 = vector.load %arg1[%get3A, %get3A_0] : memref<2048x2xi32, #tpu.memory_space<vmem>>, vector<2048x2xi32>
    %iota3A = tpu.iota {dimensions = array<i32: 1>} : vector<2048x8xi32>
    %slice3A = vector.extract_strided_slice %get3A_1 {offsets = [0, 0], sizes = [2048, 1], strides = [1, 1]} : vector<2048x2xi32> to vector<2048x1xi32>
    %eq3A = vector.broadcast %slice3A : vector<2048x1xi32> to vector<2048x8xi32>
    %eq3A_2 = arith.cmpi eq, %iota3A, %eq3A : vector<2048x8xi32>
    %jit3A = arith.constant 1.000000e+00 : f32
    %jit3A_3 = arith.constant 0.000000e+00 : f32
    %broadcast_in_dim3A = vector.broadcast %jit3A : f32 to vector<2048x8xf32>
    %broadcast_in_dim3A_4 = vector.broadcast %jit3A_3 : f32 to vector<2048x8xf32>
    %select_n3A = arith.select %eq3A_2, %broadcast_in_dim3A, %broadcast_in_dim3A_4 : vector<2048x8xi1>, vector<2048x8xf32>
    %slice3A_5 = vector.extract_strided_slice %get3A_1 {offsets = [0, 1], sizes = [2048, 1], strides = [1, 1]} : vector<2048x2xi32> to vector<2048x1xi32>
    %eq3A_6 = vector.broadcast %slice3A_5 : vector<2048x1xi32> to vector<2048x8xi32>
    %eq3A_7 = arith.cmpi eq, %iota3A, %eq3A_6 : vector<2048x8xi32>
    %jit3A_8 = arith.constant 1.000000e+00 : f32
    %jit3A_9 = arith.constant 0.000000e+00 : f32
    %broadcast_in_dim3A_10 = vector.broadcast %jit3A_8 : f32 to vector<2048x8xf32>
    %broadcast_in_dim3A_11 = vector.broadcast %jit3A_9 : f32 to vector<2048x8xf32>
    %select_n3A_12 = arith.select %eq3A_7, %broadcast_in_dim3A_10, %broadcast_in_dim3A_11 : vector<2048x8xi1>, vector<2048x8xf32>
    %iota3A_13 = tpu.iota {dimensions = array<i32: 1>} : vector<512x512xi32>
    %iota3A_14 = tpu.iota {dimensions = array<i32: 0>} : vector<512x512xi32>
    %lt3A = arith.cmpi slt, %iota3A_13, %iota3A_14 : vector<512x512xi32>
    %convert_element_type3A = arith.extui %lt3A : vector<512x512xi1> to vector<512x512xi32>
    %convert_element_type3A_15 = arith.sitofp %convert_element_type3A : vector<512x512xi32> to vector<512x512xf32>
    %broadcast_in_dim3A_16 = arith.constant 0.000000e+00 : f32
    %broadcast_in_dim3A_17 = vector.broadcast %broadcast_in_dim3A_16 : f32 to vector<1x8xf32>
    %slice3A_18 = vector.extract_strided_slice %select_n3A {offsets = [0, 0], sizes = [512, 8], strides = [1, 1]} : vector<2048x8xf32> to vector<512x8xf32>
    %dot_general3A = arith.constant dense<0.000000e+00> : vector<512x8xf32>
    %dot_general3A_19 = tpu.matmul %convert_element_type3A_15, %slice3A_18, %dot_general3A {dimension_numbers = #tpu.dot_dimension_numbers<[1], [0], [0], [1], [0, 0, 1, 1], [], []>, transpose_lhs_hint = false} : vector<512x512xf32>, vector<512x8xf32>, vector<512x8xf32> -> vector<512x8xf32>
    %add3A = vector.broadcast %broadcast_in_dim3A_17 : vector<1x8xf32> to vector<512x8xf32>
    %add3A_20 = arith.addf %dot_general3A_19, %add3A : vector<512x8xf32>
    %reduce_sum3A = arith.constant dense<0.000000e+00> : vector<8xf32>
    %reduce_sum3A_21 = vector.multi_reduction <add>, %slice3A_18, %reduce_sum3A [0] : vector<512x8xf32> to vector<8xf32>
    %broadcast_in_dim3A_22 = vector.shape_cast %reduce_sum3A_21 : vector<8xf32> to vector<1x8xf32>
    %add3A_23 = arith.addf %broadcast_in_dim3A_17, %broadcast_in_dim3A_22 : vector<1x8xf32>
    %slice3A_24 = vector.extract_strided_slice %select_n3A {offsets = [512, 0], sizes = [512, 8], strides = [1, 1]} : vector<2048x8xf32> to vector<512x8xf32>
    %dot_general3A_25 = arith.constant dense<0.000000e+00> : vector<512x8xf32>
    %dot_general3A_26 = tpu.matmul %convert_element_type3A_15, %slice3A_24, %dot_general3A_25 {dimension_numbers = #tpu.dot_dimension_numbers<[1], [0], [0], [1], [0, 0, 1, 1], [], []>, transpose_lhs_hint = false} : vector<512x512xf32>, vector<512x8xf32>, vector<512x8xf32> -> vector<512x8xf32>
    %add3A_27 = vector.broadcast %add3A_23 : vector<1x8xf32> to vector<512x8xf32>
    %add3A_28 = arith.addf %dot_general3A_26, %add3A_27 : vector<512x8xf32>
    %reduce_sum3A_29 = arith.constant dense<0.000000e+00> : vector<8xf32>
    %reduce_sum3A_30 = vector.multi_reduction <add>, %slice3A_24, %reduce_sum3A_29 [0] : vector<512x8xf32> to vector<8xf32>
    %broadcast_in_dim3A_31 = vector.shape_cast %reduce_sum3A_30 : vector<8xf32> to vector<1x8xf32>
    %add3A_32 = arith.addf %add3A_23, %broadcast_in_dim3A_31 : vector<1x8xf32>
    %slice3A_33 = vector.extract_strided_slice %select_n3A {offsets = [1024, 0], sizes = [512, 8], strides = [1, 1]} : vector<2048x8xf32> to vector<512x8xf32>
    %dot_general3A_34 = arith.constant dense<0.000000e+00> : vector<512x8xf32>
    %dot_general3A_35 = tpu.matmul %convert_element_type3A_15, %slice3A_33, %dot_general3A_34 {dimension_numbers = #tpu.dot_dimension_numbers<[1], [0], [0], [1], [0, 0, 1, 1], [], []>, transpose_lhs_hint = false} : vector<512x512xf32>, vector<512x8xf32>, vector<512x8xf32> -> vector<512x8xf32>
    %add3A_36 = vector.broadcast %add3A_32 : vector<1x8xf32> to vector<512x8xf32>
    %add3A_37 = arith.addf %dot_general3A_35, %add3A_36 : vector<512x8xf32>
    %reduce_sum3A_38 = arith.constant dense<0.000000e+00> : vector<8xf32>
    %reduce_sum3A_39 = vector.multi_reduction <add>, %slice3A_33, %reduce_sum3A_38 [0] : vector<512x8xf32> to vector<8xf32>
    %broadcast_in_dim3A_40 = vector.shape_cast %reduce_sum3A_39 : vector<8xf32> to vector<1x8xf32>
    %add3A_41 = arith.addf %add3A_32, %broadcast_in_dim3A_40 : vector<1x8xf32>
    %slice3A_42 = vector.extract_strided_slice %select_n3A {offsets = [1536, 0], sizes = [512, 8], strides = [1, 1]} : vector<2048x8xf32> to vector<512x8xf32>
    %dot_general3A_43 = arith.constant dense<0.000000e+00> : vector<512x8xf32>
    %dot_general3A_44 = tpu.matmul %convert_element_type3A_15, %slice3A_42, %dot_general3A_43 {dimension_numbers = #tpu.dot_dimension_numbers<[1], [0], [0], [1], [0, 0, 1, 1], [], []>, transpose_lhs_hint = false} : vector<512x512xf32>, vector<512x8xf32>, vector<512x8xf32> -> vector<512x8xf32>
    %add3A_45 = vector.broadcast %add3A_41 : vector<1x8xf32> to vector<512x8xf32>
    %add3A_46 = arith.addf %dot_general3A_44, %add3A_45 : vector<512x8xf32>
    %reduce_sum3A_47 = arith.constant dense<0.000000e+00> : vector<8xf32>
    %reduce_sum3A_48 = vector.multi_reduction <add>, %slice3A_42, %reduce_sum3A_47 [0] : vector<512x8xf32> to vector<8xf32>
    %broadcast_in_dim3A_49 = vector.shape_cast %reduce_sum3A_48 : vector<8xf32> to vector<1x8xf32>
    %add3A_50 = arith.addf %add3A_41, %broadcast_in_dim3A_49 : vector<1x8xf32>
    %concatenate3A = tpu.concatenate %add3A_20, %add3A_28, %add3A_37, %add3A_46 in 0 : vector<512x8xf32>, vector<512x8xf32>, vector<512x8xf32>, vector<512x8xf32> -> vector<2048x8xf32>
    %slice3A_51 = vector.extract_strided_slice %select_n3A_12 {offsets = [0, 0], sizes = [512, 8], strides = [1, 1]} : vector<2048x8xf32> to vector<512x8xf32>
    %dot_general3A_52 = arith.constant dense<0.000000e+00> : vector<512x8xf32>
    %dot_general3A_53 = tpu.matmul %convert_element_type3A_15, %slice3A_51, %dot_general3A_52 {dimension_numbers = #tpu.dot_dimension_numbers<[1], [0], [0], [1], [0, 0, 1, 1], [], []>, transpose_lhs_hint = false} : vector<512x512xf32>, vector<512x8xf32>, vector<512x8xf32> -> vector<512x8xf32>
    %add3A_54 = vector.broadcast %add3A_50 : vector<1x8xf32> to vector<512x8xf32>
    %add3A_55 = arith.addf %dot_general3A_53, %add3A_54 : vector<512x8xf32>
    %reduce_sum3A_56 = arith.constant dense<0.000000e+00> : vector<8xf32>
    %reduce_sum3A_57 = vector.multi_reduction <add>, %slice3A_51, %reduce_sum3A_56 [0] : vector<512x8xf32> to vector<8xf32>
    %broadcast_in_dim3A_58 = vector.shape_cast %reduce_sum3A_57 : vector<8xf32> to vector<1x8xf32>
    %add3A_59 = arith.addf %add3A_50, %broadcast_in_dim3A_58 : vector<1x8xf32>
    %slice3A_60 = vector.extract_strided_slice %select_n3A_12 {offsets = [512, 0], sizes = [512, 8], strides = [1, 1]} : vector<2048x8xf32> to vector<512x8xf32>
    %dot_general3A_61 = arith.constant dense<0.000000e+00> : vector<512x8xf32>
    %dot_general3A_62 = tpu.matmul %convert_element_type3A_15, %slice3A_60, %dot_general3A_61 {dimension_numbers = #tpu.dot_dimension_numbers<[1], [0], [0], [1], [0, 0, 1, 1], [], []>, transpose_lhs_hint = false} : vector<512x512xf32>, vector<512x8xf32>, vector<512x8xf32> -> vector<512x8xf32>
    %add3A_63 = vector.broadcast %add3A_59 : vector<1x8xf32> to vector<512x8xf32>
    %add3A_64 = arith.addf %dot_general3A_62, %add3A_63 : vector<512x8xf32>
    %reduce_sum3A_65 = arith.constant dense<0.000000e+00> : vector<8xf32>
    %reduce_sum3A_66 = vector.multi_reduction <add>, %slice3A_60, %reduce_sum3A_65 [0] : vector<512x8xf32> to vector<8xf32>
    %broadcast_in_dim3A_67 = vector.shape_cast %reduce_sum3A_66 : vector<8xf32> to vector<1x8xf32>
    %add3A_68 = arith.addf %add3A_59, %broadcast_in_dim3A_67 : vector<1x8xf32>
    %slice3A_69 = vector.extract_strided_slice %select_n3A_12 {offsets = [1024, 0], sizes = [512, 8], strides = [1, 1]} : vector<2048x8xf32> to vector<512x8xf32>
    %dot_general3A_70 = arith.constant dense<0.000000e+00> : vector<512x8xf32>
    %dot_general3A_71 = tpu.matmul %convert_element_type3A_15, %slice3A_69, %dot_general3A_70 {dimension_numbers = #tpu.dot_dimension_numbers<[1], [0], [0], [1], [0, 0, 1, 1], [], []>, transpose_lhs_hint = false} : vector<512x512xf32>, vector<512x8xf32>, vector<512x8xf32> -> vector<512x8xf32>
    %add3A_72 = vector.broadcast %add3A_68 : vector<1x8xf32> to vector<512x8xf32>
    %add3A_73 = arith.addf %dot_general3A_71, %add3A_72 : vector<512x8xf32>
    %reduce_sum3A_74 = arith.constant dense<0.000000e+00> : vector<8xf32>
    %reduce_sum3A_75 = vector.multi_reduction <add>, %slice3A_69, %reduce_sum3A_74 [0] : vector<512x8xf32> to vector<8xf32>
    %broadcast_in_dim3A_76 = vector.shape_cast %reduce_sum3A_75 : vector<8xf32> to vector<1x8xf32>
    %add3A_77 = arith.addf %add3A_68, %broadcast_in_dim3A_76 : vector<1x8xf32>
    %slice3A_78 = vector.extract_strided_slice %select_n3A_12 {offsets = [1536, 0], sizes = [512, 8], strides = [1, 1]} : vector<2048x8xf32> to vector<512x8xf32>
    %dot_general3A_79 = arith.constant dense<0.000000e+00> : vector<512x8xf32>
    %dot_general3A_80 = tpu.matmul %convert_element_type3A_15, %slice3A_78, %dot_general3A_79 {dimension_numbers = #tpu.dot_dimension_numbers<[1], [0], [0], [1], [0, 0, 1, 1], [], []>, transpose_lhs_hint = false} : vector<512x512xf32>, vector<512x8xf32>, vector<512x8xf32> -> vector<512x8xf32>
    %add3A_81 = vector.broadcast %add3A_77 : vector<1x8xf32> to vector<512x8xf32>
    %add3A_82 = arith.addf %dot_general3A_80, %add3A_81 : vector<512x8xf32>
    %reduce_sum3A_83 = arith.constant dense<0.000000e+00> : vector<8xf32>
    %reduce_sum3A_84 = vector.multi_reduction <add>, %slice3A_78, %reduce_sum3A_83 [0] : vector<512x8xf32> to vector<8xf32>
    %broadcast_in_dim3A_85 = vector.shape_cast %reduce_sum3A_84 : vector<8xf32> to vector<1x8xf32>
    %add3A_86 = arith.addf %add3A_77, %broadcast_in_dim3A_85 : vector<1x8xf32>
    %concatenate3A_87 = tpu.concatenate %add3A_55, %add3A_64, %add3A_73, %add3A_82 in 0 : vector<512x8xf32>, vector<512x8xf32>, vector<512x8xf32>, vector<512x8xf32> -> vector<2048x8xf32>
    %add3A_88 = arith.constant 2.550000e+02 : f32
    %add3A_89 = vector.broadcast %add3A_88 : f32 to vector<1x8xf32>
    %add3A_90 = arith.addf %add3A_86, %add3A_89 : vector<1x8xf32>
    %div3A = arith.constant 2.560000e+02 : f32
    %div3A_91 = vector.broadcast %div3A : f32 to vector<1x8xf32>
    %div3A_92 = arith.divf %add3A_90, %div3A_91 : vector<1x8xf32>
    %floor3A = math.floor %div3A_92 : vector<1x8xf32>
    %iota3A_93 = tpu.iota {dimensions = array<i32: 0>} : vector<8x8xi32>
    %iota3A_94 = tpu.iota {dimensions = array<i32: 1>} : vector<8x8xi32>
    %le3A = arith.cmpi sle, %iota3A_93, %iota3A_94 : vector<8x8xi32>
    %convert_element_type3A_95 = arith.extui %le3A : vector<8x8xi1> to vector<8x8xi32>
    %convert_element_type3A_96 = arith.sitofp %convert_element_type3A_95 : vector<8x8xi32> to vector<8x8xf32>
    %dot_general3A_97 = arith.constant dense<0.000000e+00> : vector<1x8xf32>
    %dot_general3A_98 = tpu.matmul %floor3A, %convert_element_type3A_96, %dot_general3A_97 {dimension_numbers = #tpu.dot_dimension_numbers<[1], [0], [0], [1], [0, 0, 1, 1], [], []>, transpose_lhs_hint = false} : vector<1x8xf32>, vector<8x8xf32>, vector<1x8xf32> -> vector<1x8xf32>
    %sub3A = arith.subf %dot_general3A_98, %floor3A : vector<1x8xf32>
    %mul3A = arith.constant 2.560000e+02 : f32
    %mul3A_99 = vector.broadcast %mul3A : f32 to vector<1x8xf32>
    %mul3A_100 = arith.mulf %sub3A, %mul3A_99 : vector<1x8xf32>
    %add3A_101 = vector.broadcast %mul3A_100 : vector<1x8xf32> to vector<2048x8xf32>
    %add3A_102 = arith.addf %add3A_101, %concatenate3A : vector<2048x8xf32>
    %mul3A_103 = arith.mulf %select_n3A, %add3A_102 : vector<2048x8xf32>
    %reduce_sum3A_104 = arith.constant dense<0.000000e+00> : vector<2048xf32>
    %reduce_sum3A_105 = vector.multi_reduction <add>, %mul3A_103, %reduce_sum3A_104 [1] : vector<2048x8xf32> to vector<2048xf32>
    %broadcast_in_dim3A_106 = vector.shape_cast %reduce_sum3A_105 : vector<2048xf32> to vector<2048x1xf32>
    %add3A_107 = vector.broadcast %mul3A_100 : vector<1x8xf32> to vector<2048x8xf32>
    %add3A_108 = arith.addf %add3A_107, %concatenate3A_87 : vector<2048x8xf32>
    %mul3A_109 = arith.mulf %select_n3A_12, %add3A_108 : vector<2048x8xf32>
    %reduce_sum3A_110 = arith.constant dense<0.000000e+00> : vector<2048xf32>
    %reduce_sum3A_111 = vector.multi_reduction <add>, %mul3A_109, %reduce_sum3A_110 [1] : vector<2048x8xf32> to vector<2048xf32>
    %broadcast_in_dim3A_112 = vector.shape_cast %reduce_sum3A_111 : vector<2048xf32> to vector<2048x1xf32>
    %concatenate3A_113 = tpu.concatenate %broadcast_in_dim3A_106, %broadcast_in_dim3A_112 in 1 : vector<2048x1xf32>, vector<2048x1xf32> -> vector<2048x2xf32>
    %convert_element_type3A_114 = arith.fptosi %concatenate3A_113 : vector<2048x2xf32> to vector<2048x2xi32>
    %swap3A = arith.constant 0 : index
    %swap3A_115 = arith.constant 0 : index
    %swap3A_116 = vector.load %arg2[%swap3A, %swap3A_115] : memref<2048x2xi32, #tpu.memory_space<vmem>>, vector<2048x2xi32>
    tpu.vector_store %arg2[%swap3A, %swap3A_115], %convert_element_type3A_114 {strides = array<i32>} : memref<2048x2xi32, #tpu.memory_space<vmem>>, vector<2048x2xi32>,
    %convert_element_type3A_117 = arith.fptosi %dot_general3A_98 : vector<1x8xf32> to vector<1x8xi32>
    %iota3A_118 = tpu.iota {dimensions = array<i32: 0>} : vector<24x8xi32>
    %ge3A = vector.broadcast %convert_element_type3A_117 : vector<1x8xi32> to vector<24x8xi32>
    %ge3A_119 = arith.cmpi sge, %iota3A_118, %ge3A : vector<24x8xi32>
    %jit3A_120 = arith.constant 1 : i32
    %jit3A_121 = arith.constant 0 : i32
    %broadcast_in_dim3A_122 = vector.broadcast %jit3A_120 : i32 to vector<24x8xi32>
    %broadcast_in_dim3A_123 = vector.broadcast %jit3A_121 : i32 to vector<24x8xi32>
    %select_n3A_124 = arith.select %ge3A_119, %broadcast_in_dim3A_122, %broadcast_in_dim3A_123 : vector<24x8xi1>, vector<24x8xi32>
    %reduce_sum3A_125 = arith.constant dense<0> : vector<24xi32>
    %reduce_sum3A_126 = vector.multi_reduction <add>, %select_n3A_124, %reduce_sum3A_125 [1] : vector<24x8xi32> to vector<24xi32>
    %broadcast_in_dim3A_127 = vector.shape_cast %reduce_sum3A_126 : vector<24xi32> to vector<24x1xi32>
    %min3A = arith.constant 7 : i32
    %min3A_128 = vector.broadcast %min3A : i32 to vector<24x1xi32>
    %min3A_129 = arith.minsi %broadcast_in_dim3A_127, %min3A_128 : vector<24x1xi32>
    %swap3A_130 = arith.constant 0 : index
    %swap3A_131 = arith.constant 0 : index
    %swap3A_132 = vector.load %arg3[%swap3A_130, %swap3A_131] : memref<24x1xi32, #tpu.memory_space<vmem>>, vector<24x1xi32>
    tpu.vector_store %arg3[%swap3A_130, %swap3A_131], %min3A_129 {strides = array<i32>} : memref<24x1xi32, #tpu.memory_space<vmem>>, vector<24x1xi32>,
    %iota3A_133 = tpu.iota {dimensions = array<i32: 1>} : vector<1x8xi32>
    %eq3A_134 = arith.constant 7 : i32
    %eq3A_135 = vector.broadcast %eq3A_134 : i32 to vector<1x8xi32>
    %eq3A_136 = arith.cmpi eq, %iota3A_133, %eq3A_135 : vector<1x8xi32>
    %jit3A_137 = arith.constant 0 : i32
    %broadcast_in_dim3A_138 = vector.broadcast %jit3A_137 : i32 to vector<1x8xi32>
    %select_n3A_139 = arith.select %eq3A_136, %convert_element_type3A_117, %broadcast_in_dim3A_138 : vector<1x8xi1>, vector<1x8xi32>
    %reduce_sum3A_140 = arith.constant dense<0> : vector<1xi32>
    %reduce_sum3A_141 = vector.multi_reduction <add>, %select_n3A_139, %reduce_sum3A_140 [1] : vector<1x8xi32> to vector<1xi32>
    %broadcast_in_dim3A_142 = vector.shape_cast %reduce_sum3A_141 : vector<1xi32> to vector<1x1xi32>
    %swap3A_143 = arith.constant 0 : index
    %swap3A_144 = arith.constant 0 : index
    %swap3A_145 = vector.load %arg4[%swap3A_143, %swap3A_144] : memref<1x1xi32, #tpu.memory_space<vmem>>, vector<1x1xi32>
    tpu.vector_store %arg4[%swap3A_143, %swap3A_144], %broadcast_in_dim3A_142 {strides = array<i32>} : memref<1x1xi32, #tpu.memory_space<vmem>>, vector<1x1xi32>,
    return
  }
  func.func @transform_0(%arg0: i32) -> (i32, i32) {
    %c0_i32 = arith.constant 0 : i32
    %c0_i32_0 = arith.constant 0 : i32
    %c0_i32_1 = arith.constant 0 : i32
    return %c0_i32, %c0_i32_0 : i32, i32
  }
  func.func @transform_1(%arg0: i32) -> (i32, i32) {
    %c0_i32 = arith.constant 0 : i32
    %c0_i32_0 = arith.constant 0 : i32
    %c0_i32_1 = arith.constant 0 : i32
    return %c0_i32, %c0_i32_0 : i32, i32
  }
  func.func @transform_2(%arg0: i32) -> (i32, i32) {
    %c0_i32 = arith.constant 0 : i32
    %c0_i32_0 = arith.constant 0 : i32
    %c0_i32_1 = arith.constant 0 : i32
    return %c0_i32, %c0_i32_0 : i32, i32
  }
  func.func @transform_3(%arg0: i32) -> (i32, i32) {
    %c0_i32 = arith.constant 0 : i32
    %c0_i32_0 = arith.constant 0 : i32
    %c0_i32_1 = arith.constant 0 : i32
    return %c0_i32, %c0_i32_0 : i32, i32
  }
}

module attributes {stable_mosaic.version = 14 : i64} {
  func.func @body(%arg0: i32, %arg1: memref<24xi32, #tpu.memory_space<smem>>, %arg2: memref<1xi32, #tpu.memory_space<smem>>, %arg3: memref<256x768xf32, #tpu.memory_space<vmem>>, %arg4: memref<1x768x1536xf32, #tpu.memory_space<vmem>>, %arg5: memref<1x1x1536xf32, #tpu.memory_space<vmem>>, %arg6: memref<1x1536x768xf32, #tpu.memory_space<vmem>>, %arg7: memref<1x1x768xf32, #tpu.memory_space<vmem>>, %arg8: memref<256x768xf32, #tpu.memory_space<vmem>>) attributes {dimension_semantics = [#tpu.dimension_semantics<arbitrary>], iteration_bounds = array<i64: 24>, scalar_prefetch = 2 : i64, scratch_operands = 0 : i64, tpu.core_type = #tpu.core_type<tc>, window_params = [{transform_indices = @transform_0, window_bounds = array<i64: 256, 768>}, {transform_indices = @transform_1, window_bounds = array<i64: 1, 768, 1536>}, {transform_indices = @transform_2, window_bounds = array<i64: 1, 1, 1536>}, {transform_indices = @transform_3, window_bounds = array<i64: 1, 1536, 768>}, {transform_indices = @transform_4, window_bounds = array<i64: 1, 1, 768>}, {transform_indices = @transform_5, window_bounds = array<i64: 256, 768>}]} {
    %get3A = arith.constant 0 : index
    %get3A_0 = memref.load %arg2[%get3A] : memref<1xi32, #tpu.memory_space<smem>>
    %lt3A = arith.cmpi slt, %arg0, %get3A_0 : i32
    %convert_element_type3A = arith.extui %lt3A : i1 to i32
    %cond3A = arith.constant 0 : i32
    %cond3A_1 = arith.cmpi ne, %convert_element_type3A, %cond3A : i32
    scf.if %cond3A_1 {
      %get3A_2 = arith.constant 0 : index
      %get3A_3 = arith.constant 0 : index
      %get3A_4 = vector.load %arg3[%get3A_2, %get3A_3] : memref<256x768xf32, #tpu.memory_space<vmem>>, vector<256x768xf32>
      %convert_element_type3A_5 = arith.truncf %get3A_4 : vector<256x768xf32> to vector<256x768xbf16>
      %get3A_6 = arith.constant 0 : index
      %get3A_7 = arith.constant 0 : index
      %get3A_8 = arith.constant 0 : index
      %get3A_9 = vector.load %arg4[%get3A_6, %get3A_7, %get3A_8] : memref<1x768x1536xf32, #tpu.memory_space<vmem>>, vector<1x768x1536xf32>
      %get3A_10 = vector.shape_cast %get3A_9 : vector<1x768x1536xf32> to vector<768x1536xf32>
      %convert_element_type3A_11 = arith.truncf %get3A_10 : vector<768x1536xf32> to vector<768x1536xbf16>
      %dot_general3A = arith.constant dense<0.000000e+00> : vector<256x1536xf32>
      %dot_general3A_12 = tpu.matmul %convert_element_type3A_5, %convert_element_type3A_11, %dot_general3A {dimension_numbers = #tpu.dot_dimension_numbers<[1], [0], [0], [1], [0, 0, 1, 1], [], []>, transpose_lhs_hint = false} : vector<256x768xbf16>, vector<768x1536xbf16>, vector<256x1536xf32> -> vector<256x1536xf32>
      %get3A_13 = arith.constant 0 : index
      %get3A_14 = arith.constant 0 : index
      %get3A_15 = arith.constant 0 : index
      %get3A_16 = vector.load %arg5[%get3A_13, %get3A_14, %get3A_15] : memref<1x1x1536xf32, #tpu.memory_space<vmem>>, vector<1x1x1536xf32>
      %get3A_17 = vector.shape_cast %get3A_16 : vector<1x1x1536xf32> to vector<1x1536xf32>
      %add3A = vector.broadcast %get3A_17 : vector<1x1536xf32> to vector<256x1536xf32>
      %add3A_18 = arith.addf %dot_general3A_12, %add3A : vector<256x1536xf32>
      %integer_pow3A = arith.mulf %add3A_18, %add3A_18 : vector<256x1536xf32>
      %integer_pow3A_19 = arith.mulf %add3A_18, %integer_pow3A : vector<256x1536xf32>
      %mul3A = arith.constant 4.471500e-02 : f32
      %mul3A_20 = vector.broadcast %mul3A : f32 to vector<256x1536xf32>
      %mul3A_21 = arith.mulf %mul3A_20, %integer_pow3A_19 : vector<256x1536xf32>
      %add3A_22 = arith.addf %add3A_18, %mul3A_21 : vector<256x1536xf32>
      %mul3A_23 = arith.constant 0.797884583 : f32
      %mul3A_24 = vector.broadcast %mul3A_23 : f32 to vector<256x1536xf32>
      %mul3A_25 = arith.mulf %mul3A_24, %add3A_22 : vector<256x1536xf32>
      %tanh3A = math.tanh %mul3A_25 : vector<256x1536xf32>
      %add3A_26 = arith.constant 1.000000e+00 : f32
      %add3A_27 = vector.broadcast %add3A_26 : f32 to vector<256x1536xf32>
      %add3A_28 = arith.addf %add3A_27, %tanh3A : vector<256x1536xf32>
      %mul3A_29 = arith.constant 5.000000e-01 : f32
      %mul3A_30 = vector.broadcast %mul3A_29 : f32 to vector<256x1536xf32>
      %mul3A_31 = arith.mulf %mul3A_30, %add3A_28 : vector<256x1536xf32>
      %mul3A_32 = arith.mulf %add3A_18, %mul3A_31 : vector<256x1536xf32>
      %convert_element_type3A_33 = arith.truncf %mul3A_32 : vector<256x1536xf32> to vector<256x1536xbf16>
      %get3A_34 = arith.constant 0 : index
      %get3A_35 = arith.constant 0 : index
      %get3A_36 = arith.constant 0 : index
      %get3A_37 = vector.load %arg6[%get3A_34, %get3A_35, %get3A_36] : memref<1x1536x768xf32, #tpu.memory_space<vmem>>, vector<1x1536x768xf32>
      %get3A_38 = vector.shape_cast %get3A_37 : vector<1x1536x768xf32> to vector<1536x768xf32>
      %convert_element_type3A_39 = arith.truncf %get3A_38 : vector<1536x768xf32> to vector<1536x768xbf16>
      %dot_general3A_40 = arith.constant dense<0.000000e+00> : vector<256x768xf32>
      %dot_general3A_41 = tpu.matmul %convert_element_type3A_33, %convert_element_type3A_39, %dot_general3A_40 {dimension_numbers = #tpu.dot_dimension_numbers<[1], [0], [0], [1], [0, 0, 1, 1], [], []>, transpose_lhs_hint = false} : vector<256x1536xbf16>, vector<1536x768xbf16>, vector<256x768xf32> -> vector<256x768xf32>
      %get3A_42 = arith.constant 0 : index
      %get3A_43 = arith.constant 0 : index
      %get3A_44 = arith.constant 0 : index
      %get3A_45 = vector.load %arg7[%get3A_42, %get3A_43, %get3A_44] : memref<1x1x768xf32, #tpu.memory_space<vmem>>, vector<1x1x768xf32>
      %get3A_46 = vector.shape_cast %get3A_45 : vector<1x1x768xf32> to vector<1x768xf32>
      %add3A_47 = vector.broadcast %get3A_46 : vector<1x768xf32> to vector<256x768xf32>
      %add3A_48 = arith.addf %dot_general3A_41, %add3A_47 : vector<256x768xf32>
      %swap3A = arith.constant 0 : index
      %swap3A_49 = arith.constant 0 : index
      %swap3A_50 = vector.load %arg8[%swap3A, %swap3A_49] : memref<256x768xf32, #tpu.memory_space<vmem>>, vector<256x768xf32>
      tpu.vector_store %arg8[%swap3A, %swap3A_49], %add3A_48 {strides = array<i32>} : memref<256x768xf32, #tpu.memory_space<vmem>>, vector<256x768xf32>,
    } else {
    }
    return
  }
  func.func @transform_0(%arg0: i32, %arg1: memref<24xi32, #tpu.memory_space<smem>>, %arg2: memref<1xi32, #tpu.memory_space<smem>>) -> (i32, i32) {
    %c0_i32 = arith.constant 0 : i32
    %c0_i32_0 = arith.constant 0 : i32
    return %arg0, %c0_i32 : i32, i32
  }
  func.func @transform_1(%arg0: i32, %arg1: memref<24xi32, #tpu.memory_space<smem>>, %arg2: memref<1xi32, #tpu.memory_space<smem>>) -> (i32, i32, i32) {
    %get3A = arith.index_cast %arg0 : i32 to index
    %get3A_0 = memref.load %arg1[%get3A] : memref<24xi32, #tpu.memory_space<smem>>
    %c0_i32 = arith.constant 0 : i32
    %c0_i32_1 = arith.constant 0 : i32
    %c0_i32_2 = arith.constant 0 : i32
    return %get3A_0, %c0_i32, %c0_i32_1 : i32, i32, i32
  }
  func.func @transform_2(%arg0: i32, %arg1: memref<24xi32, #tpu.memory_space<smem>>, %arg2: memref<1xi32, #tpu.memory_space<smem>>) -> (i32, i32, i32) {
    %get3A = arith.index_cast %arg0 : i32 to index
    %get3A_0 = memref.load %arg1[%get3A] : memref<24xi32, #tpu.memory_space<smem>>
    %c0_i32 = arith.constant 0 : i32
    %c0_i32_1 = arith.constant 0 : i32
    %c0_i32_2 = arith.constant 0 : i32
    return %get3A_0, %c0_i32, %c0_i32_1 : i32, i32, i32
  }
  func.func @transform_3(%arg0: i32, %arg1: memref<24xi32, #tpu.memory_space<smem>>, %arg2: memref<1xi32, #tpu.memory_space<smem>>) -> (i32, i32, i32) {
    %get3A = arith.index_cast %arg0 : i32 to index
    %get3A_0 = memref.load %arg1[%get3A] : memref<24xi32, #tpu.memory_space<smem>>
    %c0_i32 = arith.constant 0 : i32
    %c0_i32_1 = arith.constant 0 : i32
    %c0_i32_2 = arith.constant 0 : i32
    return %get3A_0, %c0_i32, %c0_i32_1 : i32, i32, i32
  }
  func.func @transform_4(%arg0: i32, %arg1: memref<24xi32, #tpu.memory_space<smem>>, %arg2: memref<1xi32, #tpu.memory_space<smem>>) -> (i32, i32, i32) {
    %get3A = arith.index_cast %arg0 : i32 to index
    %get3A_0 = memref.load %arg1[%get3A] : memref<24xi32, #tpu.memory_space<smem>>
    %c0_i32 = arith.constant 0 : i32
    %c0_i32_1 = arith.constant 0 : i32
    %c0_i32_2 = arith.constant 0 : i32
    return %get3A_0, %c0_i32, %c0_i32_1 : i32, i32, i32
  }
  func.func @transform_5(%arg0: i32, %arg1: memref<24xi32, #tpu.memory_space<smem>>, %arg2: memref<1xi32, #tpu.memory_space<smem>>) -> (i32, i32) {
    %c0_i32 = arith.constant 0 : i32
    %c0_i32_0 = arith.constant 0 : i32
    return %arg0, %c0_i32 : i32, i32
  }
}

module attributes {stable_mosaic.version = 14 : i64} {
  func.func @body(%arg0: i32, %arg1: memref<512x768xf32, #tpu.memory_space<vmem>>, %arg2: memref<512x768xf32, #tpu.memory_space<vmem>>, %arg3: memref<512x768xf32, #tpu.memory_space<vmem>>, %arg4: memref<512x2xf32, #tpu.memory_space<vmem>>, %arg5: memref<768x768xf32, #tpu.memory_space<vmem>>, %arg6: memref<1x768xf32, #tpu.memory_space<vmem>>, %arg7: memref<768x768xf32, #tpu.memory_space<vmem>>, %arg8: memref<1x768xf32, #tpu.memory_space<vmem>>, %arg9: memref<768x768xf32, #tpu.memory_space<vmem>>, %arg10: memref<1x768xf32, #tpu.memory_space<vmem>>, %arg11: memref<512x768xf32, #tpu.memory_space<vmem>>, %arg12: memref<512x768xf32, #tpu.memory_space<vmem>>, %arg13: memref<512x768xf32, #tpu.memory_space<vmem>>, %arg14: memref<512x768xf32, #tpu.memory_space<vmem>>) attributes {dimension_semantics = [#tpu.dimension_semantics<arbitrary>], iteration_bounds = array<i64: 4>, scalar_prefetch = 0 : i64, scratch_operands = 0 : i64, tpu.core_type = #tpu.core_type<tc>, window_params = [{transform_indices = @transform_0, window_bounds = array<i64: 512, 768>}, {transform_indices = @transform_1, window_bounds = array<i64: 512, 768>}, {transform_indices = @transform_2, window_bounds = array<i64: 512, 768>}, {transform_indices = @transform_3, window_bounds = array<i64: 512, 2>}, {pipeline_mode = #tpu.pipeline_mode<synchronous>, transform_indices = @transform_4, window_bounds = array<i64: 768, 768>}, {pipeline_mode = #tpu.pipeline_mode<synchronous>, transform_indices = @transform_5, window_bounds = array<i64: 1, 768>}, {pipeline_mode = #tpu.pipeline_mode<synchronous>, transform_indices = @transform_6, window_bounds = array<i64: 768, 768>}, {pipeline_mode = #tpu.pipeline_mode<synchronous>, transform_indices = @transform_7, window_bounds = array<i64: 1, 768>}, {pipeline_mode = #tpu.pipeline_mode<synchronous>, transform_indices = @transform_8, window_bounds = array<i64: 768, 768>}, {pipeline_mode = #tpu.pipeline_mode<synchronous>, transform_indices = @transform_9, window_bounds = array<i64: 1, 768>}, {transform_indices = @transform_10, window_bounds = array<i64: 512, 768>}, {transform_indices = @transform_11, window_bounds = array<i64: 512, 768>}, {transform_indices = @transform_12, window_bounds = array<i64: 512, 768>}, {transform_indices = @transform_13, window_bounds = array<i64: 512, 768>}]} {
    %get3A = arith.constant 0 : index
    %get3A_0 = arith.constant 0 : index
    %get3A_1 = vector.load %arg4[%get3A, %get3A_0] : memref<512x2xf32, #tpu.memory_space<vmem>>, vector<512x2xf32>
    %get3A_2 = arith.constant 0 : index
    %get3A_3 = arith.constant 0 : index
    %get3A_4 = vector.load %arg1[%get3A_2, %get3A_3] : memref<512x768xf32, #tpu.memory_space<vmem>>, vector<512x768xf32>
    %slice3A = vector.extract_strided_slice %get3A_1 {offsets = [0, 0], sizes = [512, 1], strides = [1, 1]} : vector<512x2xf32> to vector<512x1xf32>
    %get3A_5 = arith.constant 0 : index
    %get3A_6 = arith.constant 0 : index
    %get3A_7 = vector.load %arg2[%get3A_5, %get3A_6] : memref<512x768xf32, #tpu.memory_space<vmem>>, vector<512x768xf32>
    %mul3A = vector.broadcast %slice3A : vector<512x1xf32> to vector<512x768xf32>
    %mul3A_8 = arith.mulf %mul3A, %get3A_7 : vector<512x768xf32>
    %add3A = arith.addf %get3A_4, %mul3A_8 : vector<512x768xf32>
    %slice3A_9 = vector.extract_strided_slice %get3A_1 {offsets = [0, 1], sizes = [512, 1], strides = [1, 1]} : vector<512x2xf32> to vector<512x1xf32>
    %get3A_10 = arith.constant 0 : index
    %get3A_11 = arith.constant 0 : index
    %get3A_12 = vector.load %arg3[%get3A_10, %get3A_11] : memref<512x768xf32, #tpu.memory_space<vmem>>, vector<512x768xf32>
    %mul3A_13 = vector.broadcast %slice3A_9 : vector<512x1xf32> to vector<512x768xf32>
    %mul3A_14 = arith.mulf %mul3A_13, %get3A_12 : vector<512x768xf32>
    %add3A_15 = arith.addf %add3A, %mul3A_14 : vector<512x768xf32>
    %swap3A = arith.constant 0 : index
    %swap3A_16 = arith.constant 0 : index
    %swap3A_17 = vector.load %arg14[%swap3A, %swap3A_16] : memref<512x768xf32, #tpu.memory_space<vmem>>, vector<512x768xf32>
    tpu.vector_store %arg14[%swap3A, %swap3A_16], %add3A_15 {strides = array<i32>} : memref<512x768xf32, #tpu.memory_space<vmem>>, vector<512x768xf32>,
    %convert_element_type3A = arith.truncf %add3A_15 : vector<512x768xf32> to vector<512x768xbf16>
    %get3A_18 = arith.constant 0 : index
    %get3A_19 = arith.constant 0 : index
    %get3A_20 = vector.load %arg5[%get3A_18, %get3A_19] : memref<768x768xf32, #tpu.memory_space<vmem>>, vector<768x768xf32>
    %convert_element_type3A_21 = arith.truncf %get3A_20 : vector<768x768xf32> to vector<768x768xbf16>
    %dot_general3A = arith.constant dense<0.000000e+00> : vector<512x768xf32>
    %dot_general3A_22 = tpu.matmul %convert_element_type3A, %convert_element_type3A_21, %dot_general3A {dimension_numbers = #tpu.dot_dimension_numbers<[1], [0], [0], [1], [0, 0, 1, 1], [], []>, transpose_lhs_hint = false} : vector<512x768xbf16>, vector<768x768xbf16>, vector<512x768xf32> -> vector<512x768xf32>
    %get3A_23 = arith.constant 0 : index
    %get3A_24 = arith.constant 0 : index
    %get3A_25 = vector.load %arg6[%get3A_23, %get3A_24] : memref<1x768xf32, #tpu.memory_space<vmem>>, vector<1x768xf32>
    %add3A_26 = vector.broadcast %get3A_25 : vector<1x768xf32> to vector<512x768xf32>
    %add3A_27 = arith.addf %dot_general3A_22, %add3A_26 : vector<512x768xf32>
    %swap3A_28 = arith.constant 0 : index
    %swap3A_29 = arith.constant 0 : index
    %swap3A_30 = vector.load %arg11[%swap3A_28, %swap3A_29] : memref<512x768xf32, #tpu.memory_space<vmem>>, vector<512x768xf32>
    tpu.vector_store %arg11[%swap3A_28, %swap3A_29], %add3A_27 {strides = array<i32>} : memref<512x768xf32, #tpu.memory_space<vmem>>, vector<512x768xf32>,
    %get3A_31 = arith.constant 0 : index
    %get3A_32 = arith.constant 0 : index
    %get3A_33 = vector.load %arg7[%get3A_31, %get3A_32] : memref<768x768xf32, #tpu.memory_space<vmem>>, vector<768x768xf32>
    %convert_element_type3A_34 = arith.truncf %get3A_33 : vector<768x768xf32> to vector<768x768xbf16>
    %dot_general3A_35 = arith.constant dense<0.000000e+00> : vector<512x768xf32>
    %dot_general3A_36 = tpu.matmul %convert_element_type3A, %convert_element_type3A_34, %dot_general3A_35 {dimension_numbers = #tpu.dot_dimension_numbers<[1], [0], [0], [1], [0, 0, 1, 1], [], []>, transpose_lhs_hint = false} : vector<512x768xbf16>, vector<768x768xbf16>, vector<512x768xf32> -> vector<512x768xf32>
    %get3A_37 = arith.constant 0 : index
    %get3A_38 = arith.constant 0 : index
    %get3A_39 = vector.load %arg8[%get3A_37, %get3A_38] : memref<1x768xf32, #tpu.memory_space<vmem>>, vector<1x768xf32>
    %add3A_40 = vector.broadcast %get3A_39 : vector<1x768xf32> to vector<512x768xf32>
    %add3A_41 = arith.addf %dot_general3A_36, %add3A_40 : vector<512x768xf32>
    %swap3A_42 = arith.constant 0 : index
    %swap3A_43 = arith.constant 0 : index
    %swap3A_44 = vector.load %arg12[%swap3A_42, %swap3A_43] : memref<512x768xf32, #tpu.memory_space<vmem>>, vector<512x768xf32>
    tpu.vector_store %arg12[%swap3A_42, %swap3A_43], %add3A_41 {strides = array<i32>} : memref<512x768xf32, #tpu.memory_space<vmem>>, vector<512x768xf32>,
    %get3A_45 = arith.constant 0 : index
    %get3A_46 = arith.constant 0 : index
    %get3A_47 = vector.load %arg9[%get3A_45, %get3A_46] : memref<768x768xf32, #tpu.memory_space<vmem>>, vector<768x768xf32>
    %convert_element_type3A_48 = arith.truncf %get3A_47 : vector<768x768xf32> to vector<768x768xbf16>
    %dot_general3A_49 = arith.constant dense<0.000000e+00> : vector<512x768xf32>
    %dot_general3A_50 = tpu.matmul %convert_element_type3A, %convert_element_type3A_48, %dot_general3A_49 {dimension_numbers = #tpu.dot_dimension_numbers<[1], [0], [0], [1], [0, 0, 1, 1], [], []>, transpose_lhs_hint = false} : vector<512x768xbf16>, vector<768x768xbf16>, vector<512x768xf32> -> vector<512x768xf32>
    %get3A_51 = arith.constant 0 : index
    %get3A_52 = arith.constant 0 : index
    %get3A_53 = vector.load %arg10[%get3A_51, %get3A_52] : memref<1x768xf32, #tpu.memory_space<vmem>>, vector<1x768xf32>
    %add3A_54 = vector.broadcast %get3A_53 : vector<1x768xf32> to vector<512x768xf32>
    %add3A_55 = arith.addf %dot_general3A_50, %add3A_54 : vector<512x768xf32>
    %swap3A_56 = arith.constant 0 : index
    %swap3A_57 = arith.constant 0 : index
    %swap3A_58 = vector.load %arg13[%swap3A_56, %swap3A_57] : memref<512x768xf32, #tpu.memory_space<vmem>>, vector<512x768xf32>
    tpu.vector_store %arg13[%swap3A_56, %swap3A_57], %add3A_55 {strides = array<i32>} : memref<512x768xf32, #tpu.memory_space<vmem>>, vector<512x768xf32>,
    return
  }
  func.func @transform_0(%arg0: i32) -> (i32, i32) {
    %c0_i32 = arith.constant 0 : i32
    %c0_i32_0 = arith.constant 0 : i32
    return %arg0, %c0_i32 : i32, i32
  }
  func.func @transform_1(%arg0: i32) -> (i32, i32) {
    %c0_i32 = arith.constant 0 : i32
    %c0_i32_0 = arith.constant 0 : i32
    return %arg0, %c0_i32 : i32, i32
  }
  func.func @transform_2(%arg0: i32) -> (i32, i32) {
    %c0_i32 = arith.constant 0 : i32
    %c0_i32_0 = arith.constant 0 : i32
    return %arg0, %c0_i32 : i32, i32
  }
  func.func @transform_3(%arg0: i32) -> (i32, i32) {
    %c0_i32 = arith.constant 0 : i32
    %c0_i32_0 = arith.constant 0 : i32
    return %arg0, %c0_i32 : i32, i32
  }
  func.func @transform_4(%arg0: i32) -> (i32, i32) {
    %c0_i32 = arith.constant 0 : i32
    %c0_i32_0 = arith.constant 0 : i32
    %c0_i32_1 = arith.constant 0 : i32
    return %c0_i32, %c0_i32_0 : i32, i32
  }
  func.func @transform_5(%arg0: i32) -> (i32, i32) {
    %c0_i32 = arith.constant 0 : i32
    %c0_i32_0 = arith.constant 0 : i32
    %c0_i32_1 = arith.constant 0 : i32
    return %c0_i32, %c0_i32_0 : i32, i32
  }
  func.func @transform_6(%arg0: i32) -> (i32, i32) {
    %c0_i32 = arith.constant 0 : i32
    %c0_i32_0 = arith.constant 0 : i32
    %c0_i32_1 = arith.constant 0 : i32
    return %c0_i32, %c0_i32_0 : i32, i32
  }
  func.func @transform_7(%arg0: i32) -> (i32, i32) {
    %c0_i32 = arith.constant 0 : i32
    %c0_i32_0 = arith.constant 0 : i32
    %c0_i32_1 = arith.constant 0 : i32
    return %c0_i32, %c0_i32_0 : i32, i32
  }
  func.func @transform_8(%arg0: i32) -> (i32, i32) {
    %c0_i32 = arith.constant 0 : i32
    %c0_i32_0 = arith.constant 0 : i32
    %c0_i32_1 = arith.constant 0 : i32
    return %c0_i32, %c0_i32_0 : i32, i32
  }
  func.func @transform_9(%arg0: i32) -> (i32, i32) {
    %c0_i32 = arith.constant 0 : i32
    %c0_i32_0 = arith.constant 0 : i32
    %c0_i32_1 = arith.constant 0 : i32
    return %c0_i32, %c0_i32_0 : i32, i32
  }
  func.func @transform_10(%arg0: i32) -> (i32, i32) {
    %c0_i32 = arith.constant 0 : i32
    %c0_i32_0 = arith.constant 0 : i32
    return %arg0, %c0_i32 : i32, i32
  }
  func.func @transform_11(%arg0: i32) -> (i32, i32) {
    %c0_i32 = arith.constant 0 : i32
    %c0_i32_0 = arith.constant 0 : i32
    return %arg0, %c0_i32 : i32, i32
  }
  func.func @transform_12(%arg0: i32) -> (i32, i32) {
    %c0_i32 = arith.constant 0 : i32
    %c0_i32_0 = arith.constant 0 : i32
    return %arg0, %c0_i32 : i32, i32
  }
  func.func @transform_13(%arg0: i32) -> (i32, i32) {
    %c0_i32 = arith.constant 0 : i32
    %c0_i32_0 = arith.constant 0 : i32
    return %arg0, %c0_i32 : i32, i32
  }
}

module attributes {stable_mosaic.version = 14 : i64} {
  func.func @body(%arg0: i32, %arg1: memref<512x768xf32, #tpu.memory_space<vmem>>, %arg2: memref<512x768xf32, #tpu.memory_space<vmem>>, %arg3: memref<512x768xf32, #tpu.memory_space<vmem>>, %arg4: memref<512x2xf32, #tpu.memory_space<vmem>>, %arg5: memref<1x768xf32, #tpu.memory_space<vmem>>, %arg6: memref<1x768xf32, #tpu.memory_space<vmem>>, %arg7: memref<512x768xbf16, #tpu.memory_space<vmem>>) attributes {dimension_semantics = [#tpu.dimension_semantics<arbitrary>], iteration_bounds = array<i64: 4>, scalar_prefetch = 0 : i64, scratch_operands = 0 : i64, tpu.core_type = #tpu.core_type<tc>, window_params = [{transform_indices = @transform_0, window_bounds = array<i64: 512, 768>}, {transform_indices = @transform_1, window_bounds = array<i64: 512, 768>}, {transform_indices = @transform_2, window_bounds = array<i64: 512, 768>}, {transform_indices = @transform_3, window_bounds = array<i64: 512, 2>}, {pipeline_mode = #tpu.pipeline_mode<synchronous>, transform_indices = @transform_4, window_bounds = array<i64: 1, 768>}, {pipeline_mode = #tpu.pipeline_mode<synchronous>, transform_indices = @transform_5, window_bounds = array<i64: 1, 768>}, {transform_indices = @transform_6, window_bounds = array<i64: 512, 768>}]} {
    %get3A = arith.constant 0 : index
    %get3A_0 = arith.constant 0 : index
    %get3A_1 = vector.load %arg4[%get3A, %get3A_0] : memref<512x2xf32, #tpu.memory_space<vmem>>, vector<512x2xf32>
    %get3A_2 = arith.constant 0 : index
    %get3A_3 = arith.constant 0 : index
    %get3A_4 = vector.load %arg1[%get3A_2, %get3A_3] : memref<512x768xf32, #tpu.memory_space<vmem>>, vector<512x768xf32>
    %slice3A = vector.extract_strided_slice %get3A_1 {offsets = [0, 0], sizes = [512, 1], strides = [1, 1]} : vector<512x2xf32> to vector<512x1xf32>
    %get3A_5 = arith.constant 0 : index
    %get3A_6 = arith.constant 0 : index
    %get3A_7 = vector.load %arg2[%get3A_5, %get3A_6] : memref<512x768xf32, #tpu.memory_space<vmem>>, vector<512x768xf32>
    %mul3A = vector.broadcast %slice3A : vector<512x1xf32> to vector<512x768xf32>
    %mul3A_8 = arith.mulf %mul3A, %get3A_7 : vector<512x768xf32>
    %add3A = arith.addf %get3A_4, %mul3A_8 : vector<512x768xf32>
    %slice3A_9 = vector.extract_strided_slice %get3A_1 {offsets = [0, 1], sizes = [512, 1], strides = [1, 1]} : vector<512x2xf32> to vector<512x1xf32>
    %get3A_10 = arith.constant 0 : index
    %get3A_11 = arith.constant 0 : index
    %get3A_12 = vector.load %arg3[%get3A_10, %get3A_11] : memref<512x768xf32, #tpu.memory_space<vmem>>, vector<512x768xf32>
    %mul3A_13 = vector.broadcast %slice3A_9 : vector<512x1xf32> to vector<512x768xf32>
    %mul3A_14 = arith.mulf %mul3A_13, %get3A_12 : vector<512x768xf32>
    %add3A_15 = arith.addf %add3A, %mul3A_14 : vector<512x768xf32>
    %get3A_16 = arith.constant 0 : index
    %get3A_17 = arith.constant 0 : index
    %get3A_18 = vector.load %arg5[%get3A_16, %get3A_17] : memref<1x768xf32, #tpu.memory_space<vmem>>, vector<1x768xf32>
    %get3A_19 = arith.constant 0 : index
    %get3A_20 = arith.constant 0 : index
    %get3A_21 = vector.load %arg6[%get3A_19, %get3A_20] : memref<1x768xf32, #tpu.memory_space<vmem>>, vector<1x768xf32>
    %reduce_sum3A = arith.constant dense<0.000000e+00> : vector<512xf32>
    %reduce_sum3A_22 = vector.multi_reduction <add>, %add3A_15, %reduce_sum3A [1] : vector<512x768xf32> to vector<512xf32>
    %broadcast_in_dim3A = vector.shape_cast %reduce_sum3A_22 : vector<512xf32> to vector<512x1xf32>
    %div3A = arith.constant 7.680000e+02 : f32
    %div3A_23 = vector.broadcast %div3A : f32 to vector<512x1xf32>
    %div3A_24 = arith.divf %broadcast_in_dim3A, %div3A_23 : vector<512x1xf32>
    %sub3A = vector.broadcast %div3A_24 : vector<512x1xf32> to vector<512x768xf32>
    %sub3A_25 = arith.subf %add3A_15, %sub3A : vector<512x768xf32>
    %integer_pow3A = arith.mulf %sub3A_25, %sub3A_25 : vector<512x768xf32>
    %reduce_sum3A_26 = arith.constant dense<0.000000e+00> : vector<512xf32>
    %reduce_sum3A_27 = vector.multi_reduction <add>, %integer_pow3A, %reduce_sum3A_26 [1] : vector<512x768xf32> to vector<512xf32>
    %broadcast_in_dim3A_28 = vector.shape_cast %reduce_sum3A_27 : vector<512xf32> to vector<512x1xf32>
    %div3A_29 = arith.constant 7.680000e+02 : f32
    %div3A_30 = vector.broadcast %div3A_29 : f32 to vector<512x1xf32>
    %div3A_31 = arith.divf %broadcast_in_dim3A_28, %div3A_30 : vector<512x1xf32>
    %sub3A_32 = vector.broadcast %div3A_24 : vector<512x1xf32> to vector<512x768xf32>
    %sub3A_33 = arith.subf %add3A_15, %sub3A_32 : vector<512x768xf32>
    %add3A_34 = arith.constant 9.99999974E-6 : f32
    %add3A_35 = vector.broadcast %add3A_34 : f32 to vector<512x1xf32>
    %add3A_36 = arith.addf %div3A_31, %add3A_35 : vector<512x1xf32>
    %rsqrt3A = math.rsqrt %add3A_36 : vector<512x1xf32>
    %mul3A_37 = vector.broadcast %rsqrt3A : vector<512x1xf32> to vector<512x768xf32>
    %mul3A_38 = arith.mulf %sub3A_33, %mul3A_37 : vector<512x768xf32>
    %mul3A_39 = vector.broadcast %get3A_18 : vector<1x768xf32> to vector<512x768xf32>
    %mul3A_40 = arith.mulf %mul3A_38, %mul3A_39 : vector<512x768xf32>
    %add3A_41 = vector.broadcast %get3A_21 : vector<1x768xf32> to vector<512x768xf32>
    %add3A_42 = arith.addf %mul3A_40, %add3A_41 : vector<512x768xf32>
    %convert_element_type3A = arith.truncf %add3A_42 : vector<512x768xf32> to vector<512x768xbf16>
    %swap3A = arith.constant 0 : index
    %swap3A_43 = arith.constant 0 : index
    %swap3A_44 = vector.load %arg7[%swap3A, %swap3A_43] : memref<512x768xbf16, #tpu.memory_space<vmem>>, vector<512x768xbf16>
    tpu.vector_store %arg7[%swap3A, %swap3A_43], %convert_element_type3A {strides = array<i32>} : memref<512x768xbf16, #tpu.memory_space<vmem>>, vector<512x768xbf16>,
    return
  }
  func.func @transform_0(%arg0: i32) -> (i32, i32) {
    %c0_i32 = arith.constant 0 : i32
    %c0_i32_0 = arith.constant 0 : i32
    return %arg0, %c0_i32 : i32, i32
  }
  func.func @transform_1(%arg0: i32) -> (i32, i32) {
    %c0_i32 = arith.constant 0 : i32
    %c0_i32_0 = arith.constant 0 : i32
    return %arg0, %c0_i32 : i32, i32
  }
  func.func @transform_2(%arg0: i32) -> (i32, i32) {
    %c0_i32 = arith.constant 0 : i32
    %c0_i32_0 = arith.constant 0 : i32
    return %arg0, %c0_i32 : i32, i32
  }
  func.func @transform_3(%arg0: i32) -> (i32, i32) {
    %c0_i32 = arith.constant 0 : i32
    %c0_i32_0 = arith.constant 0 : i32
    return %arg0, %c0_i32 : i32, i32
  }
  func.func @transform_4(%arg0: i32) -> (i32, i32) {
    %c0_i32 = arith.constant 0 : i32
    %c0_i32_0 = arith.constant 0 : i32
    %c0_i32_1 = arith.constant 0 : i32
    return %c0_i32, %c0_i32_0 : i32, i32
  }
  func.func @transform_5(%arg0: i32) -> (i32, i32) {
    %c0_i32 = arith.constant 0 : i32
    %c0_i32_0 = arith.constant 0 : i32
    %c0_i32_1 = arith.constant 0 : i32
    return %c0_i32, %c0_i32_0 : i32, i32
  }
  func.func @transform_6(%arg0: i32) -> (i32, i32) {
    %c0_i32 = arith.constant 0 : i32
    %c0_i32_0 = arith.constant 0 : i32
    return %arg0, %c0_i32 : i32, i32
  }
}

module attributes {stable_mosaic.version = 14 : i64} {
  func.func @body(%arg0: i32, %arg1: memref<2048x768xbf16, #tpu.memory_space<vmem>>, %arg2: memref<768x1280xf32, #tpu.memory_space<vmem>>, %arg3: memref<2048x1280xf32, #tpu.memory_space<vmem>>) attributes {dimension_semantics = [#tpu.dimension_semantics<arbitrary>], iteration_bounds = array<i64: 25>, scalar_prefetch = 0 : i64, scratch_operands = 0 : i64, tpu.core_type = #tpu.core_type<tc>, window_params = [{pipeline_mode = #tpu.pipeline_mode<synchronous>, transform_indices = @transform_0, window_bounds = array<i64: 2048, 768>}, {transform_indices = @transform_1, window_bounds = array<i64: 768, 1280>}, {transform_indices = @transform_2, window_bounds = array<i64: 2048, 1280>}]} {
    %get3A = arith.constant 0 : index
    %get3A_0 = arith.constant 0 : index
    %get3A_1 = vector.load %arg1[%get3A, %get3A_0] : memref<2048x768xbf16, #tpu.memory_space<vmem>>, vector<2048x768xbf16>
    %get3A_2 = arith.constant 0 : index
    %get3A_3 = arith.constant 0 : index
    %get3A_4 = vector.load %arg2[%get3A_2, %get3A_3] : memref<768x1280xf32, #tpu.memory_space<vmem>>, vector<768x1280xf32>
    %convert_element_type3A = arith.truncf %get3A_4 : vector<768x1280xf32> to vector<768x1280xbf16>
    %dot_general3A = arith.constant dense<0.000000e+00> : vector<2048x1280xf32>
    %dot_general3A_5 = tpu.matmul %get3A_1, %convert_element_type3A, %dot_general3A {dimension_numbers = #tpu.dot_dimension_numbers<[1], [0], [0], [1], [0, 0, 1, 1], [], []>, transpose_lhs_hint = false} : vector<2048x768xbf16>, vector<768x1280xbf16>, vector<2048x1280xf32> -> vector<2048x1280xf32>
    %swap3A = arith.constant 0 : index
    %swap3A_6 = arith.constant 0 : index
    %swap3A_7 = vector.load %arg3[%swap3A, %swap3A_6] : memref<2048x1280xf32, #tpu.memory_space<vmem>>, vector<2048x1280xf32>
    tpu.vector_store %arg3[%swap3A, %swap3A_6], %dot_general3A_5 {strides = array<i32>} : memref<2048x1280xf32, #tpu.memory_space<vmem>>, vector<2048x1280xf32>,
    return
  }
  func.func @transform_0(%arg0: i32) -> (i32, i32) {
    %c0_i32 = arith.constant 0 : i32
    %c0_i32_0 = arith.constant 0 : i32
    %c0_i32_1 = arith.constant 0 : i32
    return %c0_i32, %c0_i32_0 : i32, i32
  }
  func.func @transform_1(%arg0: i32) -> (i32, i32) {
    %c0_i32 = arith.constant 0 : i32
    %c0_i32_0 = arith.constant 0 : i32
    return %c0_i32, %arg0 : i32, i32
  }
  func.func @transform_2(%arg0: i32) -> (i32, i32) {
    %c0_i32 = arith.constant 0 : i32
    %c0_i32_0 = arith.constant 0 : i32
    return %c0_i32, %arg0 : i32, i32
  }
}

</mosaic_0001>

<sc_bundles>
// kernel: kernel.19.cloned.1.call-start
scs
__scs_entry_jumppad:
0x0: {  	(pc) =	sbr.rel $0x88, $3  }
0x1: {  	(tag) =	ssettag $0x0;
	lr =	simm.s32 $0x1  }
0x2: {  	[smem:$0x3F89] =	sst lr;
	_ =	strace $0xD0000000  }
0x3: {  	_ = 	snop  }
0x4: {  	_ = 	snop  }
0x5: {  	_ = 	snop  }
0x6: {  	_ = 	snop  }
0x7: {  	_ = 	snop  }
__scs_overlays_trampoline_lowered:
0x8: {  	[smem:$0x3F98] =	sst s0  }
0x9: {  	[smem:$0x3F99] =	sst s1  }
0xa: {  	[smem:$0x3F9A] =	sst s2  }
0xb: {  	[smem:$0x3F9B] =	sst s3  }
0xc: {  	[smem:$0x3F9C] =	sst s4  }
0xd: {  	[smem:$0x3F9D] =	sst s5  }
0xe: {  	[smem:$0x3F9E] =	sst s6  }
0xf: {  	[smem:$0x3F9F] =	sst s7  }
0x10: {  	[smem:$0x3FA0] =	sst s8  }
0x11: {  	[smem:$0x3FA1] =	sst s9;
	s0 =	simm.s32 @!p0 $0x0  }
0x12: {  	s1 =	sld [smem:$0x3F87];
	s0 =	simm.s32 @p0 $0x1  }
0x13: {  	[smem:$0x3FA2] =	sst s0;
	s0 =	simm.s32 @!p1 $0x0  }
0x14: {  	s2 =	sld [smem:$0x3F86];
	s0 =	simm.s32 @p1 $0x1  }
0x15: {  	[smem:$0x3FA3] =	sst s0;
	s0 =	simm.s32 @!p2 $0x0  }
0x16: {  	s3 =	sld [smem:$0x3FDB];
	s0 =	simm.s32 @p2 $0x1  }
0x17: {  	s4 =	simm.s32 $0x1BF5;
	[smem:$0x3FA5] =	sst s0  }
0x18: {  	s0 =	sld [smem:$0x3F88];
	_ =	swait.ge [sflag:s4], $0x0  }
0x19: {  	s7 =	sld [smem:$0x3F89]  }
0x1a: {  	s8 =	sadd.s32 $0xFFFFE003, lr  }
0x1b: {  	s9 =	sadd.s32 $0xFFFFFEF7, lr;
	s5 =	simm.s32 $0xFFFFFFFF;
	p2 =	slt.u32 s8, $0xFFFFF086  }
0x1c: {  	p1 =	slt.u32 s9, $0xF7A;
	s5 =	simm.s32 @!p2 $0x0  }
0x1d: {  	s5 =	simm.s32 @p1 $0x1;
	p0 =	seq.s32 s7, s2  }
0x1e: {  	s7 =	smul.u32 @!p0 $0xF7A, s2;
	p2 =	seq.s32 @!p0 s5, $0x0  }
0x1f: {  	s9 =	smul.u32 $0xF7A, s1;
	s8 =	simm.s32 @!p0 $0x1BF5;
	p2 =	por !p2, p0  }
0x20: {  	[sflag:s8] =	ssyncset.s32 @!p0 $0xFFFFF086;
	s6 =	sadd.s32 @!p0 s3, s7;
	s7 =	simm.s32 @!p0 $0x108  }
0x21: {  	s3 =	sadd.s32 s3, s9;
	s6 =	sadd.s32 @!p0 $0x88, s6;
	s7 =	simm.s32 @p2 $0x1082  }
0x22: {  	[simem:s7], [sflag:s8] =	dma.local @!p0 [hbm:s6], $0xF7A  }
0x23: {  	s9 =	sor.u32 $0xD0000000, s2;
	s6 =	simm.s32 $0x108;
	_ =	swait.ge @!p0 [sflag:s8], $0x0  }
0x24: {  	s3 =	sadd.s32 $0x88, s3;
	s6 =	simm.s32 @!p1 $0x1082;
	[sflag:s4] =	ssyncset.s32 $0xFFFFF086  }
0x25: {  	[simem:s6], [sflag:s4] =	dma.local [hbm:s3], $0xF7A  }
0x26: {  	[smem:$0x3F89] =	sst s1;
	(tag) =	ssettag s2;
	_ =	strace s9  }
0x27: {  	s1 =	sld [smem:$0x3F99]  }
0x28: {  	s2 =	sld [smem:$0x3F9A]  }
0x29: {  	s4 =	sld [smem:$0x3F9C]  }
0x2a: {  	p0 =	seq.s32 s5, $0x0;
	s5 =	sld [smem:$0x3F9D]  }
0x2b: {  	s6 =	sld [smem:$0x3F9E]  }
0x2c: {  	s7 =	sld [smem:$0x3F9F]  }
0x2d: {  	s3 =	simm.s32 $0x108;
	s8 =	sld [smem:$0x3FA0]  }
0x2e: {  	s3 =	simm.s32 @!p0 $0x1082;
	s9 =	sld [smem:$0x3FA1]  }
0x2f: {  	lr =	sadd.s32 s0, s3;
	s0 =	sld [smem:$0x3F98]  }
0x30: {  	s3 =	sld [smem:$0x3F9B]  }
0x31: {  	[smem:$0x3FA4] =	sst s10  }
0x32: {  	s10 =	sld [smem:$0x3FA2];
	_ =	sdelay $0x3  }
0x33: {  	p0 =	seq.s32 s10, $0x1;
	s10 =	sld [smem:$0x3FA4];
	_ =	sdelay $0x3  }
0x34: {  	[smem:$0x3FA4] =	sst s10  }
0x35: {  	s10 =	sld [smem:$0x3FA3];
	_ =	sdelay $0x3  }
0x36: {  	p1 =	seq.s32 s10, $0x1;
	s10 =	sld [smem:$0x3FA4];
	_ =	sdelay $0x3  }
0x37: {  	[smem:$0x3FA4] =	sst s10  }
0x38: {  	s10 =	sld [smem:$0x3FA5]  }
0x39: {  	_ = 	snop;
	(pc) =	sbr.ind lr, $3  }
0x3a: {  	_ = 	snop  }
0x3b: {  	_ = 	snop  }
0x3c: {  	p2 =	seq.s32 s10, $0x1;
	s10 =	sld [smem:$0x3FA4]  }
0x3d: {  	_ =	shalt  }
0x3e: {  	_ =	shalt  }
0x3f: {  	_ =	shalt  }
0x40: {  	_ =	shalt  }
0x41: {  	_ =	shalt  }
0x42: {  	_ =	shalt  }
0x43: {  	_ =	shalt  }
0x44: {  	_ =	shalt  }
0x45: {  	_ =	shalt  }
0x46: {  	_ =	shalt  }
0x47: {  	_ =	shalt  }
0x48: {  	_ =	shalt  }
0x49: {  	_ =	shalt  }
0x4a: {  	_ =	shalt  }
0x4b: {  	_ =	shalt  }
0x4c: {  	_ =	shalt  }
0x4d: {  	_ =	shalt  }
0x4e: {  	_ =	shalt  }
0x4f: {  	_ =	shalt  }
0x50: {  	_ =	shalt  }
0x51: {  	_ =	shalt  }
0x52: {  	_ =	shalt  }
0x53: {  	_ =	shalt  }
0x54: {  	_ =	shalt  }
0x55: {  	_ =	shalt  }
0x56: {  	_ =	shalt  }
0x57: {  	_ =	shalt  }
0x58: {  	_ =	shalt  }
0x59: {  	_ =	shalt  }
0x5a: {  	_ =	shalt  }
0x5b: {  	_ =	shalt  }
0x5c: {  	_ =	shalt  }
0x5d: {  	_ =	shalt  }
0x5e: {  	_ =	shalt  }
0x5f: {  	_ =	shalt  }
0x60: {  	_ =	shalt  }
0x61: {  	_ =	shalt  }
0x62: {  	_ =	shalt  }
0x63: {  	_ =	shalt  }
0x64: {  	_ =	shalt  }
0x65: {  	_ =	shalt  }
0x66: {  	_ =	shalt  }
0x67: {  	_ =	shalt  }
0x68: {  	_ =	shalt  }
0x69: {  	_ =	shalt  }
0x6a: {  	_ =	shalt  }
0x6b: {  	_ =	shalt  }
0x6c: {  	_ =	shalt  }
0x6d: {  	_ =	shalt  }
0x6e: {  	_ =	shalt  }
0x6f: {  	_ =	shalt  }
0x70: {  	_ =	shalt  }
0x71: {  	_ =	shalt  }
0x72: {  	_ =	shalt  }
0x73: {  	_ =	shalt  }
0x74: {  	_ =	shalt  }
0x75: {  	_ =	shalt  }
0x76: {  	_ =	shalt  }
0x77: {  	_ =	shalt  }
0x78: {  	_ =	shalt  }
0x79: {  	_ =	shalt  }
0x7a: {  	_ =	shalt  }
0x7b: {  	_ =	shalt  }
0x7c: {  	_ =	shalt  }
0x7d: {  	_ =	shalt  }
0x7e: {  	_ =	shalt  }
0x7f: {  	_ =	shalt  }
0x80: {  	_ =	shalt  }
0x81: {  	_ =	shalt  }
0x82: {  	_ =	shalt  }
0x83: {  	_ =	shalt  }
0x84: {  	_ =	shalt  }
0x85: {  	_ =	shalt  }
0x86: {  	_ =	shalt  }
0x87: {  	_ =	shalt  }
.Lfunc_end0:
.L_simem_size_0:
called_computation_lowered:
.L_overlay_start_0:
0x88: {  	s2 =	sld [smem:$0x3FD9]  }
0x89: {  	s3 =	sld [smem:$0x3FFE];
	_ =	sdelay $0x1  }
0x8a: {  	s1 =	srdreg.scid  }
0x8b: {  	s0 =	sand.u32 $0x1, s1  }
0x8c: {  	s17 =	sshll.u32 s0, $0xA;
	s2 =	sadd.s32 s3, s2  }
0x8d: {  	s2 =	sadd.s32 s2, s17  }
0x8e: {  	[smem:$0x3FB0] =	sst s2  }
0x8f: {  	_ = 	snop  }
0x90: {  	s2 =	sld [smem:$0x3FC9]  }
0x91: {  	s18 =	sld [smem:$0x3FB2];
	(tm) =	ssettm $0x1  }
0x92: {  	s4 =	sld [smem:$0x3FFB];
	_ =	sdelay $0x3  }
0x93: {  	_ =	strace s4  }
0x94: {  	s4 =	sld [smem:$0x3FFC];
	_ =	sdelay $0x3  }
0x95: {  	_ =	strace s4  }
0x96: {  	s4 =	sld [smem:$0x3FFD];
	_ =	sdelay $0x3  }
0x97: {  	_ =	strace s4  }
0x98: {  	_ =	strace $0x8FFFFFFF  }
0x99: {  	s19 =	sld [smem:$0x3FDB];
	_ =	sdelay $0x1  }
0x9a: {  	s5 =	simm.s32 $_scs_section_size  }
0x9b: {  	s6 =	simm.s32 $_size__tile_overlayer_lowered;
	s7 =	simm.s32 $_tile_overlayer_lowered  }
0x9c: {  	s22 =	simm.s32 $0x1BFF;
	s21 =	sshll.u32 s7, $0x1;
	s4 =	sadd.s32 s5, s19  }
0x9d: {  	s8 =	simm.s32 $0x0;
	s20 =	sshll.u32 s6, $0x1;
	s6 =	sadd.s32 s21, s4  }
0x9e: {  	[timem:s8], [sflag:s22] =	dma.local [hbm:s6], s20  }
0x9f: {  	_ =	swait.ge [sflag:s22], s20  }
0xa0: {  	s5 =	ssub.s32 $0x0, s20;
	[sflag:s22] =	ssyncset.done $0x0  }
0xa1: {  	[sflag:s22] =	ssyncadd.s32 s5;
	_ =	sdelay $0x1  }
0xa2: {  	s23 =	simm.s32 $0x1B8B  }
0xa3: {  	_ =	swait.ge [sflag:s23], $0x1  }
0xa4: {  	[sflag:s23] =	ssyncset.done $0x0  }
0xa5: {  	s25 =	simm.s32 $0x1B8E;
	s24 =	sld [smem:$0x3FFE];
	[sflag:s23] =	ssyncadd.s32 $0xFFFFFFFF  }
0xa6: {  	s26 =	simm.s32 $execute0_lowered;
	[smem:$0x3FD2] =	sst s25  }
0xa7: {  	s6 =	sshll.u32 s26, $0x1;
	_ =	strace $0x80000046;
	[dreg:$0x1] =	wrdreg $0xFFFFFFFF  }
0xa8: {  	s28 =	simm.s32 $_size_execute0_lowered;
	s4 =	sadd.s32 s4, s6;
	[dreg:$0x0] =	wrdreg $0x0  }
0xa9: {  	s6 =	sshll.u32 s28, $0x1;
	[dreg:$0x2] =	wrdreg s4  }
0xaa: {  	[dreg:$0x3] =	wrdreg s6  }
0xab: {  	[dreg:$0x4] =	wrdreg $0xC0  }
0xac: {  	_ =	task [dreg:s8], $0x5FFFF  }
0xad: {  	[dreg:$0x1] =	wrdreg $0xFFFFFFFF  }
0xae: {  	[dreg:$0x0] =	wrdreg $0x60  }
0xaf: {  	[dreg:$0x2] =	wrdreg s2  }
0xb0: {  	[dreg:$0x3] =	wrdreg s18  }
0xb1: {  	[dreg:$0x4] =	wrdreg s24  }
0xb2: {  	[dreg:$0x5] =	wrdreg $0x9  }
0xb3: {  	_ =	task.clear_ibuf [dreg:s8], $0x6FFFF;
	_ =	strace $0x90000046  }
0xb4: {  	s29 =	simm.s32 $0x9;
	_ =	strace $0x80000048  }
0xb5: {  	_ =	swait.ge [sflag:s29], $0x1  }
0xb6: {  	[sflag:s29] =	ssyncadd.s32 $0xFFFFFFFF  }
0xb7: {  	_ =	strace $0x90000048  }
0xb8: {  	_ =	sfence  }
0xb9: {  	s30 =	sld [smem:$0x0];
	_ =	sdelay $0x2  }
0xba: {  	s31 =	sshll.u32 s1, $0xD;
	s1 =	sshrl.u32 s1, $0x2  }
0xbb: {  	s3 =	sand.u32 $0x4000, s31;
	s1 =	sadd.s32 s1, s30  }
0xbc: {  	s0 =	sor.u32 s3, s0;
	s1 =	sshll.u32 s1, $0x11  }
0xbd: {  	s0 =	sor.u32 s1, s0  }
0xbe: {  	s0 =	sadd.s32 $0x8F2B, s0  }
0xbf: {  	[sflag:s0] =	ssyncadd.remote.s32 $0x1  }
0xc0: {  	_ =	sfence.sel $0xFFFF  }
0xc1: {  	[dreg:$0x0] =	wrdreg $0xFFFFFFFF;
	(pc) =	sbr.abs _section_cstart, $3  }
0xc2: {  	[dreg:$0x1] =	wrdreg $0xFFFFFFFF  }
0xc3: {  	_ =	task.clear_ibuf [dreg:s8], $0x2FFFF;
	_ =	strace $0x9FFFFFFF  }
0xc4: {  	(tm) =	ssettm $0x7FFFFFFF  }
0xc5: {  	_ =	shalt  }
tec
execute0_lowered:
.L_overlay_start_1:
0x0: {  	(tag) =	ssettag $0x1  }
0x1: {  	s1 =	rddreg [dreg:$0x0]  }
0x2: {  	s3 =	srdreg.scid;
	s2 =	rddreg [dreg:$0x1]  }
0x3: {  	s0 =	stileid.u32;
	s5 =	rddreg [dreg:$0x2];
	s26 =	simm.s32 $0x880  }
0x4: {  	s9 =	simm.s32 $0x1080;
	s10 =	simm.s32 $0x1880;
	s11 =	simm.s32 $0x2080  }
0x5: {  	s12 =	simm.s32 $0x2880;
	s13 =	simm.s32 $0x3080;
	s14 =	simm.s32 $0x3880  }
0x6: {  	s15 =	simm.s32 $0x4080;
	s16 =	simm.s32 $0x4880;
	s17 =	simm.s32 $0x5080  }
0x7: {  	s18 =	simm.s32 $0x5880;
	s19 =	simm.s32 $0x6080;
	s20 =	simm.s32 $0x6880  }
0x8: {  	s21 =	simm.s32 $0x7080;
	s22 =	simm.s32 $0x7880;
	s23 =	simm.s32 $0x8080  }
0x9: {  	s28 =	simm.s32 $0xA080;
	s29 =	simm.s32 $0xA880;
	s30 =	simm.s32 $0xB080  }
0xa: {  	s31 =	simm.s32 $0xB880;
	s4 =	sand.u32 $0x1, s3;
	s3 =	simm.s32 $0x0  }
0xb: {  	s6 =	sshll.u32 s0, $0x4;
	s7 =	sshll.u32 s4, $0x3;
	[smem:$0x7FF] =	sst s3  }
0xc: {  	s4 =	ssub.s32 $0x2, s4;
	s6 =	sor.u32 s7, s6;
	_ =	strace $0x80000047  }
0xd: {  	s8 =	sshrl.u32 s4, $0x1;
	[dreg:$0x6] =	wrdreg s26;
	s26 =	simm.s32 $0x9880  }
0xe: {  	s7 =	smul.u32 $0x300, s6;
	s24 =	ssub.s32 s4, s8;
	s1 =	sadd.s32 s1, s6  }
0xf: {  	s4 =	sadd.s32 $0x100, s2;
	s8 =	simm.s32 $0x80;
	[dreg:$0x4] =	wrdreg s1  }
0x10: {  	v2 =	vlaneseq.u32;
	s6 =	smax.u32 s24, $0x1;
	s24 =	simm.s32 $0x8880;
	s5 =	sadd.s32 s7, s5  }
0x11: {  	vm0 =	vmmov $0xffff;
	v1 =	vshrl.u32 v2, $0x3;
	s1 =	simm.s32 $0x1;
	s7 =	simm.s32 $0x2;
	s25 =	sadd.s32 $0xAA00, s5  }
0x12: {  	v0 =	vand.u32 $0x7, v2;
	v2 =	vor.u32 $0x8, v2;
	v1 =	vmul.u32 $0x8, v1;
	s5 =	sadd.s32 $0x200, s2;
	[dreg:$0x5] =	wrdreg s25;
	s25 =	simm.s32 $0x9080  }
.LBB2_1:
0x13: {  	s0 =	rddreg [dreg:$0x4]  }
0x14: {  	[tilespmem:s3], [sflag:$0x2] =	stream.linear.gather [hbm4b:s0+s3], $0x40, $0x38;
	[tilespmem:$0xC080] =	vst v63  }
0x15: {  	_ =	swait.ge [sflag:s7], $0x40  }
0x16: {  	[sflag:s7] =	ssyncset.done $0x0  }
0x17: {  	[sflag:s7] =	ssyncadd.s32 $0xFFFFFFC0  }
0x18: {  	v3 =	vld [tilespmem:$0x0];
	_ =	sdelay $0x4  }
0x19: {  	v4 =	vshrl.u32 v3, $0x3  }
0x1a: {  	v4 =	vmul.u32 $0x30, v4  }
0x1b: {  	v3 =	vand.u32 $0x7, v3  }
0x1c: {  	v3 =	vor.u32 v3, v4  }
0x1d: {  	v4 =	vperm.xlane v3, v0;
	_ =	sdelay $0x1  }
0x1e: {  	v4 =	vadd.s32 v1, v4;
	_ =	sdelay $0x3  }
0x1f: {  	v3 =	vperm.xlane v3, v2  }
0x20: {  	[tilespmem:s8], [sflag:$0x1] =	stream.indirect_vreg.gather [hbm4b:s2+s3], $0x80, v4, vm0, $0xb8;
	[tilespmem:$0xC080] =	vst v63  }
0x21: {  	s0 =	rddreg [dreg:$0x6];
	v3 =	vadd.s32 v1, v3  }
0x22: {  	[tilespmem:s0], [sflag:$0x1] =	stream.indirect_vreg.gather [hbm4b:s4+s3], $0x80, v4, vm0, $0xb8;
	[tilespmem:$0xC080] =	vst v63  }
0x23: {  	_ = 	snop  }
0x24: {  	[tilespmem:s9], [sflag:$0x1] =	stream.indirect_vreg.gather [hbm4b:s5+s3], $0x80, v4, vm0, $0xb8;
	[tilespmem:$0xC080] =	vst v63  }
0x25: {  	_ = 	snop  }
0x26: {  	[tilespmem:s10], [sflag:$0x1] =	stream.indirect_vreg.gather [hbm4b:s2+s3], $0x80, v3, vm0, $0xb8;
	[tilespmem:$0xC080] =	vst v63  }
0x27: {  	_ = 	snop  }
0x28: {  	[tilespmem:s11], [sflag:$0x1] =	stream.indirect_vreg.gather [hbm4b:s4+s3], $0x80, v3, vm0, $0xb8;
	[tilespmem:$0xC080] =	vst v63  }
0x29: {  	_ = 	snop  }
0x2a: {  	[tilespmem:s12], [sflag:$0x1] =	stream.indirect_vreg.gather [hbm4b:s5+s3], $0x80, v3, vm0, $0xb8;
	[tilespmem:$0xC080] =	vst v63  }
0x2b: {  	v3 =	vld [tilespmem:$0x10];
	_ =	sdelay $0x4  }
0x2c: {  	v61 =	vshrl.u32 v3, $0x3  }
0x2d: {  	v4 =	vmul.u32 $0x30, v61  }
0x2e: {  	v3 =	vand.u32 $0x7, v3  }
0x2f: {  	v3 =	vor.u32 v3, v4  }
0x30: {  	v4 =	vperm.xlane v3, v0;
	_ =	sdelay $0x1  }
0x31: {  	v4 =	vadd.s32 v1, v4;
	_ =	sdelay $0x3  }
0x32: {  	v3 =	vperm.xlane v3, v2  }
0x33: {  	[tilespmem:s13], [sflag:$0x1] =	stream.indirect_vreg.gather [hbm4b:s2+s3], $0x80, v4, vm0, $0xb8;
	[tilespmem:$0xC080] =	vst v63  }
0x34: {  	v3 =	vadd.s32 v1, v3  }
0x35: {  	[tilespmem:s14], [sflag:$0x1] =	stream.indirect_vreg.gather [hbm4b:s4+s3], $0x80, v4, vm0, $0xb8;
	[tilespmem:$0xC080] =	vst v63  }
0x36: {  	_ = 	snop  }
0x37: {  	[tilespmem:s15], [sflag:$0x1] =	stream.indirect_vreg.gather [hbm4b:s5+s3], $0x80, v4, vm0, $0xb8;
	[tilespmem:$0xC080] =	vst v63  }
0x38: {  	_ = 	snop  }
0x39: {  	[tilespmem:s16], [sflag:$0x1] =	stream.indirect_vreg.gather [hbm4b:s2+s3], $0x80, v3, vm0, $0xb8;
	[tilespmem:$0xC080] =	vst v63  }
0x3a: {  	_ = 	snop  }
0x3b: {  	[tilespmem:s17], [sflag:$0x1] =	stream.indirect_vreg.gather [hbm4b:s4+s3], $0x80, v3, vm0, $0xb8;
	[tilespmem:$0xC080] =	vst v63  }
0x3c: {  	_ = 	snop  }
0x3d: {  	[tilespmem:s18], [sflag:$0x1] =	stream.indirect_vreg.gather [hbm4b:s5+s3], $0x80, v3, vm0, $0xb8;
	[tilespmem:$0xC080] =	vst v63  }
0x3e: {  	v3 =	vld [tilespmem:$0x20];
	_ =	sdelay $0x4  }
0x3f: {  	v62 =	vshrl.u32 v3, $0x3  }
0x40: {  	v4 =	vmul.u32 $0x30, v62  }
0x41: {  	v3 =	vand.u32 $0x7, v3  }
0x42: {  	v3 =	vor.u32 v3, v4  }
0x43: {  	v4 =	vperm.xlane v3, v0;
	_ =	sdelay $0x1  }
0x44: {  	v4 =	vadd.s32 v1, v4;
	_ =	sdelay $0x3  }
0x45: {  	v3 =	vperm.xlane v3, v2  }
0x46: {  	[tilespmem:s19], [sflag:$0x1] =	stream.indirect_vreg.gather [hbm4b:s2+s3], $0x80, v4, vm0, $0xb8;
	[tilespmem:$0xC080] =	vst v63  }
0x47: {  	v3 =	vadd.s32 v1, v3  }
0x48: {  	[tilespmem:s20], [sflag:$0x1] =	stream.indirect_vreg.gather [hbm4b:s4+s3], $0x80, v4, vm0, $0xb8;
	[tilespmem:$0xC080] =	vst v63  }
0x49: {  	_ = 	snop  }
0x4a: {  	[tilespmem:s21], [sflag:$0x1] =	stream.indirect_vreg.gather [hbm4b:s5+s3], $0x80, v4, vm0, $0xb8;
	[tilespmem:$0xC080] =	vst v63  }
0x4b: {  	_ = 	snop  }
0x4c: {  	[tilespmem:s22], [sflag:$0x1] =	stream.indirect_vreg.gather [hbm4b:s2+s3], $0x80, v3, vm0, $0xb8;
	[tilespmem:$0xC080] =	vst v63  }
0x4d: {  	_ = 	snop  }
0x4e: {  	[tilespmem:s23], [sflag:$0x1] =	stream.indirect_vreg.gather [hbm4b:s4+s3], $0x80, v3, vm0, $0xb8;
	[tilespmem:$0xC080] =	vst v63  }
0x4f: {  	_ = 	snop  }
0x50: {  	[tilespmem:s24], [sflag:$0x1] =	stream.indirect_vreg.gather [hbm4b:s5+s3], $0x80, v3, vm0, $0xb8;
	[tilespmem:$0xC080] =	vst v63  }
0x51: {  	v3 =	vld [tilespmem:$0x30];
	_ =	sdelay $0x4  }
0x52: {  	v63 =	vshrl.u32 v3, $0x3  }
0x53: {  	v4 =	vmul.u32 $0x30, v63  }
0x54: {  	v3 =	vand.u32 $0x7, v3  }
0x55: {  	v3 =	vor.u32 v3, v4  }
0x56: {  	v4 =	vperm.xlane v3, v0;
	_ =	sdelay $0x1  }
0x57: {  	v4 =	vadd.s32 v1, v4;
	_ =	sdelay $0x3  }
0x58: {  	v3 =	vperm.xlane v3, v2  }
0x59: {  	[tilespmem:s25], [sflag:$0x1] =	stream.indirect_vreg.gather [hbm4b:s2+s3], $0x80, v4, vm0, $0xb8;
	[tilespmem:$0xC080] =	vst v63  }
0x5a: {  	v3 =	vadd.s32 v1, v3  }
0x5b: {  	[tilespmem:s26], [sflag:$0x1] =	stream.indirect_vreg.gather [hbm4b:s4+s3], $0x80, v4, vm0, $0xb8;
	[tilespmem:$0xC080] =	vst v63  }
0x5c: {  	_ = 	snop  }
0x5d: {  	[tilespmem:s28], [sflag:$0x1] =	stream.indirect_vreg.gather [hbm4b:s5+s3], $0x80, v4, vm0, $0xb8;
	[tilespmem:$0xC080] =	vst v63  }
0x5e: {  	_ = 	snop  }
0x5f: {  	[tilespmem:s29], [sflag:$0x1] =	stream.indirect_vreg.gather [hbm4b:s2+s3], $0x80, v3, vm0, $0xb8;
	[tilespmem:$0xC080] =	vst v63  }
0x60: {  	_ = 	snop  }
0x61: {  	[tilespmem:s30], [sflag:$0x1] =	stream.indirect_vreg.gather [hbm4b:s4+s3], $0x80, v3, vm0, $0xb8;
	[tilespmem:$0xC080] =	vst v63  }
0x62: {  	_ = 	snop  }
0x63: {  	[tilespmem:s31], [sflag:$0x1] =	stream.indirect_vreg.gather [hbm4b:s5+s3], $0x80, v3, vm0, $0xb8;
	[tilespmem:$0xC080] =	vst v63  }
0x64: {  	_ =	swait.ge [sflag:s1], $0xC000  }
0x65: {  	p0 =	sne.s32 s6, $0x1;
	[sflag:s1] =	ssyncset.done $0x0  }
.Ltmp0:
0x66: {  	s0 =	rddreg [dreg:$0x5];
	[sflag:s1] =	ssyncadd.s32 $0xFFFF4000;
	(pc) =	sbr.rel @p0 .LBB2_1-.Ltmp0, $4  }
0x67: {  	[hbm4b:s0+s3] =	stream.linear.scatter [tilespmem:s8], [sflag:$0x2], $0xC000, $0x38;
	[tilespmem:$0xC080] =	vst v63  }
0x68: {  	_ =	swait.ge [sflag:s7], $0xC000  }
0x69: {  	[sflag:s7] =	ssyncset.done $0x0  }
0x6a: {  	s6 =	sadd.s32 $0xFFFFFFFF, s6;
	[sflag:s7] =	ssyncadd.s32 $0xFFFF4000  }
0x6b: {  	_ =	sfence.sel $0x180000  }
0x6c: {  	[bflag:$0x0] =	sbarrier.arrive $0xFFFF  }
0x6d: {  	_ =	strace $0x90000047  }
0x6e: {  	s0 =	stileid.u32;
	[bflag:$0x2] =	sbarrier.arrive $0xFFFF  }
0x6f: {  	p0 =	sne.s32 s0, $0x0;
	s0 =	rddreg [dreg:$0x3]  }
0x70: {  	s0 =	sadd.s32 @!p0 $0x100000, s0  }
0x71: {  	[sflag:s0] =	ssyncadd.tile.s32 @!p0 $0x1;
	_ =	shalt  }
.Lfunc_end2:
_tile_overlayer_lowered:
.L_overlay_start_2:
0x72: {  	(tag) =	ssettag $0x2  }
0x73: {  	s0 =	rddreg [dreg:$0x0];
	s2 =	stileid.u32  }
0x74: {  	s1 =	rddreg [dreg:$0x1];
	p0 =	sne.s32 s2, $0x0  }
0x75: {  	s3 =	rddreg [dreg:$0x2];
	[bflag:$0x3] =	sbarrier.arrive $0xFFFF;
	s2 =	simm.s32 @!p0 $0x1C02  }
0x76: {  	[timem:s3], [sflag:s2] =	dma.local @!p0 [hbm:s0], s1  }
0x77: {  	s0 =	simm.s32 @!p0 $0x2  }
0x78: {  	_ =	swait.ge @!p0 [sflag:s0], s1  }
0x79: {  	s1 =	ssub.s32 @!p0 $0x0, s1;
	[sflag:s0] =	ssyncset.done @!p0 $0x0  }
0x7a: {  	[sflag:s0] =	ssyncadd.s32 @!p0 s1  }
0x7b: {  	[bflag:$0x3] =	sbarrier.arrive $0xFFFF  }
0x7c: {  	_ =	shalt  }

// kernel: kernel.22.cloned.1.call-start
scs
__scs_entry_jumppad:
0x0: {  	(pc) =	sbr.rel $0x88, $3  }
0x1: {  	(tag) =	ssettag $0x0;
	lr =	simm.s32 $0x1  }
0x2: {  	[smem:$0x3F89] =	sst lr;
	_ =	strace $0xD0000000  }
0x3: {  	_ = 	snop  }
0x4: {  	_ = 	snop  }
0x5: {  	_ = 	snop  }
0x6: {  	_ = 	snop  }
0x7: {  	_ = 	snop  }
__scs_overlays_trampoline_lowered:
0x8: {  	[smem:$0x3F98] =	sst s0  }
0x9: {  	[smem:$0x3F99] =	sst s1  }
0xa: {  	[smem:$0x3F9A] =	sst s2  }
0xb: {  	[smem:$0x3F9B] =	sst s3  }
0xc: {  	[smem:$0x3F9C] =	sst s4  }
0xd: {  	[smem:$0x3F9D] =	sst s5  }
0xe: {  	[smem:$0x3F9E] =	sst s6  }
0xf: {  	[smem:$0x3F9F] =	sst s7  }
0x10: {  	[smem:$0x3FA0] =	sst s8  }
0x11: {  	[smem:$0x3FA1] =	sst s9;
	s0 =	simm.s32 @!p0 $0x0  }
0x12: {  	s1 =	sld [smem:$0x3F87];
	s0 =	simm.s32 @p0 $0x1  }
0x13: {  	[smem:$0x3FA2] =	sst s0;
	s0 =	simm.s32 @!p1 $0x0  }
0x14: {  	s2 =	sld [smem:$0x3F86];
	s0 =	simm.s32 @p1 $0x1  }
0x15: {  	[smem:$0x3FA3] =	sst s0;
	s0 =	simm.s32 @!p2 $0x0  }
0x16: {  	s3 =	sld [smem:$0x3FDB];
	s0 =	simm.s32 @p2 $0x1  }
0x17: {  	s4 =	simm.s32 $0x1BF5;
	[smem:$0x3FA5] =	sst s0  }
0x18: {  	s0 =	sld [smem:$0x3F88];
	_ =	swait.ge [sflag:s4], $0x0  }
0x19: {  	s7 =	sld [smem:$0x3F89]  }
0x1a: {  	s8 =	sadd.s32 $0xFFFFE003, lr  }
0x1b: {  	s9 =	sadd.s32 $0xFFFFFEF7, lr;
	s5 =	simm.s32 $0xFFFFFFFF;
	p2 =	slt.u32 s8, $0xFFFFF086  }
0x1c: {  	p1 =	slt.u32 s9, $0xF7A;
	s5 =	simm.s32 @!p2 $0x0  }
0x1d: {  	s5 =	simm.s32 @p1 $0x1;
	p0 =	seq.s32 s7, s2  }
0x1e: {  	s7 =	smul.u32 @!p0 $0xF7A, s2;
	p2 =	seq.s32 @!p0 s5, $0x0  }
0x1f: {  	s9 =	smul.u32 $0xF7A, s1;
	s8 =	simm.s32 @!p0 $0x1BF5;
	p2 =	por !p2, p0  }
0x20: {  	[sflag:s8] =	ssyncset.s32 @!p0 $0xFFFFF086;
	s6 =	sadd.s32 @!p0 s3, s7;
	s7 =	simm.s32 @!p0 $0x108  }
0x21: {  	s3 =	sadd.s32 s3, s9;
	s6 =	sadd.s32 @!p0 $0x88, s6;
	s7 =	simm.s32 @p2 $0x1082  }
0x22: {  	[simem:s7], [sflag:s8] =	dma.local @!p0 [hbm:s6], $0xF7A  }
0x23: {  	s9 =	sor.u32 $0xD0000000, s2;
	s6 =	simm.s32 $0x108;
	_ =	swait.ge @!p0 [sflag:s8], $0x0  }
0x24: {  	s3 =	sadd.s32 $0x88, s3;
	s6 =	simm.s32 @!p1 $0x1082;
	[sflag:s4] =	ssyncset.s32 $0xFFFFF086  }
0x25: {  	[simem:s6], [sflag:s4] =	dma.local [hbm:s3], $0xF7A  }
0x26: {  	[smem:$0x3F89] =	sst s1;
	(tag) =	ssettag s2;
	_ =	strace s9  }
0x27: {  	s1 =	sld [smem:$0x3F99]  }
0x28: {  	s2 =	sld [smem:$0x3F9A]  }
0x29: {  	s4 =	sld [smem:$0x3F9C]  }
0x2a: {  	p0 =	seq.s32 s5, $0x0;
	s5 =	sld [smem:$0x3F9D]  }
0x2b: {  	s6 =	sld [smem:$0x3F9E]  }
0x2c: {  	s7 =	sld [smem:$0x3F9F]  }
0x2d: {  	s3 =	simm.s32 $0x108;
	s8 =	sld [smem:$0x3FA0]  }
0x2e: {  	s3 =	simm.s32 @!p0 $0x1082;
	s9 =	sld [smem:$0x3FA1]  }
0x2f: {  	lr =	sadd.s32 s0, s3;
	s0 =	sld [smem:$0x3F98]  }
0x30: {  	s3 =	sld [smem:$0x3F9B]  }
0x31: {  	[smem:$0x3FA4] =	sst s10  }
0x32: {  	s10 =	sld [smem:$0x3FA2];
	_ =	sdelay $0x3  }
0x33: {  	p0 =	seq.s32 s10, $0x1;
	s10 =	sld [smem:$0x3FA4];
	_ =	sdelay $0x3  }
0x34: {  	[smem:$0x3FA4] =	sst s10  }
0x35: {  	s10 =	sld [smem:$0x3FA3];
	_ =	sdelay $0x3  }
0x36: {  	p1 =	seq.s32 s10, $0x1;
	s10 =	sld [smem:$0x3FA4];
	_ =	sdelay $0x3  }
0x37: {  	[smem:$0x3FA4] =	sst s10  }
0x38: {  	s10 =	sld [smem:$0x3FA5]  }
0x39: {  	_ = 	snop;
	(pc) =	sbr.ind lr, $3  }
0x3a: {  	_ = 	snop  }
0x3b: {  	_ = 	snop  }
0x3c: {  	p2 =	seq.s32 s10, $0x1;
	s10 =	sld [smem:$0x3FA4]  }
0x3d: {  	_ =	shalt  }
0x3e: {  	_ =	shalt  }
0x3f: {  	_ =	shalt  }
0x40: {  	_ =	shalt  }
0x41: {  	_ =	shalt  }
0x42: {  	_ =	shalt  }
0x43: {  	_ =	shalt  }
0x44: {  	_ =	shalt  }
0x45: {  	_ =	shalt  }
0x46: {  	_ =	shalt  }
0x47: {  	_ =	shalt  }
0x48: {  	_ =	shalt  }
0x49: {  	_ =	shalt  }
0x4a: {  	_ =	shalt  }
0x4b: {  	_ =	shalt  }
0x4c: {  	_ =	shalt  }
0x4d: {  	_ =	shalt  }
0x4e: {  	_ =	shalt  }
0x4f: {  	_ =	shalt  }
0x50: {  	_ =	shalt  }
0x51: {  	_ =	shalt  }
0x52: {  	_ =	shalt  }
0x53: {  	_ =	shalt  }
0x54: {  	_ =	shalt  }
0x55: {  	_ =	shalt  }
0x56: {  	_ =	shalt  }
0x57: {  	_ =	shalt  }
0x58: {  	_ =	shalt  }
0x59: {  	_ =	shalt  }
0x5a: {  	_ =	shalt  }
0x5b: {  	_ =	shalt  }
0x5c: {  	_ =	shalt  }
0x5d: {  	_ =	shalt  }
0x5e: {  	_ =	shalt  }
0x5f: {  	_ =	shalt  }
0x60: {  	_ =	shalt  }
0x61: {  	_ =	shalt  }
0x62: {  	_ =	shalt  }
0x63: {  	_ =	shalt  }
0x64: {  	_ =	shalt  }
0x65: {  	_ =	shalt  }
0x66: {  	_ =	shalt  }
0x67: {  	_ =	shalt  }
0x68: {  	_ =	shalt  }
0x69: {  	_ =	shalt  }
0x6a: {  	_ =	shalt  }
0x6b: {  	_ =	shalt  }
0x6c: {  	_ =	shalt  }
0x6d: {  	_ =	shalt  }
0x6e: {  	_ =	shalt  }
0x6f: {  	_ =	shalt  }
0x70: {  	_ =	shalt  }
0x71: {  	_ =	shalt  }
0x72: {  	_ =	shalt  }
0x73: {  	_ =	shalt  }
0x74: {  	_ =	shalt  }
0x75: {  	_ =	shalt  }
0x76: {  	_ =	shalt  }
0x77: {  	_ =	shalt  }
0x78: {  	_ =	shalt  }
0x79: {  	_ =	shalt  }
0x7a: {  	_ =	shalt  }
0x7b: {  	_ =	shalt  }
0x7c: {  	_ =	shalt  }
0x7d: {  	_ =	shalt  }
0x7e: {  	_ =	shalt  }
0x7f: {  	_ =	shalt  }
0x80: {  	_ =	shalt  }
0x81: {  	_ =	shalt  }
0x82: {  	_ =	shalt  }
0x83: {  	_ =	shalt  }
0x84: {  	_ =	shalt  }
0x85: {  	_ =	shalt  }
0x86: {  	_ =	shalt  }
0x87: {  	_ =	shalt  }
.Lfunc_end0:
.L_simem_size_0:
called_computation.1_lowered:
.L_overlay_start_0:
0x88: {  	s2 =	sld [smem:$0x3FD9]  }
0x89: {  	s3 =	sld [smem:$0x3FFE];
	_ =	sdelay $0x1  }
0x8a: {  	s1 =	srdreg.scid  }
0x8b: {  	s0 =	sand.u32 $0x1, s1  }
0x8c: {  	s16 =	sshll.u32 s0, $0xA;
	s2 =	sadd.s32 s3, s2  }
0x8d: {  	s2 =	sadd.s32 s2, s16  }
0x8e: {  	[smem:$0x3FB0] =	sst s2  }
0x8f: {  	_ = 	snop  }
0x90: {  	(tm) =	ssettm $0x1  }
0x91: {  	s17 =	sld [smem:$0x3FFB];
	_ =	sdelay $0x3  }
0x92: {  	_ =	strace s17  }
0x93: {  	s2 =	sld [smem:$0x3FFC];
	_ =	sdelay $0x3  }
0x94: {  	_ =	strace s2  }
0x95: {  	s2 =	sld [smem:$0x3FFD];
	_ =	sdelay $0x3  }
0x96: {  	_ =	strace s2  }
0x97: {  	_ =	strace $0x8FFFFFFF  }
0x98: {  	s18 =	sld [smem:$0x3FDB];
	_ =	sdelay $0x1  }
0x99: {  	s19 =	simm.s32 $_scs_section_size  }
0x9a: {  	s4 =	simm.s32 $_size__tile_overlayer_lowered;
	s5 =	simm.s32 $_tile_overlayer_lowered  }
0x9b: {  	s22 =	simm.s32 $0x1BFF;
	s21 =	sshll.u32 s5, $0x1;
	s2 =	sadd.s32 s19, s18  }
0x9c: {  	s6 =	simm.s32 $0x0;
	s20 =	sshll.u32 s4, $0x1;
	s4 =	sadd.s32 s21, s2  }
0x9d: {  	[timem:s6], [sflag:s22] =	dma.local [hbm:s4], s20  }
0x9e: {  	_ =	swait.ge [sflag:s22], s20  }
0x9f: {  	s3 =	ssub.s32 $0x0, s20;
	[sflag:s22] =	ssyncset.done $0x0  }
0xa0: {  	[sflag:s22] =	ssyncadd.s32 s3;
	_ =	sdelay $0x1  }
0xa1: {  	s23 =	simm.s32 $0x1B8B  }
0xa2: {  	_ =	swait.ge [sflag:s23], $0x1  }
0xa3: {  	[sflag:s23] =	ssyncset.done $0x0  }
0xa4: {  	s25 =	simm.s32 $0x1B8E;
	s24 =	sld [smem:$0x3FFE];
	[sflag:s23] =	ssyncadd.s32 $0xFFFFFFFF  }
0xa5: {  	s26 =	simm.s32 $execute0_lowered;
	[smem:$0x3FD2] =	sst s25  }
0xa6: {  	s4 =	sshll.u32 s26, $0x1;
	_ =	strace $0x80000049;
	[dreg:$0x1] =	wrdreg $0xFFFFFFFF  }
0xa7: {  	s28 =	simm.s32 $_size_execute0_lowered;
	s2 =	sadd.s32 s2, s4;
	[dreg:$0x0] =	wrdreg $0x0  }
0xa8: {  	s4 =	sshll.u32 s28, $0x1;
	[dreg:$0x2] =	wrdreg s2  }
0xa9: {  	[dreg:$0x3] =	wrdreg s4  }
0xaa: {  	[dreg:$0x4] =	wrdreg $0xC0  }
0xab: {  	_ =	task [dreg:s6], $0x5FFFF  }
0xac: {  	[dreg:$0x1] =	wrdreg $0xFFFFFFFF  }
0xad: {  	[dreg:$0x0] =	wrdreg $0x60  }
0xae: {  	[dreg:$0x2] =	wrdreg s24  }
0xaf: {  	[dreg:$0x3] =	wrdreg $0x9  }
0xb0: {  	_ =	task.clear_ibuf [dreg:s6], $0x4FFFF;
	_ =	strace $0x90000049  }
0xb1: {  	s29 =	simm.s32 $0x9;
	_ =	strace $0x8000004B  }
0xb2: {  	_ =	swait.ge [sflag:s29], $0x1  }
0xb3: {  	[sflag:s29] =	ssyncadd.s32 $0xFFFFFFFF  }
0xb4: {  	_ =	strace $0x9000004B  }
0xb5: {  	_ =	sfence  }
0xb6: {  	s30 =	sld [smem:$0x0];
	_ =	sdelay $0x2  }
0xb7: {  	s31 =	sshll.u32 s1, $0xD;
	s1 =	sshrl.u32 s1, $0x2  }
0xb8: {  	s3 =	sand.u32 $0x4000, s31;
	s1 =	sadd.s32 s1, s30  }
0xb9: {  	s0 =	sor.u32 s3, s0;
	s1 =	sshll.u32 s1, $0x11  }
0xba: {  	s0 =	sor.u32 s1, s0  }
0xbb: {  	s0 =	sadd.s32 $0x8F2B, s0  }
0xbc: {  	[sflag:s0] =	ssyncadd.remote.s32 $0x1  }
0xbd: {  	_ =	sfence.sel $0xFFFF  }
0xbe: {  	[dreg:$0x0] =	wrdreg $0xFFFFFFFF;
	(pc) =	sbr.abs _section_cstart, $3  }
0xbf: {  	[dreg:$0x1] =	wrdreg $0xFFFFFFFF  }
0xc0: {  	_ =	task.clear_ibuf [dreg:s6], $0x2FFFF;
	_ =	strace $0x9FFFFFFF  }
0xc1: {  	(tm) =	ssettm $0x7FFFFFFF  }
tec
execute0_lowered:
.L_overlay_start_1:
0x0: {  	(tag) =	ssettag $0x1  }
0x1: {  	s1 =	srdreg.scid  }
0x2: {  	s0 =	stileid.u32;
	s1 =	sand.u32 $0x1, s1  }
0x3: {  	s2 =	sshll.u32 s0, $0x5;
	s3 =	sshll.u32 s1, $0x4  }
0x4: {  	s5 =	rddreg [dreg:$0x0];
	s3 =	sor.u32 s3, s2;
	s2 =	simm.s32 $0x0  }
0x5: {  	s26 =	simm.s32 $0x880;
	[smem:$0x7FF] =	sst s2  }
0x6: {  	s0 =	simm.s32 $0x1080;
	_ =	strace $0x8000004A;
	[dreg:$0x4] =	wrdreg s26  }
0x7: {  	s6 =	simm.s32 $0x2080;
	[dreg:$0x5] =	wrdreg s0  }
0x8: {  	s7 =	simm.s32 $0x2880;
	[dreg:$0x7] =	wrdreg s6  }
0x9: {  	s8 =	simm.s32 $0x3080;
	[dreg:$0x8] =	wrdreg s7  }
0xa: {  	s9 =	simm.s32 $0x3880;
	[dreg:$0x9] =	wrdreg s8  }
0xb: {  	s10 =	simm.s32 $0x4080;
	[dreg:$0xa] =	wrdreg s9  }
0xc: {  	s11 =	simm.s32 $0x4880;
	[dreg:$0xb] =	wrdreg s10  }
0xd: {  	s12 =	simm.s32 $0x5080;
	[dreg:$0xc] =	wrdreg s11  }
0xe: {  	s13 =	simm.s32 $0x5880;
	[dreg:$0xd] =	wrdreg s12  }
0xf: {  	s14 =	simm.s32 $0x6080;
	[dreg:$0xe] =	wrdreg s13  }
0x10: {  	s15 =	simm.s32 $0x6880;
	[dreg:$0xf] =	wrdreg s14  }
0x11: {  	s16 =	simm.s32 $0x7080;
	s17 =	simm.s32 $0x7880;
	[dreg:$0x10] =	wrdreg s15  }
0x12: {  	s18 =	simm.s32 $0x8080;
	s19 =	simm.s32 $0x8880;
	[dreg:$0x11] =	wrdreg s16  }
0x13: {  	s20 =	simm.s32 $0x9080;
	s21 =	simm.s32 $0x9880;
	[dreg:$0x12] =	wrdreg s17  }
0x14: {  	s22 =	simm.s32 $0xA080;
	s23 =	simm.s32 $0xA880;
	[dreg:$0x13] =	wrdreg s18  }
0x15: {  	s24 =	simm.s32 $0xB880;
	s28 =	simm.s32 $0x16080;
	[dreg:$0x14] =	wrdreg s19  }
0x16: {  	s29 =	simm.s32 $0x16880;
	s30 =	simm.s32 $0x17080;
	[dreg:$0x15] =	wrdreg s20  }
0x17: {  	s31 =	simm.s32 $0x17880;
	s1 =	ssub.s32 $0x2, s1;
	[dreg:$0x16] =	wrdreg s21  }
0x18: {  	s4 =	sand.u32 $0xF0, s3;
	s3 =	sadd.s32 s3, s5;
	[dreg:$0x17] =	wrdreg s22  }
0x19: {  	s4 =	smul.u32 $0x300, s4;
	s3 =	sadd.s32 $0xBC200, s3;
	[dreg:$0x18] =	wrdreg s23  }
0x1a: {  	s6 =	sshrl.u32 s1, $0x1;
	s7 =	simm.s32 $0xB080;
	[dreg:$0x1a] =	wrdreg s24  }
0x1b: {  	s8 =	simm.s32 $0x80;
	s26 =	simm.s32 $0xC880;
	s10 =	simm.s32 $0xD880  }
0x1c: {  	s11 =	simm.s32 $0xE080;
	s12 =	simm.s32 $0xE880;
	s13 =	simm.s32 $0xF080  }
0x1d: {  	s14 =	simm.s32 $0xF880;
	s15 =	simm.s32 $0x10080;
	s16 =	simm.s32 $0x10880  }
0x1e: {  	s17 =	simm.s32 $0x11080;
	s18 =	simm.s32 $0x11880;
	s19 =	simm.s32 $0x12080  }
0x1f: {  	s20 =	simm.s32 $0x12880;
	s21 =	simm.s32 $0x13080;
	s22 =	simm.s32 $0x13880  }
0x20: {  	s23 =	simm.s32 $0x14080;
	s24 =	simm.s32 $0x14880;
	[dreg:$0x2] =	wrdreg s3  }
0x21: {  	s3 =	sadd.s32 $0xBC400, s5;
	s1 =	ssub.s32 s1, s6;
	[dreg:$0x19] =	wrdreg s7  }
0x22: {  	s7 =	simm.s32 $0x2;
	[dreg:$0x1c] =	wrdreg s26;
	s4 =	sadd.s32 s4, s5  }
0x23: {  	s26 =	simm.s32 $0x15880;
	s6 =	smax.u32 s1, $0x1;
	s25 =	sadd.s32 $0xAA00, s4  }
0x24: {  	v2 =	vlaneseq.u32;
	s1 =	simm.s32 $0x1;
	s4 =	simm.s32 $0x1880;
	[dreg:$0x3] =	wrdreg s25  }
0x25: {  	vm0 =	vmmov $0xffff;
	v1 =	vshrl.u32 v2, $0x3;
	[dreg:$0x6] =	wrdreg s4;
	s4 =	sadd.s32 $0xBC500, s5;
	s25 =	simm.s32 $0xC080  }
0x26: {  	v0 =	vand.u32 $0x7, v2;
	v2 =	vor.u32 $0x8, v2;
	v1 =	vmul.u32 $0x8, v1;
	s5 =	sadd.s32 $0xBC600, s5;
	[dreg:$0x1b] =	wrdreg s25;
	s25 =	simm.s32 $0x15080  }
.LBB2_1:
0x27: {  	s0 =	rddreg [dreg:$0x2]  }
0x28: {  	[tilespmem:s2], [sflag:$0x2] =	stream.linear.gather [hbm4b:s0+s2], $0x80, $0x38;
	[tilespmem:$0x18080] =	vst v63  }
0x29: {  	_ =	swait.ge [sflag:s7], $0x80  }
0x2a: {  	[sflag:s7] =	ssyncset.done $0x0  }
0x2b: {  	s9 =	rddreg [dreg:$0x3];
	[sflag:s7] =	ssyncadd.s32 $0xFFFFFF80  }
0x2c: {  	[tilespmem:s8], [sflag:$0x2] =	stream.linear.gather [hbm4b:s9+s2], $0x18000, $0x38;
	[tilespmem:$0x18080] =	vst v63  }
0x2d: {  	_ =	swait.ge [sflag:s7], $0x18000  }
0x2e: {  	[sflag:s7] =	ssyncset.done $0x0  }
0x2f: {  	[sflag:s7] =	ssyncadd.s32 $0xFFFE8000  }
0x30: {  	v3 =	vld [tilespmem:$0x0];
	_ =	sdelay $0x4  }
0x31: {  	v4 =	vshrl.u32 v3, $0x3  }
0x32: {  	v4 =	vmul.u32 $0x30, v4  }
0x33: {  	v3 =	vand.u32 $0x7, v3  }
0x34: {  	v3 =	vor.u32 v3, v4  }
0x35: {  	v4 =	vperm.xlane v3, v0;
	_ =	sdelay $0x1  }
0x36: {  	v4 =	vadd.s32 v1, v4;
	_ =	sdelay $0x3  }
0x37: {  	v3 =	vperm.xlane v3, v2  }
0x38: {  	[hbm4b:s3+s2] =	stream.indirect_vreg.scatter [tilespmem:s8], [sflag:$0x1], $0x80, v4, vm0, $0xb8;
	[tilespmem:$0x18080] =	vst v63  }
0x39: {  	s0 =	rddreg [dreg:$0x4];
	v3 =	vadd.s32 v1, v3  }
0x3a: {  	[hbm4b:s4+s2] =	stream.indirect_vreg.scatter [tilespmem:s0], [sflag:$0x1], $0x80, v4, vm0, $0xb8;
	[tilespmem:$0x18080] =	vst v63  }
0x3b: {  	s9 =	rddreg [dreg:$0x5]  }
0x3c: {  	[hbm4b:s5+s2] =	stream.indirect_vreg.scatter [tilespmem:s9], [sflag:$0x1], $0x80, v4, vm0, $0xb8;
	[tilespmem:$0x18080] =	vst v63  }
0x3d: {  	s0 =	rddreg [dreg:$0x6]  }
0x3e: {  	[hbm4b:s3+s2] =	stream.indirect_vreg.scatter [tilespmem:s0], [sflag:$0x1], $0x80, v3, vm0, $0xb8;
	[tilespmem:$0x18080] =	vst v63  }
0x3f: {  	s9 =	rddreg [dreg:$0x7]  }
0x40: {  	[hbm4b:s4+s2] =	stream.indirect_vreg.scatter [tilespmem:s9], [sflag:$0x1], $0x80, v3, vm0, $0xb8;
	[tilespmem:$0x18080] =	vst v63  }
0x41: {  	s0 =	rddreg [dreg:$0x8]  }
0x42: {  	[hbm4b:s5+s2] =	stream.indirect_vreg.scatter [tilespmem:s0], [sflag:$0x1], $0x80, v3, vm0, $0xb8;
	[tilespmem:$0x18080] =	vst v63  }
0x43: {  	v3 =	vld [tilespmem:$0x10];
	_ =	sdelay $0x4  }
0x44: {  	v57 =	vshrl.u32 v3, $0x3  }
0x45: {  	v4 =	vmul.u32 $0x30, v57  }
0x46: {  	v3 =	vand.u32 $0x7, v3  }
0x47: {  	v3 =	vor.u32 v3, v4  }
0x48: {  	v4 =	vperm.xlane v3, v0;
	_ =	sdelay $0x1  }
0x49: {  	v4 =	vadd.s32 v1, v4;
	_ =	sdelay $0x3  }
0x4a: {  	s0 =	rddreg [dreg:$0x9];
	v3 =	vperm.xlane v3, v2  }
0x4b: {  	[hbm4b:s3+s2] =	stream.indirect_vreg.scatter [tilespmem:s0], [sflag:$0x1], $0x80, v4, vm0, $0xb8;
	[tilespmem:$0x18080] =	vst v63  }
0x4c: {  	s9 =	rddreg [dreg:$0xa];
	v3 =	vadd.s32 v1, v3  }
0x4d: {  	[hbm4b:s4+s2] =	stream.indirect_vreg.scatter [tilespmem:s9], [sflag:$0x1], $0x80, v4, vm0, $0xb8;
	[tilespmem:$0x18080] =	vst v63  }
0x4e: {  	s0 =	rddreg [dreg:$0xb]  }
0x4f: {  	[hbm4b:s5+s2] =	stream.indirect_vreg.scatter [tilespmem:s0], [sflag:$0x1], $0x80, v4, vm0, $0xb8;
	[tilespmem:$0x18080] =	vst v63  }
0x50: {  	s9 =	rddreg [dreg:$0xc]  }
0x51: {  	[hbm4b:s3+s2] =	stream.indirect_vreg.scatter [tilespmem:s9], [sflag:$0x1], $0x80, v3, vm0, $0xb8;
	[tilespmem:$0x18080] =	vst v63  }
0x52: {  	s0 =	rddreg [dreg:$0xd]  }
0x53: {  	[hbm4b:s4+s2] =	stream.indirect_vreg.scatter [tilespmem:s0], [sflag:$0x1], $0x80, v3, vm0, $0xb8;
	[tilespmem:$0x18080] =	vst v63  }
0x54: {  	s9 =	rddreg [dreg:$0xe]  }
0x55: {  	[hbm4b:s5+s2] =	stream.indirect_vreg.scatter [tilespmem:s9], [sflag:$0x1], $0x80, v3, vm0, $0xb8;
	[tilespmem:$0x18080] =	vst v63  }
0x56: {  	v3 =	vld [tilespmem:$0x20];
	_ =	sdelay $0x4  }
0x57: {  	v58 =	vshrl.u32 v3, $0x3  }
0x58: {  	v4 =	vmul.u32 $0x30, v58  }
0x59: {  	v3 =	vand.u32 $0x7, v3  }
0x5a: {  	v3 =	vor.u32 v3, v4  }
0x5b: {  	v4 =	vperm.xlane v3, v0;
	_ =	sdelay $0x1  }
0x5c: {  	v4 =	vadd.s32 v1, v4;
	_ =	sdelay $0x3  }
0x5d: {  	s0 =	rddreg [dreg:$0xf];
	v3 =	vperm.xlane v3, v2  }
0x5e: {  	[hbm4b:s3+s2] =	stream.indirect_vreg.scatter [tilespmem:s0], [sflag:$0x1], $0x80, v4, vm0, $0xb8;
	[tilespmem:$0x18080] =	vst v63  }
0x5f: {  	s9 =	rddreg [dreg:$0x10];
	v3 =	vadd.s32 v1, v3  }
0x60: {  	[hbm4b:s4+s2] =	stream.indirect_vreg.scatter [tilespmem:s9], [sflag:$0x1], $0x80, v4, vm0, $0xb8;
	[tilespmem:$0x18080] =	vst v63  }
0x61: {  	s0 =	rddreg [dreg:$0x11]  }
0x62: {  	[hbm4b:s5+s2] =	stream.indirect_vreg.scatter [tilespmem:s0], [sflag:$0x1], $0x80, v4, vm0, $0xb8;
	[tilespmem:$0x18080] =	vst v63  }
0x63: {  	s9 =	rddreg [dreg:$0x12]  }
0x64: {  	[hbm4b:s3+s2] =	stream.indirect_vreg.scatter [tilespmem:s9], [sflag:$0x1], $0x80, v3, vm0, $0xb8;
	[tilespmem:$0x18080] =	vst v63  }
0x65: {  	s0 =	rddreg [dreg:$0x13]  }
0x66: {  	[hbm4b:s4+s2] =	stream.indirect_vreg.scatter [tilespmem:s0], [sflag:$0x1], $0x80, v3, vm0, $0xb8;
	[tilespmem:$0x18080] =	vst v63  }
0x67: {  	s9 =	rddreg [dreg:$0x14]  }
0x68: {  	[hbm4b:s5+s2] =	stream.indirect_vreg.scatter [tilespmem:s9], [sflag:$0x1], $0x80, v3, vm0, $0xb8;
	[tilespmem:$0x18080] =	vst v63  }
0x69: {  	v3 =	vld [tilespmem:$0x30];
	_ =	sdelay $0x4  }
0x6a: {  	v59 =	vshrl.u32 v3, $0x3  }
0x6b: {  	v4 =	vmul.u32 $0x30, v59  }
0x6c: {  	v3 =	vand.u32 $0x7, v3  }
0x6d: {  	v3 =	vor.u32 v3, v4  }
0x6e: {  	v4 =	vperm.xlane v3, v0;
	_ =	sdelay $0x1  }
0x6f: {  	v4 =	vadd.s32 v1, v4;
	_ =	sdelay $0x3  }
0x70: {  	s0 =	rddreg [dreg:$0x15];
	v3 =	vperm.xlane v3, v2  }
0x71: {  	[hbm4b:s3+s2] =	stream.indirect_vreg.scatter [tilespmem:s0], [sflag:$0x1], $0x80, v4, vm0, $0xb8;
	[tilespmem:$0x18080] =	vst v63  }
0x72: {  	s9 =	rddreg [dreg:$0x16];
	v3 =	vadd.s32 v1, v3  }
0x73: {  	[hbm4b:s4+s2] =	stream.indirect_vreg.scatter [tilespmem:s9], [sflag:$0x1], $0x80, v4, vm0, $0xb8;
	[tilespmem:$0x18080] =	vst v63  }
0x74: {  	s0 =	rddreg [dreg:$0x17]  }
0x75: {  	[hbm4b:s5+s2] =	stream.indirect_vreg.scatter [tilespmem:s0], [sflag:$0x1], $0x80, v4, vm0, $0xb8;
	[tilespmem:$0x18080] =	vst v63  }
0x76: {  	s9 =	rddreg [dreg:$0x18]  }
0x77: {  	[hbm4b:s3+s2] =	stream.indirect_vreg.scatter [tilespmem:s9], [sflag:$0x1], $0x80, v3, vm0, $0xb8;
	[tilespmem:$0x18080] =	vst v63  }
0x78: {  	s0 =	rddreg [dreg:$0x19]  }
0x79: {  	[hbm4b:s4+s2] =	stream.indirect_vreg.scatter [tilespmem:s0], [sflag:$0x1], $0x80, v3, vm0, $0xb8;
	[tilespmem:$0x18080] =	vst v63  }
0x7a: {  	s9 =	rddreg [dreg:$0x1a]  }
0x7b: {  	[hbm4b:s5+s2] =	stream.indirect_vreg.scatter [tilespmem:s9], [sflag:$0x1], $0x80, v3, vm0, $0xb8;
	[tilespmem:$0x18080] =	vst v63  }
0x7c: {  	v3 =	vld [tilespmem:$0x40];
	_ =	sdelay $0x4  }
0x7d: {  	v60 =	vshrl.u32 v3, $0x3  }
0x7e: {  	v4 =	vmul.u32 $0x30, v60  }
0x7f: {  	v3 =	vand.u32 $0x7, v3  }
0x80: {  	v3 =	vor.u32 v3, v4  }
0x81: {  	v4 =	vperm.xlane v3, v0;
	_ =	sdelay $0x1  }
0x82: {  	v4 =	vadd.s32 v1, v4;
	_ =	sdelay $0x3  }
0x83: {  	s0 =	rddreg [dreg:$0x1b];
	v3 =	vperm.xlane v3, v2  }
0x84: {  	[hbm4b:s3+s2] =	stream.indirect_vreg.scatter [tilespmem:s0], [sflag:$0x1], $0x80, v4, vm0, $0xb8;
	[tilespmem:$0x18080] =	vst v63  }
0x85: {  	s9 =	rddreg [dreg:$0x1c];
	v3 =	vadd.s32 v1, v3  }
0x86: {  	[hbm4b:s4+s2] =	stream.indirect_vreg.scatter [tilespmem:s9], [sflag:$0x1], $0x80, v4, vm0, $0xb8;
	[tilespmem:$0x18080] =	vst v63  }
0x87: {  	s9 =	simm.s32 $0xD080  }
0x88: {  	[hbm4b:s5+s2] =	stream.indirect_vreg.scatter [tilespmem:s9], [sflag:$0x1], $0x80, v4, vm0, $0xb8;
	[tilespmem:$0x18080] =	vst v63  }
0x89: {  	_ = 	snop  }
0x8a: {  	[hbm4b:s3+s2] =	stream.indirect_vreg.scatter [tilespmem:s10], [sflag:$0x1], $0x80, v3, vm0, $0xb8;
	[tilespmem:$0x18080] =	vst v63  }
0x8b: {  	_ = 	snop  }
0x8c: {  	[hbm4b:s4+s2] =	stream.indirect_vreg.scatter [tilespmem:s11], [sflag:$0x1], $0x80, v3, vm0, $0xb8;
	[tilespmem:$0x18080] =	vst v63  }
0x8d: {  	_ = 	snop  }
0x8e: {  	[hbm4b:s5+s2] =	stream.indirect_vreg.scatter [tilespmem:s12], [sflag:$0x1], $0x80, v3, vm0, $0xb8;
	[tilespmem:$0x18080] =	vst v63  }
0x8f: {  	v3 =	vld [tilespmem:$0x50];
	_ =	sdelay $0x4  }
0x90: {  	v61 =	vshrl.u32 v3, $0x3  }
0x91: {  	v4 =	vmul.u32 $0x30, v61  }
0x92: {  	v3 =	vand.u32 $0x7, v3  }
0x93: {  	v3 =	vor.u32 v3, v4  }
0x94: {  	v4 =	vperm.xlane v3, v0;
	_ =	sdelay $0x1  }
0x95: {  	v4 =	vadd.s32 v1, v4;
	_ =	sdelay $0x3  }
0x96: {  	v3 =	vperm.xlane v3, v2  }
0x97: {  	[hbm4b:s3+s2] =	stream.indirect_vreg.scatter [tilespmem:s13], [sflag:$0x1], $0x80, v4, vm0, $0xb8;
	[tilespmem:$0x18080] =	vst v63  }
0x98: {  	v3 =	vadd.s32 v1, v3  }
0x99: {  	[hbm4b:s4+s2] =	stream.indirect_vreg.scatter [tilespmem:s14], [sflag:$0x1], $0x80, v4, vm0, $0xb8;
	[tilespmem:$0x18080] =	vst v63  }
0x9a: {  	_ = 	snop  }
0x9b: {  	[hbm4b:s5+s2] =	stream.indirect_vreg.scatter [tilespmem:s15], [sflag:$0x1], $0x80, v4, vm0, $0xb8;
	[tilespmem:$0x18080] =	vst v63  }
0x9c: {  	_ = 	snop  }
0x9d: {  	[hbm4b:s3+s2] =	stream.indirect_vreg.scatter [tilespmem:s16], [sflag:$0x1], $0x80, v3, vm0, $0xb8;
	[tilespmem:$0x18080] =	vst v63  }
0x9e: {  	_ = 	snop  }
0x9f: {  	[hbm4b:s4+s2] =	stream.indirect_vreg.scatter [tilespmem:s17], [sflag:$0x1], $0x80, v3, vm0, $0xb8;
	[tilespmem:$0x18080] =	vst v63  }
0xa0: {  	_ = 	snop  }
0xa1: {  	[hbm4b:s5+s2] =	stream.indirect_vreg.scatter [tilespmem:s18], [sflag:$0x1], $0x80, v3, vm0, $0xb8;
	[tilespmem:$0x18080] =	vst v63  }
0xa2: {  	v3 =	vld [tilespmem:$0x60];
	_ =	sdelay $0x4  }
0xa3: {  	v62 =	vshrl.u32 v3, $0x3  }
0xa4: {  	v4 =	vmul.u32 $0x30, v62  }
0xa5: {  	v3 =	vand.u32 $0x7, v3  }
0xa6: {  	v3 =	vor.u32 v3, v4  }
0xa7: {  	v4 =	vperm.xlane v3, v0;
	_ =	sdelay $0x1  }
0xa8: {  	v4 =	vadd.s32 v1, v4;
	_ =	sdelay $0x3  }
0xa9: {  	v3 =	vperm.xlane v3, v2  }
0xaa: {  	[hbm4b:s3+s2] =	stream.indirect_vreg.scatter [tilespmem:s19], [sflag:$0x1], $0x80, v4, vm0, $0xb8;
	[tilespmem:$0x18080] =	vst v63  }
0xab: {  	v3 =	vadd.s32 v1, v3  }
0xac: {  	[hbm4b:s4+s2] =	stream.indirect_vreg.scatter [tilespmem:s20], [sflag:$0x1], $0x80, v4, vm0, $0xb8;
	[tilespmem:$0x18080] =	vst v63  }
0xad: {  	_ = 	snop  }
0xae: {  	[hbm4b:s5+s2] =	stream.indirect_vreg.scatter [tilespmem:s21], [sflag:$0x1], $0x80, v4, vm0, $0xb8;
	[tilespmem:$0x18080] =	vst v63  }
0xaf: {  	_ = 	snop  }
0xb0: {  	[hbm4b:s3+s2] =	stream.indirect_vreg.scatter [tilespmem:s22], [sflag:$0x1], $0x80, v3, vm0, $0xb8;
	[tilespmem:$0x18080] =	vst v63  }
0xb1: {  	_ = 	snop  }
0xb2: {  	[hbm4b:s4+s2] =	stream.indirect_vreg.scatter [tilespmem:s23], [sflag:$0x1], $0x80, v3, vm0, $0xb8;
	[tilespmem:$0x18080] =	vst v63  }
0xb3: {  	_ = 	snop  }
0xb4: {  	[hbm4b:s5+s2] =	stream.indirect_vreg.scatter [tilespmem:s24], [sflag:$0x1], $0x80, v3, vm0, $0xb8;
	[tilespmem:$0x18080] =	vst v63  }
0xb5: {  	v3 =	vld [tilespmem:$0x70];
	_ =	sdelay $0x4  }
0xb6: {  	v63 =	vshrl.u32 v3, $0x3  }
0xb7: {  	v4 =	vmul.u32 $0x30, v63  }
0xb8: {  	v3 =	vand.u32 $0x7, v3  }
0xb9: {  	v3 =	vor.u32 v3, v4  }
0xba: {  	v4 =	vperm.xlane v3, v0;
	_ =	sdelay $0x1  }
0xbb: {  	v4 =	vadd.s32 v1, v4;
	_ =	sdelay $0x3  }
0xbc: {  	v3 =	vperm.xlane v3, v2  }
0xbd: {  	[hbm4b:s3+s2] =	stream.indirect_vreg.scatter [tilespmem:s25], [sflag:$0x1], $0x80, v4, vm0, $0xb8;
	[tilespmem:$0x18080] =	vst v63  }
0xbe: {  	v3 =	vadd.s32 v1, v3  }
0xbf: {  	[hbm4b:s4+s2] =	stream.indirect_vreg.scatter [tilespmem:s26], [sflag:$0x1], $0x80, v4, vm0, $0xb8;
	[tilespmem:$0x18080] =	vst v63  }
0xc0: {  	_ = 	snop  }
0xc1: {  	[hbm4b:s5+s2] =	stream.indirect_vreg.scatter [tilespmem:s28], [sflag:$0x1], $0x80, v4, vm0, $0xb8;
	[tilespmem:$0x18080] =	vst v63  }
0xc2: {  	_ = 	snop  }
0xc3: {  	[hbm4b:s3+s2] =	stream.indirect_vreg.scatter [tilespmem:s29], [sflag:$0x1], $0x80, v3, vm0, $0xb8;
	[tilespmem:$0x18080] =	vst v63  }
0xc4: {  	p0 =	sne.s32 s6, $0x1  }
0xc5: {  	[hbm4b:s4+s2] =	stream.indirect_vreg.scatter [tilespmem:s30], [sflag:$0x1], $0x80, v3, vm0, $0xb8;
	[tilespmem:$0x18080] =	vst v63  }
.Ltmp0:
0xc6: {  	_ = 	snop;
	(pc) =	sbr.rel @p0 .LBB2_1-.Ltmp0, $4  }
0xc7: {  	[hbm4b:s5+s2] =	stream.indirect_vreg.scatter [tilespmem:s31], [sflag:$0x1], $0x80, v3, vm0, $0xb8;
	[tilespmem:$0x18080] =	vst v63  }
0xc8: {  	_ =	swait.ge [sflag:s1], $0x18000  }
0xc9: {  	[sflag:s1] =	ssyncset.done $0x0  }
0xca: {  	s6 =	sadd.s32 $0xFFFFFFFF, s6;
	[sflag:s1] =	ssyncadd.s32 $0xFFFE8000  }
0xcb: {  	_ =	sfence.sel $0x180000  }
0xcc: {  	[bflag:$0x0] =	sbarrier.arrive $0xFFFF  }
0xcd: {  	_ =	strace $0x9000004A  }
0xce: {  	s0 =	stileid.u32;
	[bflag:$0x2] =	sbarrier.arrive $0xFFFF  }
0xcf: {  	p0 =	sne.s32 s0, $0x0;
	s0 =	rddreg [dreg:$0x1]  }
0xd0: {  	s0 =	sadd.s32 @!p0 $0x100000, s0  }
0xd1: {  	[sflag:s0] =	ssyncadd.tile.s32 @!p0 $0x1;
	_ =	shalt  }
.Lfunc_end2:
_tile_overlayer_lowered:
.L_overlay_start_2:
0xd2: {  	(tag) =	ssettag $0x2  }
0xd3: {  	s0 =	rddreg [dreg:$0x0];
	s2 =	stileid.u32  }
0xd4: {  	s1 =	rddreg [dreg:$0x1];
	p0 =	sne.s32 s2, $0x0  }
0xd5: {  	s3 =	rddreg [dreg:$0x2];
	[bflag:$0x3] =	sbarrier.arrive $0xFFFF;
	s2 =	simm.s32 @!p0 $0x1C02  }
0xd6: {  	[timem:s3], [sflag:s2] =	dma.local @!p0 [hbm:s0], s1  }
0xd7: {  	s0 =	simm.s32 @!p0 $0x2  }
0xd8: {  	_ =	swait.ge @!p0 [sflag:s0], s1  }
0xd9: {  	s1 =	ssub.s32 @!p0 $0x0, s1;
	[sflag:s0] =	ssyncset.done @!p0 $0x0  }
0xda: {  	[sflag:s0] =	ssyncadd.s32 @!p0 s1  }
0xdb: {  	[bflag:$0x3] =	sbarrier.arrive $0xFFFF  }
0xdc: {  	_ =	shalt  }

// kernel: kernel.25.cloned.1.call-start
scs
__scs_entry_jumppad:
0x0: {  	(pc) =	sbr.rel $0x88, $3  }
0x1: {  	(tag) =	ssettag $0x0;
	lr =	simm.s32 $0x1  }
0x2: {  	[smem:$0x3F89] =	sst lr;
	_ =	strace $0xD0000000  }
0x3: {  	_ = 	snop  }
0x4: {  	_ = 	snop  }
0x5: {  	_ = 	snop  }
0x6: {  	_ = 	snop  }
0x7: {  	_ = 	snop  }
__scs_overlays_trampoline_lowered:
0x8: {  	[smem:$0x3F98] =	sst s0  }
0x9: {  	[smem:$0x3F99] =	sst s1  }
0xa: {  	[smem:$0x3F9A] =	sst s2  }
0xb: {  	[smem:$0x3F9B] =	sst s3  }
0xc: {  	[smem:$0x3F9C] =	sst s4  }
0xd: {  	[smem:$0x3F9D] =	sst s5  }
0xe: {  	[smem:$0x3F9E] =	sst s6  }
0xf: {  	[smem:$0x3F9F] =	sst s7  }
0x10: {  	[smem:$0x3FA0] =	sst s8  }
0x11: {  	[smem:$0x3FA1] =	sst s9;
	s0 =	simm.s32 @!p0 $0x0  }
0x12: {  	s1 =	sld [smem:$0x3F87];
	s0 =	simm.s32 @p0 $0x1  }
0x13: {  	[smem:$0x3FA2] =	sst s0;
	s0 =	simm.s32 @!p1 $0x0  }
0x14: {  	s2 =	sld [smem:$0x3F86];
	s0 =	simm.s32 @p1 $0x1  }
0x15: {  	[smem:$0x3FA3] =	sst s0;
	s0 =	simm.s32 @!p2 $0x0  }
0x16: {  	s3 =	sld [smem:$0x3FDB];
	s0 =	simm.s32 @p2 $0x1  }
0x17: {  	s4 =	simm.s32 $0x1BF5;
	[smem:$0x3FA5] =	sst s0  }
0x18: {  	s0 =	sld [smem:$0x3F88];
	_ =	swait.ge [sflag:s4], $0x0  }
0x19: {  	s7 =	sld [smem:$0x3F89]  }
0x1a: {  	s8 =	sadd.s32 $0xFFFFE003, lr  }
0x1b: {  	s9 =	sadd.s32 $0xFFFFFEF7, lr;
	s5 =	simm.s32 $0xFFFFFFFF;
	p2 =	slt.u32 s8, $0xFFFFF086  }
0x1c: {  	p1 =	slt.u32 s9, $0xF7A;
	s5 =	simm.s32 @!p2 $0x0  }
0x1d: {  	s5 =	simm.s32 @p1 $0x1;
	p0 =	seq.s32 s7, s2  }
0x1e: {  	s7 =	smul.u32 @!p0 $0xF7A, s2;
	p2 =	seq.s32 @!p0 s5, $0x0  }
0x1f: {  	s9 =	smul.u32 $0xF7A, s1;
	s8 =	simm.s32 @!p0 $0x1BF5;
	p2 =	por !p2, p0  }
0x20: {  	[sflag:s8] =	ssyncset.s32 @!p0 $0xFFFFF086;
	s6 =	sadd.s32 @!p0 s3, s7;
	s7 =	simm.s32 @!p0 $0x108  }
0x21: {  	s3 =	sadd.s32 s3, s9;
	s6 =	sadd.s32 @!p0 $0x88, s6;
	s7 =	simm.s32 @p2 $0x1082  }
0x22: {  	[simem:s7], [sflag:s8] =	dma.local @!p0 [hbm:s6], $0xF7A  }
0x23: {  	s9 =	sor.u32 $0xD0000000, s2;
	s6 =	simm.s32 $0x108;
	_ =	swait.ge @!p0 [sflag:s8], $0x0  }
0x24: {  	s3 =	sadd.s32 $0x88, s3;
	s6 =	simm.s32 @!p1 $0x1082;
	[sflag:s4] =	ssyncset.s32 $0xFFFFF086  }
0x25: {  	[simem:s6], [sflag:s4] =	dma.local [hbm:s3], $0xF7A  }
0x26: {  	[smem:$0x3F89] =	sst s1;
	(tag) =	ssettag s2;
	_ =	strace s9  }
0x27: {  	s1 =	sld [smem:$0x3F99]  }
0x28: {  	s2 =	sld [smem:$0x3F9A]  }
0x29: {  	s4 =	sld [smem:$0x3F9C]  }
0x2a: {  	p0 =	seq.s32 s5, $0x0;
	s5 =	sld [smem:$0x3F9D]  }
0x2b: {  	s6 =	sld [smem:$0x3F9E]  }
0x2c: {  	s7 =	sld [smem:$0x3F9F]  }
0x2d: {  	s3 =	simm.s32 $0x108;
	s8 =	sld [smem:$0x3FA0]  }
0x2e: {  	s3 =	simm.s32 @!p0 $0x1082;
	s9 =	sld [smem:$0x3FA1]  }
0x2f: {  	lr =	sadd.s32 s0, s3;
	s0 =	sld [smem:$0x3F98]  }
0x30: {  	s3 =	sld [smem:$0x3F9B]  }
0x31: {  	[smem:$0x3FA4] =	sst s10  }
0x32: {  	s10 =	sld [smem:$0x3FA2];
	_ =	sdelay $0x3  }
0x33: {  	p0 =	seq.s32 s10, $0x1;
	s10 =	sld [smem:$0x3FA4];
	_ =	sdelay $0x3  }
0x34: {  	[smem:$0x3FA4] =	sst s10  }
0x35: {  	s10 =	sld [smem:$0x3FA3];
	_ =	sdelay $0x3  }
0x36: {  	p1 =	seq.s32 s10, $0x1;
	s10 =	sld [smem:$0x3FA4];
	_ =	sdelay $0x3  }
0x37: {  	[smem:$0x3FA4] =	sst s10  }
0x38: {  	s10 =	sld [smem:$0x3FA5]  }
0x39: {  	_ = 	snop;
	(pc) =	sbr.ind lr, $3  }
0x3a: {  	_ = 	snop  }
0x3b: {  	_ = 	snop  }
0x3c: {  	p2 =	seq.s32 s10, $0x1;
	s10 =	sld [smem:$0x3FA4]  }
0x3d: {  	_ =	shalt  }
0x3e: {  	_ =	shalt  }
0x3f: {  	_ =	shalt  }
0x40: {  	_ =	shalt  }
0x41: {  	_ =	shalt  }
0x42: {  	_ =	shalt  }
0x43: {  	_ =	shalt  }
0x44: {  	_ =	shalt  }
0x45: {  	_ =	shalt  }
0x46: {  	_ =	shalt  }
0x47: {  	_ =	shalt  }
0x48: {  	_ =	shalt  }
0x49: {  	_ =	shalt  }
0x4a: {  	_ =	shalt  }
0x4b: {  	_ =	shalt  }
0x4c: {  	_ =	shalt  }
0x4d: {  	_ =	shalt  }
0x4e: {  	_ =	shalt  }
0x4f: {  	_ =	shalt  }
0x50: {  	_ =	shalt  }
0x51: {  	_ =	shalt  }
0x52: {  	_ =	shalt  }
0x53: {  	_ =	shalt  }
0x54: {  	_ =	shalt  }
0x55: {  	_ =	shalt  }
0x56: {  	_ =	shalt  }
0x57: {  	_ =	shalt  }
0x58: {  	_ =	shalt  }
0x59: {  	_ =	shalt  }
0x5a: {  	_ =	shalt  }
0x5b: {  	_ =	shalt  }
0x5c: {  	_ =	shalt  }
0x5d: {  	_ =	shalt  }
0x5e: {  	_ =	shalt  }
0x5f: {  	_ =	shalt  }
0x60: {  	_ =	shalt  }
0x61: {  	_ =	shalt  }
0x62: {  	_ =	shalt  }
0x63: {  	_ =	shalt  }
0x64: {  	_ =	shalt  }
0x65: {  	_ =	shalt  }
0x66: {  	_ =	shalt  }
0x67: {  	_ =	shalt  }
0x68: {  	_ =	shalt  }
0x69: {  	_ =	shalt  }
0x6a: {  	_ =	shalt  }
0x6b: {  	_ =	shalt  }
0x6c: {  	_ =	shalt  }
0x6d: {  	_ =	shalt  }
0x6e: {  	_ =	shalt  }
0x6f: {  	_ =	shalt  }
0x70: {  	_ =	shalt  }
0x71: {  	_ =	shalt  }
0x72: {  	_ =	shalt  }
0x73: {  	_ =	shalt  }
0x74: {  	_ =	shalt  }
0x75: {  	_ =	shalt  }
0x76: {  	_ =	shalt  }
0x77: {  	_ =	shalt  }
0x78: {  	_ =	shalt  }
0x79: {  	_ =	shalt  }
0x7a: {  	_ =	shalt  }
0x7b: {  	_ =	shalt  }
0x7c: {  	_ =	shalt  }
0x7d: {  	_ =	shalt  }
0x7e: {  	_ =	shalt  }
0x7f: {  	_ =	shalt  }
0x80: {  	_ =	shalt  }
0x81: {  	_ =	shalt  }
0x82: {  	_ =	shalt  }
0x83: {  	_ =	shalt  }
0x84: {  	_ =	shalt  }
0x85: {  	_ =	shalt  }
0x86: {  	_ =	shalt  }
0x87: {  	_ =	shalt  }
.Lfunc_end0:
.L_simem_size_0:
called_computation.2_lowered:
.L_overlay_start_0:
0x88: {  	s2 =	sld [smem:$0x3FD9]  }
0x89: {  	s3 =	sld [smem:$0x3FFE];
	_ =	sdelay $0x1  }
0x8a: {  	s1 =	srdreg.scid  }
0x8b: {  	s0 =	sand.u32 $0x1, s1  }
0x8c: {  	s16 =	sshll.u32 s0, $0xA;
	s2 =	sadd.s32 s3, s2  }
0x8d: {  	s2 =	sadd.s32 s2, s16  }
0x8e: {  	[smem:$0x3FB0] =	sst s2  }
0x8f: {  	_ = 	snop  }
0x90: {  	(tm) =	ssettm $0x1  }
0x91: {  	s17 =	sld [smem:$0x3FFB];
	_ =	sdelay $0x3  }
0x92: {  	_ =	strace s17  }
0x93: {  	s2 =	sld [smem:$0x3FFC];
	_ =	sdelay $0x3  }
0x94: {  	_ =	strace s2  }
0x95: {  	s2 =	sld [smem:$0x3FFD];
	_ =	sdelay $0x3  }
0x96: {  	_ =	strace s2  }
0x97: {  	_ =	strace $0x8FFFFFFF  }
0x98: {  	s18 =	sld [smem:$0x3FDB];
	_ =	sdelay $0x1  }
0x99: {  	s19 =	simm.s32 $_scs_section_size  }
0x9a: {  	s4 =	simm.s32 $_size__tile_overlayer_lowered;
	s5 =	simm.s32 $_tile_overlayer_lowered  }
0x9b: {  	s22 =	simm.s32 $0x1BFF;
	s21 =	sshll.u32 s5, $0x1;
	s2 =	sadd.s32 s19, s18  }
0x9c: {  	s6 =	simm.s32 $0x0;
	s20 =	sshll.u32 s4, $0x1;
	s4 =	sadd.s32 s21, s2  }
0x9d: {  	[timem:s6], [sflag:s22] =	dma.local [hbm:s4], s20  }
0x9e: {  	_ =	swait.ge [sflag:s22], s20  }
0x9f: {  	s3 =	ssub.s32 $0x0, s20;
	[sflag:s22] =	ssyncset.done $0x0  }
0xa0: {  	[sflag:s22] =	ssyncadd.s32 s3;
	_ =	sdelay $0x1  }
0xa1: {  	s23 =	simm.s32 $0x1B8B  }
0xa2: {  	_ =	swait.ge [sflag:s23], $0x1  }
0xa3: {  	[sflag:s23] =	ssyncset.done $0x0  }
0xa4: {  	s25 =	simm.s32 $0x1B8E;
	s24 =	sld [smem:$0x3FFE];
	[sflag:s23] =	ssyncadd.s32 $0xFFFFFFFF  }
0xa5: {  	s26 =	simm.s32 $execute0_lowered;
	[smem:$0x3FD2] =	sst s25  }
0xa6: {  	s4 =	sshll.u32 s26, $0x1;
	_ =	strace $0x8000004C;
	[dreg:$0x1] =	wrdreg $0xFFFFFFFF  }
0xa7: {  	s28 =	simm.s32 $_size_execute0_lowered;
	s2 =	sadd.s32 s2, s4;
	[dreg:$0x0] =	wrdreg $0x0  }
0xa8: {  	s4 =	sshll.u32 s28, $0x1;
	[dreg:$0x2] =	wrdreg s2  }
0xa9: {  	[dreg:$0x3] =	wrdreg s4  }
0xaa: {  	[dreg:$0x4] =	wrdreg $0xC0  }
0xab: {  	_ =	task [dreg:s6], $0x5FFFF  }
0xac: {  	[dreg:$0x1] =	wrdreg $0xFFFFFFFF  }
0xad: {  	[dreg:$0x0] =	wrdreg $0x60  }
0xae: {  	[dreg:$0x2] =	wrdreg s24  }
0xaf: {  	[dreg:$0x3] =	wrdreg $0x9  }
0xb0: {  	_ =	task.clear_ibuf [dreg:s6], $0x4FFFF;
	_ =	strace $0x9000004C  }
0xb1: {  	s29 =	simm.s32 $0x9;
	_ =	strace $0x8000004E  }
0xb2: {  	_ =	swait.ge [sflag:s29], $0x1  }
0xb3: {  	[sflag:s29] =	ssyncadd.s32 $0xFFFFFFFF  }
0xb4: {  	_ =	strace $0x9000004E  }
0xb5: {  	_ =	sfence  }
0xb6: {  	s30 =	sld [smem:$0x0];
	_ =	sdelay $0x2  }
0xb7: {  	s31 =	sshll.u32 s1, $0xD;
	s1 =	sshrl.u32 s1, $0x2  }
0xb8: {  	s3 =	sand.u32 $0x4000, s31;
	s1 =	sadd.s32 s1, s30  }
0xb9: {  	s0 =	sor.u32 s3, s0;
	s1 =	sshll.u32 s1, $0x11  }
0xba: {  	s0 =	sor.u32 s1, s0  }
0xbb: {  	s0 =	sadd.s32 $0x8F2B, s0  }
0xbc: {  	[sflag:s0] =	ssyncadd.remote.s32 $0x1  }
0xbd: {  	_ =	sfence.sel $0xFFFF  }
0xbe: {  	[dreg:$0x0] =	wrdreg $0xFFFFFFFF;
	(pc) =	sbr.abs _section_cstart, $3  }
0xbf: {  	[dreg:$0x1] =	wrdreg $0xFFFFFFFF  }
0xc0: {  	_ =	task.clear_ibuf [dreg:s6], $0x2FFFF;
	_ =	strace $0x9FFFFFFF  }
0xc1: {  	(tm) =	ssettm $0x7FFFFFFF  }
tec
execute0_lowered:
.L_overlay_start_1:
0x0: {  	(tag) =	ssettag $0x1  }
0x1: {  	s1 =	srdreg.scid;
	s0 =	stileid.u32  }
0x2: {  	s1 =	sand.u32 $0x1, s1;
	s2 =	sshll.u32 s0, $0x1  }
0x3: {  	s5 =	rddreg [dreg:$0x0];
	s3 =	sor.u32 s1, s2;
	s2 =	simm.s32 $0x0  }
0x4: {  	s26 =	simm.s32 $0x880;
	[smem:$0x7FF] =	sst s2  }
0x5: {  	s0 =	simm.s32 $0x1080;
	_ =	strace $0x8000004D;
	[dreg:$0x4] =	wrdreg s26  }
0x6: {  	s6 =	simm.s32 $0x2080;
	[dreg:$0x5] =	wrdreg s0  }
0x7: {  	s7 =	simm.s32 $0x2880;
	[dreg:$0x7] =	wrdreg s6  }
0x8: {  	s8 =	simm.s32 $0x3080;
	[dreg:$0x8] =	wrdreg s7  }
0x9: {  	s9 =	simm.s32 $0x3880;
	[dreg:$0x9] =	wrdreg s8  }
0xa: {  	s10 =	simm.s32 $0x4080;
	[dreg:$0xa] =	wrdreg s9  }
0xb: {  	s11 =	simm.s32 $0x4880;
	[dreg:$0xb] =	wrdreg s10  }
0xc: {  	s12 =	simm.s32 $0x5080;
	[dreg:$0xc] =	wrdreg s11  }
0xd: {  	s13 =	simm.s32 $0x5880;
	[dreg:$0xd] =	wrdreg s12  }
0xe: {  	s14 =	simm.s32 $0x6080;
	[dreg:$0xe] =	wrdreg s13  }
0xf: {  	s15 =	simm.s32 $0x6880;
	[dreg:$0xf] =	wrdreg s14  }
0x10: {  	s16 =	simm.s32 $0x7080;
	s17 =	simm.s32 $0x7880;
	[dreg:$0x10] =	wrdreg s15  }
0x11: {  	s18 =	simm.s32 $0x8080;
	s19 =	simm.s32 $0x8880;
	[dreg:$0x11] =	wrdreg s16  }
0x12: {  	s20 =	simm.s32 $0x9080;
	s21 =	simm.s32 $0x9880;
	[dreg:$0x12] =	wrdreg s17  }
0x13: {  	s22 =	simm.s32 $0xA080;
	s23 =	simm.s32 $0xA880;
	[dreg:$0x13] =	wrdreg s18  }
0x14: {  	s24 =	simm.s32 $0xB880;
	s25 =	simm.s32 $0xC080;
	[dreg:$0x14] =	wrdreg s19  }
0x15: {  	s28 =	simm.s32 $0x16080;
	s29 =	simm.s32 $0x16880;
	[dreg:$0x15] =	wrdreg s20  }
0x16: {  	s30 =	simm.s32 $0x17080;
	s31 =	simm.s32 $0x17880;
	[dreg:$0x16] =	wrdreg s21  }
0x17: {  	s1 =	ssub.s32 $0x2, s1;
	s4 =	sshll.u32 s3, $0x4;
	[dreg:$0x17] =	wrdreg s22  }
0x18: {  	s3 =	smul.u32 $0x3000, s3;
	s4 =	sadd.s32 s4, s5;
	[dreg:$0x18] =	wrdreg s23  }
0x19: {  	s6 =	sshrl.u32 s1, $0x1;
	s7 =	simm.s32 $0xB080;
	[dreg:$0x1a] =	wrdreg s24  }
0x1a: {  	s8 =	simm.s32 $0x80;
	[dreg:$0x1b] =	wrdreg s25;
	s26 =	simm.s32 $0xC880  }
0x1b: {  	s10 =	simm.s32 $0xD880;
	s11 =	simm.s32 $0xE080;
	s12 =	simm.s32 $0xE880  }
0x1c: {  	s13 =	simm.s32 $0xF080;
	s14 =	simm.s32 $0xF880;
	s15 =	simm.s32 $0x10080  }
0x1d: {  	s16 =	simm.s32 $0x10880;
	s17 =	simm.s32 $0x11080;
	s18 =	simm.s32 $0x11880  }
0x1e: {  	s19 =	simm.s32 $0x12080;
	s20 =	simm.s32 $0x12880;
	s21 =	simm.s32 $0x13080  }
0x1f: {  	s22 =	simm.s32 $0x13880;
	s23 =	simm.s32 $0x14080;
	s24 =	simm.s32 $0x14880  }
0x20: {  	s25 =	simm.s32 $0x15080;
	s3 =	sadd.s32 s3, s5;
	[dreg:$0x19] =	wrdreg s7  }
0x21: {  	s4 =	sadd.s32 $0xBC200, s4;
	s1 =	ssub.s32 s1, s6;
	[dreg:$0x1c] =	wrdreg s26  }
0x22: {  	s7 =	simm.s32 $0x2;
	[dreg:$0x2] =	wrdreg s4;
	s3 =	sadd.s32 $0x14CE00, s3  }
0x23: {  	v2 =	vlaneseq.u32;
	s26 =	simm.s32 $0x15880;
	s4 =	simm.s32 $0x1880;
	[dreg:$0x3] =	wrdreg s3  }
0x24: {  	vm0 =	vmmov $0xffff;
	v1 =	vshrl.u32 v2, $0x3;
	s6 =	smax.u32 s1, $0x1;
	s1 =	simm.s32 $0x1;
	[dreg:$0x6] =	wrdreg s4  }
0x25: {  	v0 =	vand.u32 $0x7, v2;
	v2 =	vor.u32 $0x8, v2;
	v1 =	vmul.u32 $0x8, v1;
	s3 =	sadd.s32 $0xBC400, s5;
	s4 =	sadd.s32 $0xBC500, s5;
	s5 =	sadd.s32 $0xBC600, s5  }
.LBB2_1:
0x26: {  	s0 =	rddreg [dreg:$0x2]  }
0x27: {  	[tilespmem:s2], [sflag:$0x2] =	stream.linear.gather [hbm4b:s0+s2], $0x80, $0x38;
	[tilespmem:$0x18080] =	vst v63  }
0x28: {  	_ =	swait.ge [sflag:s7], $0x80  }
0x29: {  	[sflag:s7] =	ssyncset.done $0x0  }
0x2a: {  	[sflag:s7] =	ssyncadd.s32 $0xFFFFFF80  }
0x2b: {  	v3 =	vld [tilespmem:$0x0];
	_ =	sdelay $0x4  }
0x2c: {  	v4 =	vshrl.u32 v3, $0x3  }
0x2d: {  	v4 =	vmul.u32 $0x30, v4  }
0x2e: {  	v3 =	vand.u32 $0x7, v3  }
0x2f: {  	v3 =	vor.u32 v3, v4  }
0x30: {  	v4 =	vperm.xlane v3, v0;
	_ =	sdelay $0x1  }
0x31: {  	v4 =	vadd.s32 v1, v4;
	_ =	sdelay $0x3  }
0x32: {  	v3 =	vperm.xlane v3, v2  }
0x33: {  	[tilespmem:s8], [sflag:$0x1] =	stream.indirect_vreg.gather [hbm4b:s3+s2], $0x80, v4, vm0, $0xb8;
	[tilespmem:$0x18080] =	vst v63  }
0x34: {  	s0 =	rddreg [dreg:$0x4];
	v3 =	vadd.s32 v1, v3  }
0x35: {  	[tilespmem:s0], [sflag:$0x1] =	stream.indirect_vreg.gather [hbm4b:s4+s2], $0x80, v4, vm0, $0xb8;
	[tilespmem:$0x18080] =	vst v63  }
0x36: {  	s9 =	rddreg [dreg:$0x5]  }
0x37: {  	[tilespmem:s9], [sflag:$0x1] =	stream.indirect_vreg.gather [hbm4b:s5+s2], $0x80, v4, vm0, $0xb8;
	[tilespmem:$0x18080] =	vst v63  }
0x38: {  	s0 =	rddreg [dreg:$0x6]  }
0x39: {  	[tilespmem:s0], [sflag:$0x1] =	stream.indirect_vreg.gather [hbm4b:s3+s2], $0x80, v3, vm0, $0xb8;
	[tilespmem:$0x18080] =	vst v63  }
0x3a: {  	s9 =	rddreg [dreg:$0x7]  }
0x3b: {  	[tilespmem:s9], [sflag:$0x1] =	stream.indirect_vreg.gather [hbm4b:s4+s2], $0x80, v3, vm0, $0xb8;
	[tilespmem:$0x18080] =	vst v63  }
0x3c: {  	s0 =	rddreg [dreg:$0x8]  }
0x3d: {  	[tilespmem:s0], [sflag:$0x1] =	stream.indirect_vreg.gather [hbm4b:s5+s2], $0x80, v3, vm0, $0xb8;
	[tilespmem:$0x18080] =	vst v63  }
0x3e: {  	v3 =	vld [tilespmem:$0x10];
	_ =	sdelay $0x4  }
0x3f: {  	v57 =	vshrl.u32 v3, $0x3  }
0x40: {  	v4 =	vmul.u32 $0x30, v57  }
0x41: {  	v3 =	vand.u32 $0x7, v3  }
0x42: {  	v3 =	vor.u32 v3, v4  }
0x43: {  	v4 =	vperm.xlane v3, v0;
	_ =	sdelay $0x1  }
0x44: {  	v4 =	vadd.s32 v1, v4;
	_ =	sdelay $0x3  }
0x45: {  	s0 =	rddreg [dreg:$0x9];
	v3 =	vperm.xlane v3, v2  }
0x46: {  	[tilespmem:s0], [sflag:$0x1] =	stream.indirect_vreg.gather [hbm4b:s3+s2], $0x80, v4, vm0, $0xb8;
	[tilespmem:$0x18080] =	vst v63  }
0x47: {  	s9 =	rddreg [dreg:$0xa];
	v3 =	vadd.s32 v1, v3  }
0x48: {  	[tilespmem:s9], [sflag:$0x1] =	stream.indirect_vreg.gather [hbm4b:s4+s2], $0x80, v4, vm0, $0xb8;
	[tilespmem:$0x18080] =	vst v63  }
0x49: {  	s0 =	rddreg [dreg:$0xb]  }
0x4a: {  	[tilespmem:s0], [sflag:$0x1] =	stream.indirect_vreg.gather [hbm4b:s5+s2], $0x80, v4, vm0, $0xb8;
	[tilespmem:$0x18080] =	vst v63  }
0x4b: {  	s9 =	rddreg [dreg:$0xc]  }
0x4c: {  	[tilespmem:s9], [sflag:$0x1] =	stream.indirect_vreg.gather [hbm4b:s3+s2], $0x80, v3, vm0, $0xb8;
	[tilespmem:$0x18080] =	vst v63  }
0x4d: {  	s0 =	rddreg [dreg:$0xd]  }
0x4e: {  	[tilespmem:s0], [sflag:$0x1] =	stream.indirect_vreg.gather [hbm4b:s4+s2], $0x80, v3, vm0, $0xb8;
	[tilespmem:$0x18080] =	vst v63  }
0x4f: {  	s9 =	rddreg [dreg:$0xe]  }
0x50: {  	[tilespmem:s9], [sflag:$0x1] =	stream.indirect_vreg.gather [hbm4b:s5+s2], $0x80, v3, vm0, $0xb8;
	[tilespmem:$0x18080] =	vst v63  }
0x51: {  	v3 =	vld [tilespmem:$0x20];
	_ =	sdelay $0x4  }
0x52: {  	v58 =	vshrl.u32 v3, $0x3  }
0x53: {  	v4 =	vmul.u32 $0x30, v58  }
0x54: {  	v3 =	vand.u32 $0x7, v3  }
0x55: {  	v3 =	vor.u32 v3, v4  }
0x56: {  	v4 =	vperm.xlane v3, v0;
	_ =	sdelay $0x1  }
0x57: {  	v4 =	vadd.s32 v1, v4;
	_ =	sdelay $0x3  }
0x58: {  	s0 =	rddreg [dreg:$0xf];
	v3 =	vperm.xlane v3, v2  }
0x59: {  	[tilespmem:s0], [sflag:$0x1] =	stream.indirect_vreg.gather [hbm4b:s3+s2], $0x80, v4, vm0, $0xb8;
	[tilespmem:$0x18080] =	vst v63  }
0x5a: {  	s9 =	rddreg [dreg:$0x10];
	v3 =	vadd.s32 v1, v3  }
0x5b: {  	[tilespmem:s9], [sflag:$0x1] =	stream.indirect_vreg.gather [hbm4b:s4+s2], $0x80, v4, vm0, $0xb8;
	[tilespmem:$0x18080] =	vst v63  }
0x5c: {  	s0 =	rddreg [dreg:$0x11]  }
0x5d: {  	[tilespmem:s0], [sflag:$0x1] =	stream.indirect_vreg.gather [hbm4b:s5+s2], $0x80, v4, vm0, $0xb8;
	[tilespmem:$0x18080] =	vst v63  }
0x5e: {  	s9 =	rddreg [dreg:$0x12]  }
0x5f: {  	[tilespmem:s9], [sflag:$0x1] =	stream.indirect_vreg.gather [hbm4b:s3+s2], $0x80, v3, vm0, $0xb8;
	[tilespmem:$0x18080] =	vst v63  }
0x60: {  	s0 =	rddreg [dreg:$0x13]  }
0x61: {  	[tilespmem:s0], [sflag:$0x1] =	stream.indirect_vreg.gather [hbm4b:s4+s2], $0x80, v3, vm0, $0xb8;
	[tilespmem:$0x18080] =	vst v63  }
0x62: {  	s9 =	rddreg [dreg:$0x14]  }
0x63: {  	[tilespmem:s9], [sflag:$0x1] =	stream.indirect_vreg.gather [hbm4b:s5+s2], $0x80, v3, vm0, $0xb8;
	[tilespmem:$0x18080] =	vst v63  }
0x64: {  	v3 =	vld [tilespmem:$0x30];
	_ =	sdelay $0x4  }
0x65: {  	v59 =	vshrl.u32 v3, $0x3  }
0x66: {  	v4 =	vmul.u32 $0x30, v59  }
0x67: {  	v3 =	vand.u32 $0x7, v3  }
0x68: {  	v3 =	vor.u32 v3, v4  }
0x69: {  	v4 =	vperm.xlane v3, v0;
	_ =	sdelay $0x1  }
0x6a: {  	v4 =	vadd.s32 v1, v4;
	_ =	sdelay $0x3  }
0x6b: {  	s0 =	rddreg [dreg:$0x15];
	v3 =	vperm.xlane v3, v2  }
0x6c: {  	[tilespmem:s0], [sflag:$0x1] =	stream.indirect_vreg.gather [hbm4b:s3+s2], $0x80, v4, vm0, $0xb8;
	[tilespmem:$0x18080] =	vst v63  }
0x6d: {  	s9 =	rddreg [dreg:$0x16];
	v3 =	vadd.s32 v1, v3  }
0x6e: {  	[tilespmem:s9], [sflag:$0x1] =	stream.indirect_vreg.gather [hbm4b:s4+s2], $0x80, v4, vm0, $0xb8;
	[tilespmem:$0x18080] =	vst v63  }
0x6f: {  	s0 =	rddreg [dreg:$0x17]  }
0x70: {  	[tilespmem:s0], [sflag:$0x1] =	stream.indirect_vreg.gather [hbm4b:s5+s2], $0x80, v4, vm0, $0xb8;
	[tilespmem:$0x18080] =	vst v63  }
0x71: {  	s9 =	rddreg [dreg:$0x18]  }
0x72: {  	[tilespmem:s9], [sflag:$0x1] =	stream.indirect_vreg.gather [hbm4b:s3+s2], $0x80, v3, vm0, $0xb8;
	[tilespmem:$0x18080] =	vst v63  }
0x73: {  	s0 =	rddreg [dreg:$0x19]  }
0x74: {  	[tilespmem:s0], [sflag:$0x1] =	stream.indirect_vreg.gather [hbm4b:s4+s2], $0x80, v3, vm0, $0xb8;
	[tilespmem:$0x18080] =	vst v63  }
0x75: {  	s9 =	rddreg [dreg:$0x1a]  }
0x76: {  	[tilespmem:s9], [sflag:$0x1] =	stream.indirect_vreg.gather [hbm4b:s5+s2], $0x80, v3, vm0, $0xb8;
	[tilespmem:$0x18080] =	vst v63  }
0x77: {  	v3 =	vld [tilespmem:$0x40];
	_ =	sdelay $0x4  }
0x78: {  	v60 =	vshrl.u32 v3, $0x3  }
0x79: {  	v4 =	vmul.u32 $0x30, v60  }
0x7a: {  	v3 =	vand.u32 $0x7, v3  }
0x7b: {  	v3 =	vor.u32 v3, v4  }
0x7c: {  	v4 =	vperm.xlane v3, v0;
	_ =	sdelay $0x1  }
0x7d: {  	v4 =	vadd.s32 v1, v4;
	_ =	sdelay $0x3  }
0x7e: {  	s0 =	rddreg [dreg:$0x1b];
	v3 =	vperm.xlane v3, v2  }
0x7f: {  	[tilespmem:s0], [sflag:$0x1] =	stream.indirect_vreg.gather [hbm4b:s3+s2], $0x80, v4, vm0, $0xb8;
	[tilespmem:$0x18080] =	vst v63  }
0x80: {  	s9 =	rddreg [dreg:$0x1c];
	v3 =	vadd.s32 v1, v3  }
0x81: {  	[tilespmem:s9], [sflag:$0x1] =	stream.indirect_vreg.gather [hbm4b:s4+s2], $0x80, v4, vm0, $0xb8;
	[tilespmem:$0x18080] =	vst v63  }
0x82: {  	s9 =	simm.s32 $0xD080  }
0x83: {  	[tilespmem:s9], [sflag:$0x1] =	stream.indirect_vreg.gather [hbm4b:s5+s2], $0x80, v4, vm0, $0xb8;
	[tilespmem:$0x18080] =	vst v63  }
0x84: {  	_ = 	snop  }
0x85: {  	[tilespmem:s10], [sflag:$0x1] =	stream.indirect_vreg.gather [hbm4b:s3+s2], $0x80, v3, vm0, $0xb8;
	[tilespmem:$0x18080] =	vst v63  }
0x86: {  	_ = 	snop  }
0x87: {  	[tilespmem:s11], [sflag:$0x1] =	stream.indirect_vreg.gather [hbm4b:s4+s2], $0x80, v3, vm0, $0xb8;
	[tilespmem:$0x18080] =	vst v63  }
0x88: {  	_ = 	snop  }
0x89: {  	[tilespmem:s12], [sflag:$0x1] =	stream.indirect_vreg.gather [hbm4b:s5+s2], $0x80, v3, vm0, $0xb8;
	[tilespmem:$0x18080] =	vst v63  }
0x8a: {  	v3 =	vld [tilespmem:$0x50];
	_ =	sdelay $0x4  }
0x8b: {  	v61 =	vshrl.u32 v3, $0x3  }
0x8c: {  	v4 =	vmul.u32 $0x30, v61  }
0x8d: {  	v3 =	vand.u32 $0x7, v3  }
0x8e: {  	v3 =	vor.u32 v3, v4  }
0x8f: {  	v4 =	vperm.xlane v3, v0;
	_ =	sdelay $0x1  }
0x90: {  	v4 =	vadd.s32 v1, v4;
	_ =	sdelay $0x3  }
0x91: {  	v3 =	vperm.xlane v3, v2  }
0x92: {  	[tilespmem:s13], [sflag:$0x1] =	stream.indirect_vreg.gather [hbm4b:s3+s2], $0x80, v4, vm0, $0xb8;
	[tilespmem:$0x18080] =	vst v63  }
0x93: {  	v3 =	vadd.s32 v1, v3  }
0x94: {  	[tilespmem:s14], [sflag:$0x1] =	stream.indirect_vreg.gather [hbm4b:s4+s2], $0x80, v4, vm0, $0xb8;
	[tilespmem:$0x18080] =	vst v63  }
0x95: {  	_ = 	snop  }
0x96: {  	[tilespmem:s15], [sflag:$0x1] =	stream.indirect_vreg.gather [hbm4b:s5+s2], $0x80, v4, vm0, $0xb8;
	[tilespmem:$0x18080] =	vst v63  }
0x97: {  	_ = 	snop  }
0x98: {  	[tilespmem:s16], [sflag:$0x1] =	stream.indirect_vreg.gather [hbm4b:s3+s2], $0x80, v3, vm0, $0xb8;
	[tilespmem:$0x18080] =	vst v63  }
0x99: {  	_ = 	snop  }
0x9a: {  	[tilespmem:s17], [sflag:$0x1] =	stream.indirect_vreg.gather [hbm4b:s4+s2], $0x80, v3, vm0, $0xb8;
	[tilespmem:$0x18080] =	vst v63  }
0x9b: {  	_ = 	snop  }
0x9c: {  	[tilespmem:s18], [sflag:$0x1] =	stream.indirect_vreg.gather [hbm4b:s5+s2], $0x80, v3, vm0, $0xb8;
	[tilespmem:$0x18080] =	vst v63  }
0x9d: {  	v3 =	vld [tilespmem:$0x60];
	_ =	sdelay $0x4  }
0x9e: {  	v62 =	vshrl.u32 v3, $0x3  }
0x9f: {  	v4 =	vmul.u32 $0x30, v62  }
0xa0: {  	v3 =	vand.u32 $0x7, v3  }
0xa1: {  	v3 =	vor.u32 v3, v4  }
0xa2: {  	v4 =	vperm.xlane v3, v0;
	_ =	sdelay $0x1  }
0xa3: {  	v4 =	vadd.s32 v1, v4;
	_ =	sdelay $0x3  }
0xa4: {  	v3 =	vperm.xlane v3, v2  }
0xa5: {  	[tilespmem:s19], [sflag:$0x1] =	stream.indirect_vreg.gather [hbm4b:s3+s2], $0x80, v4, vm0, $0xb8;
	[tilespmem:$0x18080] =	vst v63  }
0xa6: {  	v3 =	vadd.s32 v1, v3  }
0xa7: {  	[tilespmem:s20], [sflag:$0x1] =	stream.indirect_vreg.gather [hbm4b:s4+s2], $0x80, v4, vm0, $0xb8;
	[tilespmem:$0x18080] =	vst v63  }
0xa8: {  	_ = 	snop  }
0xa9: {  	[tilespmem:s21], [sflag:$0x1] =	stream.indirect_vreg.gather [hbm4b:s5+s2], $0x80, v4, vm0, $0xb8;
	[tilespmem:$0x18080] =	vst v63  }
0xaa: {  	_ = 	snop  }
0xab: {  	[tilespmem:s22], [sflag:$0x1] =	stream.indirect_vreg.gather [hbm4b:s3+s2], $0x80, v3, vm0, $0xb8;
	[tilespmem:$0x18080] =	vst v63  }
0xac: {  	_ = 	snop  }
0xad: {  	[tilespmem:s23], [sflag:$0x1] =	stream.indirect_vreg.gather [hbm4b:s4+s2], $0x80, v3, vm0, $0xb8;
	[tilespmem:$0x18080] =	vst v63  }
0xae: {  	_ = 	snop  }
0xaf: {  	[tilespmem:s24], [sflag:$0x1] =	stream.indirect_vreg.gather [hbm4b:s5+s2], $0x80, v3, vm0, $0xb8;
	[tilespmem:$0x18080] =	vst v63  }
0xb0: {  	v3 =	vld [tilespmem:$0x70];
	_ =	sdelay $0x4  }
0xb1: {  	v63 =	vshrl.u32 v3, $0x3  }
0xb2: {  	v4 =	vmul.u32 $0x30, v63  }
0xb3: {  	v3 =	vand.u32 $0x7, v3  }
0xb4: {  	v3 =	vor.u32 v3, v4  }
0xb5: {  	v4 =	vperm.xlane v3, v0;
	_ =	sdelay $0x1  }
0xb6: {  	v4 =	vadd.s32 v1, v4;
	_ =	sdelay $0x3  }
0xb7: {  	v3 =	vperm.xlane v3, v2  }
0xb8: {  	[tilespmem:s25], [sflag:$0x1] =	stream.indirect_vreg.gather [hbm4b:s3+s2], $0x80, v4, vm0, $0xb8;
	[tilespmem:$0x18080] =	vst v63  }
0xb9: {  	v3 =	vadd.s32 v1, v3  }
0xba: {  	[tilespmem:s26], [sflag:$0x1] =	stream.indirect_vreg.gather [hbm4b:s4+s2], $0x80, v4, vm0, $0xb8;
	[tilespmem:$0x18080] =	vst v63  }
0xbb: {  	_ = 	snop  }
0xbc: {  	[tilespmem:s28], [sflag:$0x1] =	stream.indirect_vreg.gather [hbm4b:s5+s2], $0x80, v4, vm0, $0xb8;
	[tilespmem:$0x18080] =	vst v63  }
0xbd: {  	_ = 	snop  }
0xbe: {  	[tilespmem:s29], [sflag:$0x1] =	stream.indirect_vreg.gather [hbm4b:s3+s2], $0x80, v3, vm0, $0xb8;
	[tilespmem:$0x18080] =	vst v63  }
0xbf: {  	_ = 	snop  }
0xc0: {  	[tilespmem:s30], [sflag:$0x1] =	stream.indirect_vreg.gather [hbm4b:s4+s2], $0x80, v3, vm0, $0xb8;
	[tilespmem:$0x18080] =	vst v63  }
0xc1: {  	_ = 	snop  }
0xc2: {  	[tilespmem:s31], [sflag:$0x1] =	stream.indirect_vreg.gather [hbm4b:s5+s2], $0x80, v3, vm0, $0xb8;
	[tilespmem:$0x18080] =	vst v63  }
0xc3: {  	_ =	swait.ge [sflag:s1], $0x18000  }
0xc4: {  	p0 =	sne.s32 s6, $0x1;
	[sflag:s1] =	ssyncset.done $0x0  }
.Ltmp0:
0xc5: {  	s9 =	rddreg [dreg:$0x3];
	[sflag:s1] =	ssyncadd.s32 $0xFFFE8000;
	(pc) =	sbr.rel @p0 .LBB2_1-.Ltmp0, $4  }
0xc6: {  	[hbm4b:s9+s2] =	stream.linear.scatter [tilespmem:s8], [sflag:$0x2], $0x18000, $0x38;
	[tilespmem:$0x18080] =	vst v63  }
0xc7: {  	_ =	swait.ge [sflag:s7], $0x18000  }
0xc8: {  	[sflag:s7] =	ssyncset.done $0x0  }
0xc9: {  	s6 =	sadd.s32 $0xFFFFFFFF, s6;
	[sflag:s7] =	ssyncadd.s32 $0xFFFE8000  }
0xca: {  	_ =	sfence.sel $0x180000  }
0xcb: {  	[bflag:$0x0] =	sbarrier.arrive $0xFFFF  }
0xcc: {  	_ =	strace $0x9000004D  }
0xcd: {  	s0 =	stileid.u32;
	[bflag:$0x2] =	sbarrier.arrive $0xFFFF  }
0xce: {  	p0 =	sne.s32 s0, $0x0;
	s0 =	rddreg [dreg:$0x1]  }
0xcf: {  	s0 =	sadd.s32 @!p0 $0x100000, s0  }
0xd0: {  	[sflag:s0] =	ssyncadd.tile.s32 @!p0 $0x1;
	_ =	shalt  }
.Lfunc_end2:
_tile_overlayer_lowered:
.L_overlay_start_2:
0xd1: {  	(tag) =	ssettag $0x2  }
0xd2: {  	s0 =	rddreg [dreg:$0x0];
	s2 =	stileid.u32  }
0xd3: {  	s1 =	rddreg [dreg:$0x1];
	p0 =	sne.s32 s2, $0x0  }
0xd4: {  	s3 =	rddreg [dreg:$0x2];
	[bflag:$0x3] =	sbarrier.arrive $0xFFFF;
	s2 =	simm.s32 @!p0 $0x1C02  }
0xd5: {  	[timem:s3], [sflag:s2] =	dma.local @!p0 [hbm:s0], s1  }
0xd6: {  	s0 =	simm.s32 @!p0 $0x2  }
0xd7: {  	_ =	swait.ge @!p0 [sflag:s0], s1  }
0xd8: {  	s1 =	ssub.s32 @!p0 $0x0, s1;
	[sflag:s0] =	ssyncset.done @!p0 $0x0  }
0xd9: {  	[sflag:s0] =	ssyncadd.s32 @!p0 s1  }
0xda: {  	[bflag:$0x3] =	sbarrier.arrive $0xFFFF  }
0xdb: {  	_ =	shalt  }

// kernel: kernel.28.cloned.1.call-start
scs
__scs_entry_jumppad:
0x0: {  	(pc) =	sbr.rel $0x88, $3  }
0x1: {  	(tag) =	ssettag $0x0;
	lr =	simm.s32 $0x1  }
0x2: {  	[smem:$0x3F89] =	sst lr;
	_ =	strace $0xD0000000  }
0x3: {  	_ = 	snop  }
0x4: {  	_ = 	snop  }
0x5: {  	_ = 	snop  }
0x6: {  	_ = 	snop  }
0x7: {  	_ = 	snop  }
__scs_overlays_trampoline_lowered:
0x8: {  	[smem:$0x3F98] =	sst s0  }
0x9: {  	[smem:$0x3F99] =	sst s1  }
0xa: {  	[smem:$0x3F9A] =	sst s2  }
0xb: {  	[smem:$0x3F9B] =	sst s3  }
0xc: {  	[smem:$0x3F9C] =	sst s4  }
0xd: {  	[smem:$0x3F9D] =	sst s5  }
0xe: {  	[smem:$0x3F9E] =	sst s6  }
0xf: {  	[smem:$0x3F9F] =	sst s7  }
0x10: {  	[smem:$0x3FA0] =	sst s8  }
0x11: {  	[smem:$0x3FA1] =	sst s9;
	s0 =	simm.s32 @!p0 $0x0  }
0x12: {  	s1 =	sld [smem:$0x3F87];
	s0 =	simm.s32 @p0 $0x1  }
0x13: {  	[smem:$0x3FA2] =	sst s0;
	s0 =	simm.s32 @!p1 $0x0  }
0x14: {  	s2 =	sld [smem:$0x3F86];
	s0 =	simm.s32 @p1 $0x1  }
0x15: {  	[smem:$0x3FA3] =	sst s0;
	s0 =	simm.s32 @!p2 $0x0  }
0x16: {  	s3 =	sld [smem:$0x3FDB];
	s0 =	simm.s32 @p2 $0x1  }
0x17: {  	s4 =	simm.s32 $0x1BF5;
	[smem:$0x3FA5] =	sst s0  }
0x18: {  	s0 =	sld [smem:$0x3F88];
	_ =	swait.ge [sflag:s4], $0x0  }
0x19: {  	s7 =	sld [smem:$0x3F89]  }
0x1a: {  	s8 =	sadd.s32 $0xFFFFE003, lr  }
0x1b: {  	s9 =	sadd.s32 $0xFFFFFEF7, lr;
	s5 =	simm.s32 $0xFFFFFFFF;
	p2 =	slt.u32 s8, $0xFFFFF086  }
0x1c: {  	p1 =	slt.u32 s9, $0xF7A;
	s5 =	simm.s32 @!p2 $0x0  }
0x1d: {  	s5 =	simm.s32 @p1 $0x1;
	p0 =	seq.s32 s7, s2  }
0x1e: {  	s7 =	smul.u32 @!p0 $0xF7A, s2;
	p2 =	seq.s32 @!p0 s5, $0x0  }
0x1f: {  	s9 =	smul.u32 $0xF7A, s1;
	s8 =	simm.s32 @!p0 $0x1BF5;
	p2 =	por !p2, p0  }
0x20: {  	[sflag:s8] =	ssyncset.s32 @!p0 $0xFFFFF086;
	s6 =	sadd.s32 @!p0 s3, s7;
	s7 =	simm.s32 @!p0 $0x108  }
0x21: {  	s3 =	sadd.s32 s3, s9;
	s6 =	sadd.s32 @!p0 $0x88, s6;
	s7 =	simm.s32 @p2 $0x1082  }
0x22: {  	[simem:s7], [sflag:s8] =	dma.local @!p0 [hbm:s6], $0xF7A  }
0x23: {  	s9 =	sor.u32 $0xD0000000, s2;
	s6 =	simm.s32 $0x108;
	_ =	swait.ge @!p0 [sflag:s8], $0x0  }
0x24: {  	s3 =	sadd.s32 $0x88, s3;
	s6 =	simm.s32 @!p1 $0x1082;
	[sflag:s4] =	ssyncset.s32 $0xFFFFF086  }
0x25: {  	[simem:s6], [sflag:s4] =	dma.local [hbm:s3], $0xF7A  }
0x26: {  	[smem:$0x3F89] =	sst s1;
	(tag) =	ssettag s2;
	_ =	strace s9  }
0x27: {  	s1 =	sld [smem:$0x3F99]  }
0x28: {  	s2 =	sld [smem:$0x3F9A]  }
0x29: {  	s4 =	sld [smem:$0x3F9C]  }
0x2a: {  	p0 =	seq.s32 s5, $0x0;
	s5 =	sld [smem:$0x3F9D]  }
0x2b: {  	s6 =	sld [smem:$0x3F9E]  }
0x2c: {  	s7 =	sld [smem:$0x3F9F]  }
0x2d: {  	s3 =	simm.s32 $0x108;
	s8 =	sld [smem:$0x3FA0]  }
0x2e: {  	s3 =	simm.s32 @!p0 $0x1082;
	s9 =	sld [smem:$0x3FA1]  }
0x2f: {  	lr =	sadd.s32 s0, s3;
	s0 =	sld [smem:$0x3F98]  }
0x30: {  	s3 =	sld [smem:$0x3F9B]  }
0x31: {  	[smem:$0x3FA4] =	sst s10  }
0x32: {  	s10 =	sld [smem:$0x3FA2];
	_ =	sdelay $0x3  }
0x33: {  	p0 =	seq.s32 s10, $0x1;
	s10 =	sld [smem:$0x3FA4];
	_ =	sdelay $0x3  }
0x34: {  	[smem:$0x3FA4] =	sst s10  }
0x35: {  	s10 =	sld [smem:$0x3FA3];
	_ =	sdelay $0x3  }
0x36: {  	p1 =	seq.s32 s10, $0x1;
	s10 =	sld [smem:$0x3FA4];
	_ =	sdelay $0x3  }
0x37: {  	[smem:$0x3FA4] =	sst s10  }
0x38: {  	s10 =	sld [smem:$0x3FA5]  }
0x39: {  	_ = 	snop;
	(pc) =	sbr.ind lr, $3  }
0x3a: {  	_ = 	snop  }
0x3b: {  	_ = 	snop  }
0x3c: {  	p2 =	seq.s32 s10, $0x1;
	s10 =	sld [smem:$0x3FA4]  }
0x3d: {  	_ =	shalt  }
0x3e: {  	_ =	shalt  }
0x3f: {  	_ =	shalt  }
0x40: {  	_ =	shalt  }
0x41: {  	_ =	shalt  }
0x42: {  	_ =	shalt  }
0x43: {  	_ =	shalt  }
0x44: {  	_ =	shalt  }
0x45: {  	_ =	shalt  }
0x46: {  	_ =	shalt  }
0x47: {  	_ =	shalt  }
0x48: {  	_ =	shalt  }
0x49: {  	_ =	shalt  }
0x4a: {  	_ =	shalt  }
0x4b: {  	_ =	shalt  }
0x4c: {  	_ =	shalt  }
0x4d: {  	_ =	shalt  }
0x4e: {  	_ =	shalt  }
0x4f: {  	_ =	shalt  }
0x50: {  	_ =	shalt  }
0x51: {  	_ =	shalt  }
0x52: {  	_ =	shalt  }
0x53: {  	_ =	shalt  }
0x54: {  	_ =	shalt  }
0x55: {  	_ =	shalt  }
0x56: {  	_ =	shalt  }
0x57: {  	_ =	shalt  }
0x58: {  	_ =	shalt  }
0x59: {  	_ =	shalt  }
0x5a: {  	_ =	shalt  }
0x5b: {  	_ =	shalt  }
0x5c: {  	_ =	shalt  }
0x5d: {  	_ =	shalt  }
0x5e: {  	_ =	shalt  }
0x5f: {  	_ =	shalt  }
0x60: {  	_ =	shalt  }
0x61: {  	_ =	shalt  }
0x62: {  	_ =	shalt  }
0x63: {  	_ =	shalt  }
0x64: {  	_ =	shalt  }
0x65: {  	_ =	shalt  }
0x66: {  	_ =	shalt  }
0x67: {  	_ =	shalt  }
0x68: {  	_ =	shalt  }
0x69: {  	_ =	shalt  }
0x6a: {  	_ =	shalt  }
0x6b: {  	_ =	shalt  }
0x6c: {  	_ =	shalt  }
0x6d: {  	_ =	shalt  }
0x6e: {  	_ =	shalt  }
0x6f: {  	_ =	shalt  }
0x70: {  	_ =	shalt  }
0x71: {  	_ =	shalt  }
0x72: {  	_ =	shalt  }
0x73: {  	_ =	shalt  }
0x74: {  	_ =	shalt  }
0x75: {  	_ =	shalt  }
0x76: {  	_ =	shalt  }
0x77: {  	_ =	shalt  }
0x78: {  	_ =	shalt  }
0x79: {  	_ =	shalt  }
0x7a: {  	_ =	shalt  }
0x7b: {  	_ =	shalt  }
0x7c: {  	_ =	shalt  }
0x7d: {  	_ =	shalt  }
0x7e: {  	_ =	shalt  }
0x7f: {  	_ =	shalt  }
0x80: {  	_ =	shalt  }
0x81: {  	_ =	shalt  }
0x82: {  	_ =	shalt  }
0x83: {  	_ =	shalt  }
0x84: {  	_ =	shalt  }
0x85: {  	_ =	shalt  }
0x86: {  	_ =	shalt  }
0x87: {  	_ =	shalt  }
.Lfunc_end0:
.L_simem_size_0:
called_computation.3_lowered:
.L_overlay_start_0:
0x88: {  	s2 =	sld [smem:$0x3FD9]  }
0x89: {  	s3 =	sld [smem:$0x3FFE];
	_ =	sdelay $0x1  }
0x8a: {  	s1 =	srdreg.scid  }
0x8b: {  	s0 =	sand.u32 $0x1, s1  }
0x8c: {  	s16 =	sshll.u32 s0, $0xA;
	s2 =	sadd.s32 s3, s2  }
0x8d: {  	s2 =	sadd.s32 s2, s16  }
0x8e: {  	[smem:$0x3FB0] =	sst s2  }
0x8f: {  	_ = 	snop  }
0x90: {  	(tm) =	ssettm $0x1  }
0x91: {  	s17 =	sld [smem:$0x3FFB];
	_ =	sdelay $0x3  }
0x92: {  	_ =	strace s17  }
0x93: {  	s2 =	sld [smem:$0x3FFC];
	_ =	sdelay $0x3  }
0x94: {  	_ =	strace s2  }
0x95: {  	s2 =	sld [smem:$0x3FFD];
	_ =	sdelay $0x3  }
0x96: {  	_ =	strace s2  }
0x97: {  	_ =	strace $0x8FFFFFFF  }
0x98: {  	s18 =	sld [smem:$0x3FDB];
	_ =	sdelay $0x1  }
0x99: {  	s19 =	simm.s32 $_scs_section_size  }
0x9a: {  	s4 =	simm.s32 $_size__tile_overlayer_lowered;
	s5 =	simm.s32 $_tile_overlayer_lowered  }
0x9b: {  	s22 =	simm.s32 $0x1BFF;
	s21 =	sshll.u32 s5, $0x1;
	s2 =	sadd.s32 s19, s18  }
0x9c: {  	s6 =	simm.s32 $0x0;
	s20 =	sshll.u32 s4, $0x1;
	s4 =	sadd.s32 s21, s2  }
0x9d: {  	[timem:s6], [sflag:s22] =	dma.local [hbm:s4], s20  }
0x9e: {  	_ =	swait.ge [sflag:s22], s20  }
0x9f: {  	s3 =	ssub.s32 $0x0, s20;
	[sflag:s22] =	ssyncset.done $0x0  }
0xa0: {  	[sflag:s22] =	ssyncadd.s32 s3;
	_ =	sdelay $0x1  }
0xa1: {  	s23 =	simm.s32 $0x1B8B  }
0xa2: {  	_ =	swait.ge [sflag:s23], $0x1  }
0xa3: {  	[sflag:s23] =	ssyncset.done $0x0  }
0xa4: {  	s25 =	simm.s32 $0x1B8E;
	s24 =	sld [smem:$0x3FFE];
	[sflag:s23] =	ssyncadd.s32 $0xFFFFFFFF  }
0xa5: {  	s26 =	simm.s32 $execute0_lowered;
	[smem:$0x3FD2] =	sst s25  }
0xa6: {  	s4 =	sshll.u32 s26, $0x1;
	_ =	strace $0x8000004F;
	[dreg:$0x1] =	wrdreg $0xFFFFFFFF  }
0xa7: {  	s28 =	simm.s32 $_size_execute0_lowered;
	s2 =	sadd.s32 s2, s4;
	[dreg:$0x0] =	wrdreg $0x0  }
0xa8: {  	s4 =	sshll.u32 s28, $0x1;
	[dreg:$0x2] =	wrdreg s2  }
0xa9: {  	[dreg:$0x3] =	wrdreg s4  }
0xaa: {  	[dreg:$0x4] =	wrdreg $0xC0  }
0xab: {  	_ =	task [dreg:s6], $0x5FFFF  }
0xac: {  	[dreg:$0x1] =	wrdreg $0xFFFFFFFF  }
0xad: {  	[dreg:$0x0] =	wrdreg $0x60  }
0xae: {  	[dreg:$0x2] =	wrdreg s24  }
0xaf: {  	[dreg:$0x3] =	wrdreg $0x9  }
0xb0: {  	_ =	task.clear_ibuf [dreg:s6], $0x4FFFF;
	_ =	strace $0x9000004F  }
0xb1: {  	s29 =	simm.s32 $0x9;
	_ =	strace $0x80000051  }
0xb2: {  	_ =	swait.ge [sflag:s29], $0x1  }
0xb3: {  	[sflag:s29] =	ssyncadd.s32 $0xFFFFFFFF  }
0xb4: {  	_ =	strace $0x90000051  }
0xb5: {  	_ =	sfence  }
0xb6: {  	s30 =	sld [smem:$0x0];
	_ =	sdelay $0x2  }
0xb7: {  	s31 =	sshll.u32 s1, $0xD;
	s1 =	sshrl.u32 s1, $0x2  }
0xb8: {  	s3 =	sand.u32 $0x4000, s31;
	s1 =	sadd.s32 s1, s30  }
0xb9: {  	s0 =	sor.u32 s3, s0;
	s1 =	sshll.u32 s1, $0x11  }
0xba: {  	s0 =	sor.u32 s1, s0  }
0xbb: {  	s0 =	sadd.s32 $0x8F2B, s0  }
0xbc: {  	[sflag:s0] =	ssyncadd.remote.s32 $0x1  }
0xbd: {  	_ =	sfence.sel $0xFFFF  }
0xbe: {  	[dreg:$0x0] =	wrdreg $0xFFFFFFFF;
	(pc) =	sbr.abs _section_cstart, $3  }
0xbf: {  	[dreg:$0x1] =	wrdreg $0xFFFFFFFF  }
0xc0: {  	_ =	task.clear_ibuf [dreg:s6], $0x2FFFF;
	_ =	strace $0x9FFFFFFF  }
0xc1: {  	(tm) =	ssettm $0x7FFFFFFF  }
tec
execute0_lowered:
.L_overlay_start_1:
0x0: {  	(tag) =	ssettag $0x1  }
0x1: {  	s1 =	srdreg.scid  }
0x2: {  	s0 =	stileid.u32;
	s1 =	sand.u32 $0x1, s1  }
0x3: {  	s2 =	sshll.u32 s0, $0x5;
	s3 =	sshll.u32 s1, $0x4  }
0x4: {  	s5 =	rddreg [dreg:$0x0];
	s3 =	sor.u32 s3, s2;
	s2 =	simm.s32 $0x0  }
0x5: {  	s26 =	simm.s32 $0x880;
	[smem:$0x7FF] =	sst s2  }
0x6: {  	s0 =	simm.s32 $0x1080;
	_ =	strace $0x80000050;
	[dreg:$0x4] =	wrdreg s26  }
0x7: {  	s6 =	simm.s32 $0x2080;
	[dreg:$0x5] =	wrdreg s0  }
0x8: {  	s7 =	simm.s32 $0x2880;
	[dreg:$0x7] =	wrdreg s6  }
0x9: {  	s8 =	simm.s32 $0x3080;
	[dreg:$0x8] =	wrdreg s7  }
0xa: {  	s9 =	simm.s32 $0x3880;
	[dreg:$0x9] =	wrdreg s8  }
0xb: {  	s10 =	simm.s32 $0x4080;
	[dreg:$0xa] =	wrdreg s9  }
0xc: {  	s11 =	simm.s32 $0x4880;
	[dreg:$0xb] =	wrdreg s10  }
0xd: {  	s12 =	simm.s32 $0x5080;
	[dreg:$0xc] =	wrdreg s11  }
0xe: {  	s13 =	simm.s32 $0x5880;
	[dreg:$0xd] =	wrdreg s12  }
0xf: {  	s14 =	simm.s32 $0x6080;
	[dreg:$0xe] =	wrdreg s13  }
0x10: {  	s15 =	simm.s32 $0x6880;
	[dreg:$0xf] =	wrdreg s14  }
0x11: {  	s16 =	simm.s32 $0x7080;
	s17 =	simm.s32 $0x7880;
	[dreg:$0x10] =	wrdreg s15  }
0x12: {  	s18 =	simm.s32 $0x8080;
	s19 =	simm.s32 $0x8880;
	[dreg:$0x11] =	wrdreg s16  }
0x13: {  	s20 =	simm.s32 $0x9080;
	s21 =	simm.s32 $0x9880;
	[dreg:$0x12] =	wrdreg s17  }
0x14: {  	s22 =	simm.s32 $0xA080;
	s23 =	simm.s32 $0xA880;
	[dreg:$0x13] =	wrdreg s18  }
0x15: {  	s24 =	simm.s32 $0xB880;
	s28 =	simm.s32 $0x16080;
	[dreg:$0x14] =	wrdreg s19  }
0x16: {  	s29 =	simm.s32 $0x16880;
	s30 =	simm.s32 $0x17080;
	[dreg:$0x15] =	wrdreg s20  }
0x17: {  	s31 =	simm.s32 $0x17880;
	s1 =	ssub.s32 $0x2, s1;
	[dreg:$0x16] =	wrdreg s21  }
0x18: {  	s4 =	sand.u32 $0xF0, s3;
	s3 =	sadd.s32 s3, s5;
	[dreg:$0x17] =	wrdreg s22  }
0x19: {  	s4 =	smul.u32 $0x300, s4;
	s3 =	sadd.s32 $0x3AC00, s3;
	[dreg:$0x18] =	wrdreg s23  }
0x1a: {  	s6 =	sshrl.u32 s1, $0x1;
	s7 =	simm.s32 $0xB080;
	[dreg:$0x1a] =	wrdreg s24  }
0x1b: {  	s8 =	simm.s32 $0x80;
	s26 =	simm.s32 $0xC880;
	s10 =	simm.s32 $0xD880  }
0x1c: {  	s11 =	simm.s32 $0xE080;
	s12 =	simm.s32 $0xE880;
	s13 =	simm.s32 $0xF080  }
0x1d: {  	s14 =	simm.s32 $0xF880;
	s15 =	simm.s32 $0x10080;
	s16 =	simm.s32 $0x10880  }
0x1e: {  	s17 =	simm.s32 $0x11080;
	s18 =	simm.s32 $0x11880;
	s19 =	simm.s32 $0x12080  }
0x1f: {  	s20 =	simm.s32 $0x12880;
	s21 =	simm.s32 $0x13080;
	s22 =	simm.s32 $0x13880  }
0x20: {  	s23 =	simm.s32 $0x14080;
	s24 =	simm.s32 $0x14880;
	[dreg:$0x2] =	wrdreg s3  }
0x21: {  	s3 =	sadd.s32 $0x3AE00, s5;
	s1 =	ssub.s32 s1, s6;
	[dreg:$0x19] =	wrdreg s7  }
0x22: {  	s7 =	simm.s32 $0x2;
	[dreg:$0x1c] =	wrdreg s26;
	s4 =	sadd.s32 s4, s5  }
0x23: {  	s26 =	simm.s32 $0x15880;
	s6 =	smax.u32 s1, $0x1;
	s25 =	sadd.s32 $0xAA00, s4  }
0x24: {  	v2 =	vlaneseq.u32;
	s1 =	simm.s32 $0x1;
	s4 =	simm.s32 $0x1880;
	[dreg:$0x3] =	wrdreg s25  }
0x25: {  	vm0 =	vmmov $0xffff;
	v1 =	vshrl.u32 v2, $0x3;
	[dreg:$0x6] =	wrdreg s4;
	s4 =	sadd.s32 $0x3AF00, s5;
	s25 =	simm.s32 $0xC080  }
0x26: {  	v0 =	vand.u32 $0x7, v2;
	v2 =	vor.u32 $0x8, v2;
	v1 =	vmul.u32 $0x8, v1;
	s5 =	sadd.s32 $0x3B000, s5;
	[dreg:$0x1b] =	wrdreg s25;
	s25 =	simm.s32 $0x15080  }
.LBB2_1:
0x27: {  	s0 =	rddreg [dreg:$0x2]  }
0x28: {  	[tilespmem:s2], [sflag:$0x2] =	stream.linear.gather [hbm4b:s0+s2], $0x80, $0x38;
	[tilespmem:$0x18080] =	vst v63  }
0x29: {  	_ =	swait.ge [sflag:s7], $0x80  }
0x2a: {  	[sflag:s7] =	ssyncset.done $0x0  }
0x2b: {  	s9 =	rddreg [dreg:$0x3];
	[sflag:s7] =	ssyncadd.s32 $0xFFFFFF80  }
0x2c: {  	[tilespmem:s8], [sflag:$0x2] =	stream.linear.gather [hbm4b:s9+s2], $0x18000, $0x38;
	[tilespmem:$0x18080] =	vst v63  }
0x2d: {  	_ =	swait.ge [sflag:s7], $0x18000  }
0x2e: {  	[sflag:s7] =	ssyncset.done $0x0  }
0x2f: {  	[sflag:s7] =	ssyncadd.s32 $0xFFFE8000  }
0x30: {  	v3 =	vld [tilespmem:$0x0];
	_ =	sdelay $0x4  }
0x31: {  	v4 =	vshrl.u32 v3, $0x3  }
0x32: {  	v4 =	vmul.u32 $0x30, v4  }
0x33: {  	v3 =	vand.u32 $0x7, v3  }
0x34: {  	v3 =	vor.u32 v3, v4  }
0x35: {  	v4 =	vperm.xlane v3, v0;
	_ =	sdelay $0x1  }
0x36: {  	v4 =	vadd.s32 v1, v4;
	_ =	sdelay $0x3  }
0x37: {  	v3 =	vperm.xlane v3, v2  }
0x38: {  	[hbm4b:s3+s2] =	stream.indirect_vreg.scatter [tilespmem:s8], [sflag:$0x1], $0x80, v4, vm0, $0xb8;
	[tilespmem:$0x18080] =	vst v63  }
0x39: {  	s0 =	rddreg [dreg:$0x4];
	v3 =	vadd.s32 v1, v3  }
0x3a: {  	[hbm4b:s4+s2] =	stream.indirect_vreg.scatter [tilespmem:s0], [sflag:$0x1], $0x80, v4, vm0, $0xb8;
	[tilespmem:$0x18080] =	vst v63  }
0x3b: {  	s9 =	rddreg [dreg:$0x5]  }
0x3c: {  	[hbm4b:s5+s2] =	stream.indirect_vreg.scatter [tilespmem:s9], [sflag:$0x1], $0x80, v4, vm0, $0xb8;
	[tilespmem:$0x18080] =	vst v63  }
0x3d: {  	s0 =	rddreg [dreg:$0x6]  }
0x3e: {  	[hbm4b:s3+s2] =	stream.indirect_vreg.scatter [tilespmem:s0], [sflag:$0x1], $0x80, v3, vm0, $0xb8;
	[tilespmem:$0x18080] =	vst v63  }
0x3f: {  	s9 =	rddreg [dreg:$0x7]  }
0x40: {  	[hbm4b:s4+s2] =	stream.indirect_vreg.scatter [tilespmem:s9], [sflag:$0x1], $0x80, v3, vm0, $0xb8;
	[tilespmem:$0x18080] =	vst v63  }
0x41: {  	s0 =	rddreg [dreg:$0x8]  }
0x42: {  	[hbm4b:s5+s2] =	stream.indirect_vreg.scatter [tilespmem:s0], [sflag:$0x1], $0x80, v3, vm0, $0xb8;
	[tilespmem:$0x18080] =	vst v63  }
0x43: {  	v3 =	vld [tilespmem:$0x10];
	_ =	sdelay $0x4  }
0x44: {  	v57 =	vshrl.u32 v3, $0x3  }
0x45: {  	v4 =	vmul.u32 $0x30, v57  }
0x46: {  	v3 =	vand.u32 $0x7, v3  }
0x47: {  	v3 =	vor.u32 v3, v4  }
0x48: {  	v4 =	vperm.xlane v3, v0;
	_ =	sdelay $0x1  }
0x49: {  	v4 =	vadd.s32 v1, v4;
	_ =	sdelay $0x3  }
0x4a: {  	s0 =	rddreg [dreg:$0x9];
	v3 =	vperm.xlane v3, v2  }
0x4b: {  	[hbm4b:s3+s2] =	stream.indirect_vreg.scatter [tilespmem:s0], [sflag:$0x1], $0x80, v4, vm0, $0xb8;
	[tilespmem:$0x18080] =	vst v63  }
0x4c: {  	s9 =	rddreg [dreg:$0xa];
	v3 =	vadd.s32 v1, v3  }
0x4d: {  	[hbm4b:s4+s2] =	stream.indirect_vreg.scatter [tilespmem:s9], [sflag:$0x1], $0x80, v4, vm0, $0xb8;
	[tilespmem:$0x18080] =	vst v63  }
0x4e: {  	s0 =	rddreg [dreg:$0xb]  }
0x4f: {  	[hbm4b:s5+s2] =	stream.indirect_vreg.scatter [tilespmem:s0], [sflag:$0x1], $0x80, v4, vm0, $0xb8;
	[tilespmem:$0x18080] =	vst v63  }
0x50: {  	s9 =	rddreg [dreg:$0xc]  }
0x51: {  	[hbm4b:s3+s2] =	stream.indirect_vreg.scatter [tilespmem:s9], [sflag:$0x1], $0x80, v3, vm0, $0xb8;
	[tilespmem:$0x18080] =	vst v63  }
0x52: {  	s0 =	rddreg [dreg:$0xd]  }
0x53: {  	[hbm4b:s4+s2] =	stream.indirect_vreg.scatter [tilespmem:s0], [sflag:$0x1], $0x80, v3, vm0, $0xb8;
	[tilespmem:$0x18080] =	vst v63  }
0x54: {  	s9 =	rddreg [dreg:$0xe]  }
0x55: {  	[hbm4b:s5+s2] =	stream.indirect_vreg.scatter [tilespmem:s9], [sflag:$0x1], $0x80, v3, vm0, $0xb8;
	[tilespmem:$0x18080] =	vst v63  }
0x56: {  	v3 =	vld [tilespmem:$0x20];
	_ =	sdelay $0x4  }
0x57: {  	v58 =	vshrl.u32 v3, $0x3  }
0x58: {  	v4 =	vmul.u32 $0x30, v58  }
0x59: {  	v3 =	vand.u32 $0x7, v3  }
0x5a: {  	v3 =	vor.u32 v3, v4  }
0x5b: {  	v4 =	vperm.xlane v3, v0;
	_ =	sdelay $0x1  }
0x5c: {  	v4 =	vadd.s32 v1, v4;
	_ =	sdelay $0x3  }
0x5d: {  	s0 =	rddreg [dreg:$0xf];
	v3 =	vperm.xlane v3, v2  }
0x5e: {  	[hbm4b:s3+s2] =	stream.indirect_vreg.scatter [tilespmem:s0], [sflag:$0x1], $0x80, v4, vm0, $0xb8;
	[tilespmem:$0x18080] =	vst v63  }
0x5f: {  	s9 =	rddreg [dreg:$0x10];
	v3 =	vadd.s32 v1, v3  }
0x60: {  	[hbm4b:s4+s2] =	stream.indirect_vreg.scatter [tilespmem:s9], [sflag:$0x1], $0x80, v4, vm0, $0xb8;
	[tilespmem:$0x18080] =	vst v63  }
0x61: {  	s0 =	rddreg [dreg:$0x11]  }
0x62: {  	[hbm4b:s5+s2] =	stream.indirect_vreg.scatter [tilespmem:s0], [sflag:$0x1], $0x80, v4, vm0, $0xb8;
	[tilespmem:$0x18080] =	vst v63  }
0x63: {  	s9 =	rddreg [dreg:$0x12]  }
0x64: {  	[hbm4b:s3+s2] =	stream.indirect_vreg.scatter [tilespmem:s9], [sflag:$0x1], $0x80, v3, vm0, $0xb8;
	[tilespmem:$0x18080] =	vst v63  }
0x65: {  	s0 =	rddreg [dreg:$0x13]  }
0x66: {  	[hbm4b:s4+s2] =	stream.indirect_vreg.scatter [tilespmem:s0], [sflag:$0x1], $0x80, v3, vm0, $0xb8;
	[tilespmem:$0x18080] =	vst v63  }
0x67: {  	s9 =	rddreg [dreg:$0x14]  }
0x68: {  	[hbm4b:s5+s2] =	stream.indirect_vreg.scatter [tilespmem:s9], [sflag:$0x1], $0x80, v3, vm0, $0xb8;
	[tilespmem:$0x18080] =	vst v63  }
0x69: {  	v3 =	vld [tilespmem:$0x30];
	_ =	sdelay $0x4  }
0x6a: {  	v59 =	vshrl.u32 v3, $0x3  }
0x6b: {  	v4 =	vmul.u32 $0x30, v59  }
0x6c: {  	v3 =	vand.u32 $0x7, v3  }
0x6d: {  	v3 =	vor.u32 v3, v4  }
0x6e: {  	v4 =	vperm.xlane v3, v0;
	_ =	sdelay $0x1  }
0x6f: {  	v4 =	vadd.s32 v1, v4;
	_ =	sdelay $0x3  }
0x70: {  	s0 =	rddreg [dreg:$0x15];
	v3 =	vperm.xlane v3, v2  }
0x71: {  	[hbm4b:s3+s2] =	stream.indirect_vreg.scatter [tilespmem:s0], [sflag:$0x1], $0x80, v4, vm0, $0xb8;
	[tilespmem:$0x18080] =	vst v63  }
0x72: {  	s9 =	rddreg [dreg:$0x16];
	v3 =	vadd.s32 v1, v3  }
0x73: {  	[hbm4b:s4+s2] =	stream.indirect_vreg.scatter [tilespmem:s9], [sflag:$0x1], $0x80, v4, vm0, $0xb8;
	[tilespmem:$0x18080] =	vst v63  }
0x74: {  	s0 =	rddreg [dreg:$0x17]  }
0x75: {  	[hbm4b:s5+s2] =	stream.indirect_vreg.scatter [tilespmem:s0], [sflag:$0x1], $0x80, v4, vm0, $0xb8;
	[tilespmem:$0x18080] =	vst v63  }
0x76: {  	s9 =	rddreg [dreg:$0x18]  }
0x77: {  	[hbm4b:s3+s2] =	stream.indirect_vreg.scatter [tilespmem:s9], [sflag:$0x1], $0x80, v3, vm0, $0xb8;
	[tilespmem:$0x18080] =	vst v63  }
0x78: {  	s0 =	rddreg [dreg:$0x19]  }
0x79: {  	[hbm4b:s4+s2] =	stream.indirect_vreg.scatter [tilespmem:s0], [sflag:$0x1], $0x80, v3, vm0, $0xb8;
	[tilespmem:$0x18080] =	vst v63  }
0x7a: {  	s9 =	rddreg [dreg:$0x1a]  }
0x7b: {  	[hbm4b:s5+s2] =	stream.indirect_vreg.scatter [tilespmem:s9], [sflag:$0x1], $0x80, v3, vm0, $0xb8;
	[tilespmem:$0x18080] =	vst v63  }
0x7c: {  	v3 =	vld [tilespmem:$0x40];
	_ =	sdelay $0x4  }
0x7d: {  	v60 =	vshrl.u32 v3, $0x3  }
0x7e: {  	v4 =	vmul.u32 $0x30, v60  }
0x7f: {  	v3 =	vand.u32 $0x7, v3  }
0x80: {  	v3 =	vor.u32 v3, v4  }
0x81: {  	v4 =	vperm.xlane v3, v0;
	_ =	sdelay $0x1  }
0x82: {  	v4 =	vadd.s32 v1, v4;
	_ =	sdelay $0x3  }
0x83: {  	s0 =	rddreg [dreg:$0x1b];
	v3 =	vperm.xlane v3, v2  }
0x84: {  	[hbm4b:s3+s2] =	stream.indirect_vreg.scatter [tilespmem:s0], [sflag:$0x1], $0x80, v4, vm0, $0xb8;
	[tilespmem:$0x18080] =	vst v63  }
0x85: {  	s9 =	rddreg [dreg:$0x1c];
	v3 =	vadd.s32 v1, v3  }
0x86: {  	[hbm4b:s4+s2] =	stream.indirect_vreg.scatter [tilespmem:s9], [sflag:$0x1], $0x80, v4, vm0, $0xb8;
	[tilespmem:$0x18080] =	vst v63  }
0x87: {  	s9 =	simm.s32 $0xD080  }
0x88: {  	[hbm4b:s5+s2] =	stream.indirect_vreg.scatter [tilespmem:s9], [sflag:$0x1], $0x80, v4, vm0, $0xb8;
	[tilespmem:$0x18080] =	vst v63  }
0x89: {  	_ = 	snop  }
0x8a: {  	[hbm4b:s3+s2] =	stream.indirect_vreg.scatter [tilespmem:s10], [sflag:$0x1], $0x80, v3, vm0, $0xb8;
	[tilespmem:$0x18080] =	vst v63  }
0x8b: {  	_ = 	snop  }
0x8c: {  	[hbm4b:s4+s2] =	stream.indirect_vreg.scatter [tilespmem:s11], [sflag:$0x1], $0x80, v3, vm0, $0xb8;
	[tilespmem:$0x18080] =	vst v63  }
0x8d: {  	_ = 	snop  }
0x8e: {  	[hbm4b:s5+s2] =	stream.indirect_vreg.scatter [tilespmem:s12], [sflag:$0x1], $0x80, v3, vm0, $0xb8;
	[tilespmem:$0x18080] =	vst v63  }
0x8f: {  	v3 =	vld [tilespmem:$0x50];
	_ =	sdelay $0x4  }
0x90: {  	v61 =	vshrl.u32 v3, $0x3  }
0x91: {  	v4 =	vmul.u32 $0x30, v61  }
0x92: {  	v3 =	vand.u32 $0x7, v3  }
0x93: {  	v3 =	vor.u32 v3, v4  }
0x94: {  	v4 =	vperm.xlane v3, v0;
	_ =	sdelay $0x1  }
0x95: {  	v4 =	vadd.s32 v1, v4;
	_ =	sdelay $0x3  }
0x96: {  	v3 =	vperm.xlane v3, v2  }
0x97: {  	[hbm4b:s3+s2] =	stream.indirect_vreg.scatter [tilespmem:s13], [sflag:$0x1], $0x80, v4, vm0, $0xb8;
	[tilespmem:$0x18080] =	vst v63  }
0x98: {  	v3 =	vadd.s32 v1, v3  }
0x99: {  	[hbm4b:s4+s2] =	stream.indirect_vreg.scatter [tilespmem:s14], [sflag:$0x1], $0x80, v4, vm0, $0xb8;
	[tilespmem:$0x18080] =	vst v63  }
0x9a: {  	_ = 	snop  }
0x9b: {  	[hbm4b:s5+s2] =	stream.indirect_vreg.scatter [tilespmem:s15], [sflag:$0x1], $0x80, v4, vm0, $0xb8;
	[tilespmem:$0x18080] =	vst v63  }
0x9c: {  	_ = 	snop  }
0x9d: {  	[hbm4b:s3+s2] =	stream.indirect_vreg.scatter [tilespmem:s16], [sflag:$0x1], $0x80, v3, vm0, $0xb8;
	[tilespmem:$0x18080] =	vst v63  }
0x9e: {  	_ = 	snop  }
0x9f: {  	[hbm4b:s4+s2] =	stream.indirect_vreg.scatter [tilespmem:s17], [sflag:$0x1], $0x80, v3, vm0, $0xb8;
	[tilespmem:$0x18080] =	vst v63  }
0xa0: {  	_ = 	snop  }
0xa1: {  	[hbm4b:s5+s2] =	stream.indirect_vreg.scatter [tilespmem:s18], [sflag:$0x1], $0x80, v3, vm0, $0xb8;
	[tilespmem:$0x18080] =	vst v63  }
0xa2: {  	v3 =	vld [tilespmem:$0x60];
	_ =	sdelay $0x4  }
0xa3: {  	v62 =	vshrl.u32 v3, $0x3  }
0xa4: {  	v4 =	vmul.u32 $0x30, v62  }
0xa5: {  	v3 =	vand.u32 $0x7, v3  }
0xa6: {  	v3 =	vor.u32 v3, v4  }
0xa7: {  	v4 =	vperm.xlane v3, v0;
	_ =	sdelay $0x1  }
0xa8: {  	v4 =	vadd.s32 v1, v4;
	_ =	sdelay $0x3  }
0xa9: {  	v3 =	vperm.xlane v3, v2  }
0xaa: {  	[hbm4b:s3+s2] =	stream.indirect_vreg.scatter [tilespmem:s19], [sflag:$0x1], $0x80, v4, vm0, $0xb8;
	[tilespmem:$0x18080] =	vst v63  }
0xab: {  	v3 =	vadd.s32 v1, v3  }
0xac: {  	[hbm4b:s4+s2] =	stream.indirect_vreg.scatter [tilespmem:s20], [sflag:$0x1], $0x80, v4, vm0, $0xb8;
	[tilespmem:$0x18080] =	vst v63  }
0xad: {  	_ = 	snop  }
0xae: {  	[hbm4b:s5+s2] =	stream.indirect_vreg.scatter [tilespmem:s21], [sflag:$0x1], $0x80, v4, vm0, $0xb8;
	[tilespmem:$0x18080] =	vst v63  }
0xaf: {  	_ = 	snop  }
0xb0: {  	[hbm4b:s3+s2] =	stream.indirect_vreg.scatter [tilespmem:s22], [sflag:$0x1], $0x80, v3, vm0, $0xb8;
	[tilespmem:$0x18080] =	vst v63  }
0xb1: {  	_ = 	snop  }
0xb2: {  	[hbm4b:s4+s2] =	stream.indirect_vreg.scatter [tilespmem:s23], [sflag:$0x1], $0x80, v3, vm0, $0xb8;
	[tilespmem:$0x18080] =	vst v63  }
0xb3: {  	_ = 	snop  }
0xb4: {  	[hbm4b:s5+s2] =	stream.indirect_vreg.scatter [tilespmem:s24], [sflag:$0x1], $0x80, v3, vm0, $0xb8;
	[tilespmem:$0x18080] =	vst v63  }
0xb5: {  	v3 =	vld [tilespmem:$0x70];
	_ =	sdelay $0x4  }
0xb6: {  	v63 =	vshrl.u32 v3, $0x3  }
0xb7: {  	v4 =	vmul.u32 $0x30, v63  }
0xb8: {  	v3 =	vand.u32 $0x7, v3  }
0xb9: {  	v3 =	vor.u32 v3, v4  }
0xba: {  	v4 =	vperm.xlane v3, v0;
	_ =	sdelay $0x1  }
0xbb: {  	v4 =	vadd.s32 v1, v4;
	_ =	sdelay $0x3  }
0xbc: {  	v3 =	vperm.xlane v3, v2  }
0xbd: {  	[hbm4b:s3+s2] =	stream.indirect_vreg.scatter [tilespmem:s25], [sflag:$0x1], $0x80, v4, vm0, $0xb8;
	[tilespmem:$0x18080] =	vst v63  }
0xbe: {  	v3 =	vadd.s32 v1, v3  }
0xbf: {  	[hbm4b:s4+s2] =	stream.indirect_vreg.scatter [tilespmem:s26], [sflag:$0x1], $0x80, v4, vm0, $0xb8;
	[tilespmem:$0x18080] =	vst v63  }
0xc0: {  	_ = 	snop  }
0xc1: {  	[hbm4b:s5+s2] =	stream.indirect_vreg.scatter [tilespmem:s28], [sflag:$0x1], $0x80, v4, vm0, $0xb8;
	[tilespmem:$0x18080] =	vst v63  }
0xc2: {  	_ = 	snop  }
0xc3: {  	[hbm4b:s3+s2] =	stream.indirect_vreg.scatter [tilespmem:s29], [sflag:$0x1], $0x80, v3, vm0, $0xb8;
	[tilespmem:$0x18080] =	vst v63  }
0xc4: {  	p0 =	sne.s32 s6, $0x1  }
0xc5: {  	[hbm4b:s4+s2] =	stream.indirect_vreg.scatter [tilespmem:s30], [sflag:$0x1], $0x80, v3, vm0, $0xb8;
	[tilespmem:$0x18080] =	vst v63  }
.Ltmp0:
0xc6: {  	_ = 	snop;
	(pc) =	sbr.rel @p0 .LBB2_1-.Ltmp0, $4  }
0xc7: {  	[hbm4b:s5+s2] =	stream.indirect_vreg.scatter [tilespmem:s31], [sflag:$0x1], $0x80, v3, vm0, $0xb8;
	[tilespmem:$0x18080] =	vst v63  }
0xc8: {  	_ =	swait.ge [sflag:s1], $0x18000  }
0xc9: {  	[sflag:s1] =	ssyncset.done $0x0  }
0xca: {  	s6 =	sadd.s32 $0xFFFFFFFF, s6;
	[sflag:s1] =	ssyncadd.s32 $0xFFFE8000  }
0xcb: {  	_ =	sfence.sel $0x180000  }
0xcc: {  	[bflag:$0x0] =	sbarrier.arrive $0xFFFF  }
0xcd: {  	_ =	strace $0x90000050  }
0xce: {  	s0 =	stileid.u32;
	[bflag:$0x2] =	sbarrier.arrive $0xFFFF  }
0xcf: {  	p0 =	sne.s32 s0, $0x0;
	s0 =	rddreg [dreg:$0x1]  }
0xd0: {  	s0 =	sadd.s32 @!p0 $0x100000, s0  }
0xd1: {  	[sflag:s0] =	ssyncadd.tile.s32 @!p0 $0x1;
	_ =	shalt  }
.Lfunc_end2:
_tile_overlayer_lowered:
.L_overlay_start_2:
0xd2: {  	(tag) =	ssettag $0x2  }
0xd3: {  	s0 =	rddreg [dreg:$0x0];
	s2 =	stileid.u32  }
0xd4: {  	s1 =	rddreg [dreg:$0x1];
	p0 =	sne.s32 s2, $0x0  }
0xd5: {  	s3 =	rddreg [dreg:$0x2];
	[bflag:$0x3] =	sbarrier.arrive $0xFFFF;
	s2 =	simm.s32 @!p0 $0x1C02  }
0xd6: {  	[timem:s3], [sflag:s2] =	dma.local @!p0 [hbm:s0], s1  }
0xd7: {  	s0 =	simm.s32 @!p0 $0x2  }
0xd8: {  	_ =	swait.ge @!p0 [sflag:s0], s1  }
0xd9: {  	s1 =	ssub.s32 @!p0 $0x0, s1;
	[sflag:s0] =	ssyncset.done @!p0 $0x0  }
0xda: {  	[sflag:s0] =	ssyncadd.s32 @!p0 s1  }
0xdb: {  	[bflag:$0x3] =	sbarrier.arrive $0xFFFF  }
0xdc: {  	_ =	shalt  }

// kernel: kernel.31.cloned.1.call-start
scs
__scs_entry_jumppad:
0x0: {  	(pc) =	sbr.rel $0x88, $3  }
0x1: {  	(tag) =	ssettag $0x0;
	lr =	simm.s32 $0x1  }
0x2: {  	[smem:$0x3F89] =	sst lr;
	_ =	strace $0xD0000000  }
0x3: {  	_ = 	snop  }
0x4: {  	_ = 	snop  }
0x5: {  	_ = 	snop  }
0x6: {  	_ = 	snop  }
0x7: {  	_ = 	snop  }
__scs_overlays_trampoline_lowered:
0x8: {  	[smem:$0x3F98] =	sst s0  }
0x9: {  	[smem:$0x3F99] =	sst s1  }
0xa: {  	[smem:$0x3F9A] =	sst s2  }
0xb: {  	[smem:$0x3F9B] =	sst s3  }
0xc: {  	[smem:$0x3F9C] =	sst s4  }
0xd: {  	[smem:$0x3F9D] =	sst s5  }
0xe: {  	[smem:$0x3F9E] =	sst s6  }
0xf: {  	[smem:$0x3F9F] =	sst s7  }
0x10: {  	[smem:$0x3FA0] =	sst s8  }
0x11: {  	[smem:$0x3FA1] =	sst s9;
	s0 =	simm.s32 @!p0 $0x0  }
0x12: {  	s1 =	sld [smem:$0x3F87];
	s0 =	simm.s32 @p0 $0x1  }
0x13: {  	[smem:$0x3FA2] =	sst s0;
	s0 =	simm.s32 @!p1 $0x0  }
0x14: {  	s2 =	sld [smem:$0x3F86];
	s0 =	simm.s32 @p1 $0x1  }
0x15: {  	[smem:$0x3FA3] =	sst s0;
	s0 =	simm.s32 @!p2 $0x0  }
0x16: {  	s3 =	sld [smem:$0x3FDB];
	s0 =	simm.s32 @p2 $0x1  }
0x17: {  	s4 =	simm.s32 $0x1BF5;
	[smem:$0x3FA5] =	sst s0  }
0x18: {  	s0 =	sld [smem:$0x3F88];
	_ =	swait.ge [sflag:s4], $0x0  }
0x19: {  	s7 =	sld [smem:$0x3F89]  }
0x1a: {  	s8 =	sadd.s32 $0xFFFFE003, lr  }
0x1b: {  	s9 =	sadd.s32 $0xFFFFFEF7, lr;
	s5 =	simm.s32 $0xFFFFFFFF;
	p2 =	slt.u32 s8, $0xFFFFF086  }
0x1c: {  	p1 =	slt.u32 s9, $0xF7A;
	s5 =	simm.s32 @!p2 $0x0  }
0x1d: {  	s5 =	simm.s32 @p1 $0x1;
	p0 =	seq.s32 s7, s2  }
0x1e: {  	s7 =	smul.u32 @!p0 $0xF7A, s2;
	p2 =	seq.s32 @!p0 s5, $0x0  }
0x1f: {  	s9 =	smul.u32 $0xF7A, s1;
	s8 =	simm.s32 @!p0 $0x1BF5;
	p2 =	por !p2, p0  }
0x20: {  	[sflag:s8] =	ssyncset.s32 @!p0 $0xFFFFF086;
	s6 =	sadd.s32 @!p0 s3, s7;
	s7 =	simm.s32 @!p0 $0x108  }
0x21: {  	s3 =	sadd.s32 s3, s9;
	s6 =	sadd.s32 @!p0 $0x88, s6;
	s7 =	simm.s32 @p2 $0x1082  }
0x22: {  	[simem:s7], [sflag:s8] =	dma.local @!p0 [hbm:s6], $0xF7A  }
0x23: {  	s9 =	sor.u32 $0xD0000000, s2;
	s6 =	simm.s32 $0x108;
	_ =	swait.ge @!p0 [sflag:s8], $0x0  }
0x24: {  	s3 =	sadd.s32 $0x88, s3;
	s6 =	simm.s32 @!p1 $0x1082;
	[sflag:s4] =	ssyncset.s32 $0xFFFFF086  }
0x25: {  	[simem:s6], [sflag:s4] =	dma.local [hbm:s3], $0xF7A  }
0x26: {  	[smem:$0x3F89] =	sst s1;
	(tag) =	ssettag s2;
	_ =	strace s9  }
0x27: {  	s1 =	sld [smem:$0x3F99]  }
0x28: {  	s2 =	sld [smem:$0x3F9A]  }
0x29: {  	s4 =	sld [smem:$0x3F9C]  }
0x2a: {  	p0 =	seq.s32 s5, $0x0;
	s5 =	sld [smem:$0x3F9D]  }
0x2b: {  	s6 =	sld [smem:$0x3F9E]  }
0x2c: {  	s7 =	sld [smem:$0x3F9F]  }
0x2d: {  	s3 =	simm.s32 $0x108;
	s8 =	sld [smem:$0x3FA0]  }
0x2e: {  	s3 =	simm.s32 @!p0 $0x1082;
	s9 =	sld [smem:$0x3FA1]  }
0x2f: {  	lr =	sadd.s32 s0, s3;
	s0 =	sld [smem:$0x3F98]  }
0x30: {  	s3 =	sld [smem:$0x3F9B]  }
0x31: {  	[smem:$0x3FA4] =	sst s10  }
0x32: {  	s10 =	sld [smem:$0x3FA2];
	_ =	sdelay $0x3  }
0x33: {  	p0 =	seq.s32 s10, $0x1;
	s10 =	sld [smem:$0x3FA4];
	_ =	sdelay $0x3  }
0x34: {  	[smem:$0x3FA4] =	sst s10  }
0x35: {  	s10 =	sld [smem:$0x3FA3];
	_ =	sdelay $0x3  }
0x36: {  	p1 =	seq.s32 s10, $0x1;
	s10 =	sld [smem:$0x3FA4];
	_ =	sdelay $0x3  }
0x37: {  	[smem:$0x3FA4] =	sst s10  }
0x38: {  	s10 =	sld [smem:$0x3FA5]  }
0x39: {  	_ = 	snop;
	(pc) =	sbr.ind lr, $3  }
0x3a: {  	_ = 	snop  }
0x3b: {  	_ = 	snop  }
0x3c: {  	p2 =	seq.s32 s10, $0x1;
	s10 =	sld [smem:$0x3FA4]  }
0x3d: {  	_ =	shalt  }
0x3e: {  	_ =	shalt  }
0x3f: {  	_ =	shalt  }
0x40: {  	_ =	shalt  }
0x41: {  	_ =	shalt  }
0x42: {  	_ =	shalt  }
0x43: {  	_ =	shalt  }
0x44: {  	_ =	shalt  }
0x45: {  	_ =	shalt  }
0x46: {  	_ =	shalt  }
0x47: {  	_ =	shalt  }
0x48: {  	_ =	shalt  }
0x49: {  	_ =	shalt  }
0x4a: {  	_ =	shalt  }
0x4b: {  	_ =	shalt  }
0x4c: {  	_ =	shalt  }
0x4d: {  	_ =	shalt  }
0x4e: {  	_ =	shalt  }
0x4f: {  	_ =	shalt  }
0x50: {  	_ =	shalt  }
0x51: {  	_ =	shalt  }
0x52: {  	_ =	shalt  }
0x53: {  	_ =	shalt  }
0x54: {  	_ =	shalt  }
0x55: {  	_ =	shalt  }
0x56: {  	_ =	shalt  }
0x57: {  	_ =	shalt  }
0x58: {  	_ =	shalt  }
0x59: {  	_ =	shalt  }
0x5a: {  	_ =	shalt  }
0x5b: {  	_ =	shalt  }
0x5c: {  	_ =	shalt  }
0x5d: {  	_ =	shalt  }
0x5e: {  	_ =	shalt  }
0x5f: {  	_ =	shalt  }
0x60: {  	_ =	shalt  }
0x61: {  	_ =	shalt  }
0x62: {  	_ =	shalt  }
0x63: {  	_ =	shalt  }
0x64: {  	_ =	shalt  }
0x65: {  	_ =	shalt  }
0x66: {  	_ =	shalt  }
0x67: {  	_ =	shalt  }
0x68: {  	_ =	shalt  }
0x69: {  	_ =	shalt  }
0x6a: {  	_ =	shalt  }
0x6b: {  	_ =	shalt  }
0x6c: {  	_ =	shalt  }
0x6d: {  	_ =	shalt  }
0x6e: {  	_ =	shalt  }
0x6f: {  	_ =	shalt  }
0x70: {  	_ =	shalt  }
0x71: {  	_ =	shalt  }
0x72: {  	_ =	shalt  }
0x73: {  	_ =	shalt  }
0x74: {  	_ =	shalt  }
0x75: {  	_ =	shalt  }
0x76: {  	_ =	shalt  }
0x77: {  	_ =	shalt  }
0x78: {  	_ =	shalt  }
0x79: {  	_ =	shalt  }
0x7a: {  	_ =	shalt  }
0x7b: {  	_ =	shalt  }
0x7c: {  	_ =	shalt  }
0x7d: {  	_ =	shalt  }
0x7e: {  	_ =	shalt  }
0x7f: {  	_ =	shalt  }
0x80: {  	_ =	shalt  }
0x81: {  	_ =	shalt  }
0x82: {  	_ =	shalt  }
0x83: {  	_ =	shalt  }
0x84: {  	_ =	shalt  }
0x85: {  	_ =	shalt  }
0x86: {  	_ =	shalt  }
0x87: {  	_ =	shalt  }
.Lfunc_end0:
.L_simem_size_0:
called_computation.4_lowered:
.L_overlay_start_0:
0x88: {  	s2 =	sld [smem:$0x3FD9]  }
0x89: {  	s3 =	sld [smem:$0x3FFE];
	_ =	sdelay $0x1  }
0x8a: {  	s1 =	srdreg.scid  }
0x8b: {  	s0 =	sand.u32 $0x1, s1  }
0x8c: {  	s17 =	sshll.u32 s0, $0xA;
	s2 =	sadd.s32 s3, s2  }
0x8d: {  	s2 =	sadd.s32 s2, s17  }
0x8e: {  	[smem:$0x3FB0] =	sst s2  }
0x8f: {  	_ = 	snop  }
0x90: {  	s2 =	sld [smem:$0x3FD0];
	(tm) =	ssettm $0x1  }
0x91: {  	s18 =	sld [smem:$0x3FFB];
	_ =	sdelay $0x3  }
0x92: {  	_ =	strace s18  }
0x93: {  	s3 =	sld [smem:$0x3FFC];
	_ =	sdelay $0x3  }
0x94: {  	_ =	strace s3  }
0x95: {  	s3 =	sld [smem:$0x3FFD];
	_ =	sdelay $0x3  }
0x96: {  	_ =	strace s3  }
0x97: {  	_ =	strace $0x8FFFFFFF  }
0x98: {  	s19 =	sld [smem:$0x3FDB];
	_ =	sdelay $0x1  }
0x99: {  	s4 =	simm.s32 $_scs_section_size  }
0x9a: {  	s5 =	simm.s32 $_size__tile_overlayer_lowered;
	s6 =	simm.s32 $_tile_overlayer_lowered  }
0x9b: {  	s22 =	simm.s32 $0x1BFF;
	s21 =	sshll.u32 s6, $0x1;
	s3 =	sadd.s32 s4, s19  }
0x9c: {  	s7 =	simm.s32 $0x0;
	s20 =	sshll.u32 s5, $0x1;
	s5 =	sadd.s32 s21, s3  }
0x9d: {  	[timem:s7], [sflag:s22] =	dma.local [hbm:s5], s20  }
0x9e: {  	_ =	swait.ge [sflag:s22], s20  }
0x9f: {  	s4 =	ssub.s32 $0x0, s20;
	[sflag:s22] =	ssyncset.done $0x0  }
0xa0: {  	[sflag:s22] =	ssyncadd.s32 s4;
	_ =	sdelay $0x1  }
0xa1: {  	s23 =	simm.s32 $0x1B8B  }
0xa2: {  	_ =	swait.ge [sflag:s23], $0x1  }
0xa3: {  	[sflag:s23] =	ssyncset.done $0x0  }
0xa4: {  	s25 =	simm.s32 $0x1B8E;
	s24 =	sld [smem:$0x3FFE];
	[sflag:s23] =	ssyncadd.s32 $0xFFFFFFFF  }
0xa5: {  	s26 =	simm.s32 $execute0_lowered;
	[smem:$0x3FD2] =	sst s25  }
0xa6: {  	s5 =	sshll.u32 s26, $0x1;
	_ =	strace $0x80000052;
	[dreg:$0x1] =	wrdreg $0xFFFFFFFF  }
0xa7: {  	s28 =	simm.s32 $_size_execute0_lowered;
	s3 =	sadd.s32 s3, s5;
	[dreg:$0x0] =	wrdreg $0x0  }
0xa8: {  	s5 =	sshll.u32 s28, $0x1;
	[dreg:$0x2] =	wrdreg s3  }
0xa9: {  	[dreg:$0x3] =	wrdreg s5  }
0xaa: {  	[dreg:$0x4] =	wrdreg $0xC0  }
0xab: {  	_ =	task [dreg:s7], $0x5FFFF  }
0xac: {  	[dreg:$0x1] =	wrdreg $0xFFFFFFFF  }
0xad: {  	[dreg:$0x0] =	wrdreg $0x60  }
0xae: {  	[dreg:$0x2] =	wrdreg s2  }
0xaf: {  	[dreg:$0x3] =	wrdreg s24  }
0xb0: {  	[dreg:$0x4] =	wrdreg $0x9  }
0xb1: {  	_ =	task.clear_ibuf [dreg:s7], $0x5FFFF;
	_ =	strace $0x90000052  }
0xb2: {  	s29 =	simm.s32 $0x9;
	_ =	strace $0x80000054  }
0xb3: {  	_ =	swait.ge [sflag:s29], $0x1  }
0xb4: {  	[sflag:s29] =	ssyncadd.s32 $0xFFFFFFFF  }
0xb5: {  	_ =	strace $0x90000054  }
0xb6: {  	_ =	sfence  }
0xb7: {  	s30 =	sld [smem:$0x0];
	_ =	sdelay $0x2  }
0xb8: {  	s31 =	sshll.u32 s1, $0xD;
	s1 =	sshrl.u32 s1, $0x2  }
0xb9: {  	s3 =	sand.u32 $0x4000, s31;
	s1 =	sadd.s32 s1, s30  }
0xba: {  	s0 =	sor.u32 s3, s0;
	s1 =	sshll.u32 s1, $0x11  }
0xbb: {  	s0 =	sor.u32 s1, s0  }
0xbc: {  	s0 =	sadd.s32 $0x8F2B, s0  }
0xbd: {  	[sflag:s0] =	ssyncadd.remote.s32 $0x1  }
0xbe: {  	_ =	sfence.sel $0xFFFF  }
0xbf: {  	[dreg:$0x0] =	wrdreg $0xFFFFFFFF;
	(pc) =	sbr.abs _section_cstart, $3  }
0xc0: {  	[dreg:$0x1] =	wrdreg $0xFFFFFFFF  }
0xc1: {  	_ =	task.clear_ibuf [dreg:s7], $0x2FFFF;
	_ =	strace $0x9FFFFFFF  }
0xc2: {  	(tm) =	ssettm $0x7FFFFFFF  }
0xc3: {  	_ =	shalt  }
tec
execute0_lowered:
.L_overlay_start_1:
0x0: {  	(tag) =	ssettag $0x1  }
0x1: {  	s1 =	srdreg.scid;
	s0 =	stileid.u32  }
0x2: {  	s2 =	rddreg [dreg:$0x0];
	s1 =	sand.u32 $0x1, s1;
	s3 =	sshll.u32 s0, $0x1  }
0x3: {  	s4 =	rddreg [dreg:$0x1];
	s5 =	sor.u32 s1, s3;
	s3 =	simm.s32 $0x0  }
0x4: {  	s25 =	simm.s32 $0x880;
	[smem:$0x7FF] =	sst s3  }
0x5: {  	s26 =	simm.s32 $0x1080;
	_ =	strace $0x80000053;
	[dreg:$0x5] =	wrdreg s25  }
0x6: {  	s0 =	simm.s32 $0x1880;
	[dreg:$0x6] =	wrdreg s26  }
0x7: {  	s7 =	simm.s32 $0x3080;
	[dreg:$0x7] =	wrdreg s0  }
0x8: {  	s8 =	simm.s32 $0x3880;
	[dreg:$0xa] =	wrdreg s7  }
0x9: {  	s9 =	simm.s32 $0x4080;
	[dreg:$0xb] =	wrdreg s8  }
0xa: {  	s10 =	simm.s32 $0x4880;
	[dreg:$0xc] =	wrdreg s9  }
0xb: {  	s11 =	simm.s32 $0x5080;
	[dreg:$0xd] =	wrdreg s10  }
0xc: {  	s12 =	simm.s32 $0x5880;
	[dreg:$0xe] =	wrdreg s11  }
0xd: {  	s13 =	simm.s32 $0x6080;
	[dreg:$0xf] =	wrdreg s12  }
0xe: {  	s14 =	simm.s32 $0x6880;
	s15 =	simm.s32 $0x7080;
	[dreg:$0x10] =	wrdreg s13  }
0xf: {  	s16 =	simm.s32 $0x7880;
	s17 =	simm.s32 $0x8080;
	[dreg:$0x11] =	wrdreg s14  }
0x10: {  	s18 =	simm.s32 $0x8880;
	s19 =	simm.s32 $0x9080;
	[dreg:$0x12] =	wrdreg s15  }
0x11: {  	s21 =	simm.s32 $0x9880;
	s22 =	simm.s32 $0xA080;
	[dreg:$0x13] =	wrdreg s16  }
0x12: {  	s23 =	simm.s32 $0xA880;
	s28 =	simm.s32 $0x16080;
	[dreg:$0x14] =	wrdreg s17  }
0x13: {  	s29 =	simm.s32 $0x16880;
	s30 =	simm.s32 $0x17080;
	[dreg:$0x15] =	wrdreg s18  }
0x14: {  	s31 =	simm.s32 $0x17880;
	s1 =	ssub.s32 $0x2, s1;
	[dreg:$0x16] =	wrdreg s19  }
0x15: {  	s6 =	sshll.u32 s5, $0x4;
	s5 =	smul.u32 $0x3000, s5;
	[dreg:$0x17] =	wrdreg s21  }
0x16: {  	s20 =	sshrl.u32 s1, $0x1;
	s6 =	sadd.s32 s6, s4;
	[dreg:$0x18] =	wrdreg s22  }
0x17: {  	s1 =	ssub.s32 s1, s20;
	[dreg:$0x19] =	wrdreg s23;
	s7 =	simm.s32 $0xB080  }
0x18: {  	s25 =	simm.s32 $0xC080;
	s8 =	simm.s32 $0x80;
	s26 =	simm.s32 $0xC880  }
0x19: {  	s10 =	simm.s32 $0xD880;
	s11 =	simm.s32 $0xE080;
	s12 =	simm.s32 $0xE880  }
0x1a: {  	s13 =	simm.s32 $0xF080;
	s14 =	simm.s32 $0xF880;
	s15 =	simm.s32 $0x10080  }
0x1b: {  	s16 =	simm.s32 $0x10880;
	s17 =	simm.s32 $0x11080;
	s18 =	simm.s32 $0x11880  }
0x1c: {  	s19 =	simm.s32 $0x12080;
	s20 =	simm.s32 $0x12880;
	s21 =	simm.s32 $0x13080  }
0x1d: {  	s22 =	simm.s32 $0x13880;
	s23 =	simm.s32 $0x14080;
	[dreg:$0x1a] =	wrdreg s7  }
0x1e: {  	s4 =	sadd.s32 s5, s4;
	s24 =	sadd.s32 $0x3AC00, s6;
	[dreg:$0x1c] =	wrdreg s25  }
0x1f: {  	s5 =	simm.s32 $0x2080;
	s6 =	simm.s32 $0x2880;
	[dreg:$0x1d] =	wrdreg s26  }
0x20: {  	s7 =	simm.s32 $0x2;
	s25 =	simm.s32 $0x15080;
	[dreg:$0x3] =	wrdreg s24  }
0x21: {  	s26 =	simm.s32 $0x15880;
	s4 =	sadd.s32 $0x3AE00, s4;
	[dreg:$0x8] =	wrdreg s5  }
0x22: {  	v2 =	vlaneseq.u32;
	[dreg:$0x9] =	wrdreg s6;
	s5 =	sadd.s32 $0x200, s2;
	s6 =	smax.u32 s1, $0x1  }
0x23: {  	vm0 =	vmmov $0xffff;
	v1 =	vshrl.u32 v2, $0x3;
	s24 =	simm.s32 $0xB880;
	s1 =	simm.s32 $0x1;
	[dreg:$0x4] =	wrdreg s4  }
0x24: {  	v0 =	vand.u32 $0x7, v2;
	v2 =	vor.u32 $0x8, v2;
	v1 =	vmul.u32 $0x8, v1;
	s4 =	sadd.s32 $0x100, s2;
	[dreg:$0x1b] =	wrdreg s24;
	s24 =	simm.s32 $0x14880  }
.LBB2_1:
0x25: {  	s0 =	rddreg [dreg:$0x3]  }
0x26: {  	[tilespmem:s3], [sflag:$0x2] =	stream.linear.gather [hbm4b:s0+s3], $0x80, $0x38;
	[tilespmem:$0x18080] =	vst v63  }
0x27: {  	_ =	swait.ge [sflag:s7], $0x80  }
0x28: {  	[sflag:s7] =	ssyncset.done $0x0  }
0x29: {  	[sflag:s7] =	ssyncadd.s32 $0xFFFFFF80  }
0x2a: {  	v3 =	vld [tilespmem:$0x0];
	_ =	sdelay $0x4  }
0x2b: {  	v4 =	vshrl.u32 v3, $0x3  }
0x2c: {  	v4 =	vmul.u32 $0x30, v4  }
0x2d: {  	v3 =	vand.u32 $0x7, v3  }
0x2e: {  	v3 =	vor.u32 v3, v4  }
0x2f: {  	v4 =	vperm.xlane v3, v0;
	_ =	sdelay $0x1  }
0x30: {  	v4 =	vadd.s32 v1, v4;
	_ =	sdelay $0x3  }
0x31: {  	v3 =	vperm.xlane v3, v2  }
0x32: {  	[tilespmem:s8], [sflag:$0x1] =	stream.indirect_vreg.gather [hbm4b:s2+s3], $0x80, v4, vm0, $0xb8;
	[tilespmem:$0x18080] =	vst v63  }
0x33: {  	s0 =	rddreg [dreg:$0x5];
	v3 =	vadd.s32 v1, v3  }
0x34: {  	[tilespmem:s0], [sflag:$0x1] =	stream.indirect_vreg.gather [hbm4b:s4+s3], $0x80, v4, vm0, $0xb8;
	[tilespmem:$0x18080] =	vst v63  }
0x35: {  	s9 =	rddreg [dreg:$0x6]  }
0x36: {  	[tilespmem:s9], [sflag:$0x1] =	stream.indirect_vreg.gather [hbm4b:s5+s3], $0x80, v4, vm0, $0xb8;
	[tilespmem:$0x18080] =	vst v63  }
0x37: {  	s0 =	rddreg [dreg:$0x7]  }
0x38: {  	[tilespmem:s0], [sflag:$0x1] =	stream.indirect_vreg.gather [hbm4b:s2+s3], $0x80, v3, vm0, $0xb8;
	[tilespmem:$0x18080] =	vst v63  }
0x39: {  	s9 =	rddreg [dreg:$0x8]  }
0x3a: {  	[tilespmem:s9], [sflag:$0x1] =	stream.indirect_vreg.gather [hbm4b:s4+s3], $0x80, v3, vm0, $0xb8;
	[tilespmem:$0x18080] =	vst v63  }
0x3b: {  	s0 =	rddreg [dreg:$0x9]  }
0x3c: {  	[tilespmem:s0], [sflag:$0x1] =	stream.indirect_vreg.gather [hbm4b:s5+s3], $0x80, v3, vm0, $0xb8;
	[tilespmem:$0x18080] =	vst v63  }
0x3d: {  	v3 =	vld [tilespmem:$0x10];
	_ =	sdelay $0x4  }
0x3e: {  	v57 =	vshrl.u32 v3, $0x3  }
0x3f: {  	v4 =	vmul.u32 $0x30, v57  }
0x40: {  	v3 =	vand.u32 $0x7, v3  }
0x41: {  	v3 =	vor.u32 v3, v4  }
0x42: {  	v4 =	vperm.xlane v3, v0;
	_ =	sdelay $0x1  }
0x43: {  	v4 =	vadd.s32 v1, v4;
	_ =	sdelay $0x3  }
0x44: {  	s0 =	rddreg [dreg:$0xa];
	v3 =	vperm.xlane v3, v2  }
0x45: {  	[tilespmem:s0], [sflag:$0x1] =	stream.indirect_vreg.gather [hbm4b:s2+s3], $0x80, v4, vm0, $0xb8;
	[tilespmem:$0x18080] =	vst v63  }
0x46: {  	s9 =	rddreg [dreg:$0xb];
	v3 =	vadd.s32 v1, v3  }
0x47: {  	[tilespmem:s9], [sflag:$0x1] =	stream.indirect_vreg.gather [hbm4b:s4+s3], $0x80, v4, vm0, $0xb8;
	[tilespmem:$0x18080] =	vst v63  }
0x48: {  	s0 =	rddreg [dreg:$0xc]  }
0x49: {  	[tilespmem:s0], [sflag:$0x1] =	stream.indirect_vreg.gather [hbm4b:s5+s3], $0x80, v4, vm0, $0xb8;
	[tilespmem:$0x18080] =	vst v63  }
0x4a: {  	s9 =	rddreg [dreg:$0xd]  }
0x4b: {  	[tilespmem:s9], [sflag:$0x1] =	stream.indirect_vreg.gather [hbm4b:s2+s3], $0x80, v3, vm0, $0xb8;
	[tilespmem:$0x18080] =	vst v63  }
0x4c: {  	s0 =	rddreg [dreg:$0xe]  }
0x4d: {  	[tilespmem:s0], [sflag:$0x1] =	stream.indirect_vreg.gather [hbm4b:s4+s3], $0x80, v3, vm0, $0xb8;
	[tilespmem:$0x18080] =	vst v63  }
0x4e: {  	s9 =	rddreg [dreg:$0xf]  }
0x4f: {  	[tilespmem:s9], [sflag:$0x1] =	stream.indirect_vreg.gather [hbm4b:s5+s3], $0x80, v3, vm0, $0xb8;
	[tilespmem:$0x18080] =	vst v63  }
0x50: {  	v3 =	vld [tilespmem:$0x20];
	_ =	sdelay $0x4  }
0x51: {  	v58 =	vshrl.u32 v3, $0x3  }
0x52: {  	v4 =	vmul.u32 $0x30, v58  }
0x53: {  	v3 =	vand.u32 $0x7, v3  }
0x54: {  	v3 =	vor.u32 v3, v4  }
0x55: {  	v4 =	vperm.xlane v3, v0;
	_ =	sdelay $0x1  }
0x56: {  	v4 =	vadd.s32 v1, v4;
	_ =	sdelay $0x3  }
0x57: {  	s0 =	rddreg [dreg:$0x10];
	v3 =	vperm.xlane v3, v2  }
0x58: {  	[tilespmem:s0], [sflag:$0x1] =	stream.indirect_vreg.gather [hbm4b:s2+s3], $0x80, v4, vm0, $0xb8;
	[tilespmem:$0x18080] =	vst v63  }
0x59: {  	s9 =	rddreg [dreg:$0x11];
	v3 =	vadd.s32 v1, v3  }
0x5a: {  	[tilespmem:s9], [sflag:$0x1] =	stream.indirect_vreg.gather [hbm4b:s4+s3], $0x80, v4, vm0, $0xb8;
	[tilespmem:$0x18080] =	vst v63  }
0x5b: {  	s0 =	rddreg [dreg:$0x12]  }
0x5c: {  	[tilespmem:s0], [sflag:$0x1] =	stream.indirect_vreg.gather [hbm4b:s5+s3], $0x80, v4, vm0, $0xb8;
	[tilespmem:$0x18080] =	vst v63  }
0x5d: {  	s9 =	rddreg [dreg:$0x13]  }
0x5e: {  	[tilespmem:s9], [sflag:$0x1] =	stream.indirect_vreg.gather [hbm4b:s2+s3], $0x80, v3, vm0, $0xb8;
	[tilespmem:$0x18080] =	vst v63  }
0x5f: {  	s0 =	rddreg [dreg:$0x14]  }
0x60: {  	[tilespmem:s0], [sflag:$0x1] =	stream.indirect_vreg.gather [hbm4b:s4+s3], $0x80, v3, vm0, $0xb8;
	[tilespmem:$0x18080] =	vst v63  }
0x61: {  	s9 =	rddreg [dreg:$0x15]  }
0x62: {  	[tilespmem:s9], [sflag:$0x1] =	stream.indirect_vreg.gather [hbm4b:s5+s3], $0x80, v3, vm0, $0xb8;
	[tilespmem:$0x18080] =	vst v63  }
0x63: {  	v3 =	vld [tilespmem:$0x30];
	_ =	sdelay $0x4  }
0x64: {  	v59 =	vshrl.u32 v3, $0x3  }
0x65: {  	v4 =	vmul.u32 $0x30, v59  }
0x66: {  	v3 =	vand.u32 $0x7, v3  }
0x67: {  	v3 =	vor.u32 v3, v4  }
0x68: {  	v4 =	vperm.xlane v3, v0;
	_ =	sdelay $0x1  }
0x69: {  	v4 =	vadd.s32 v1, v4;
	_ =	sdelay $0x3  }
0x6a: {  	s0 =	rddreg [dreg:$0x16];
	v3 =	vperm.xlane v3, v2  }
0x6b: {  	[tilespmem:s0], [sflag:$0x1] =	stream.indirect_vreg.gather [hbm4b:s2+s3], $0x80, v4, vm0, $0xb8;
	[tilespmem:$0x18080] =	vst v63  }
0x6c: {  	s9 =	rddreg [dreg:$0x17];
	v3 =	vadd.s32 v1, v3  }
0x6d: {  	[tilespmem:s9], [sflag:$0x1] =	stream.indirect_vreg.gather [hbm4b:s4+s3], $0x80, v4, vm0, $0xb8;
	[tilespmem:$0x18080] =	vst v63  }
0x6e: {  	s0 =	rddreg [dreg:$0x18]  }
0x6f: {  	[tilespmem:s0], [sflag:$0x1] =	stream.indirect_vreg.gather [hbm4b:s5+s3], $0x80, v4, vm0, $0xb8;
	[tilespmem:$0x18080] =	vst v63  }
0x70: {  	s9 =	rddreg [dreg:$0x19]  }
0x71: {  	[tilespmem:s9], [sflag:$0x1] =	stream.indirect_vreg.gather [hbm4b:s2+s3], $0x80, v3, vm0, $0xb8;
	[tilespmem:$0x18080] =	vst v63  }
0x72: {  	s0 =	rddreg [dreg:$0x1a]  }
0x73: {  	[tilespmem:s0], [sflag:$0x1] =	stream.indirect_vreg.gather [hbm4b:s4+s3], $0x80, v3, vm0, $0xb8;
	[tilespmem:$0x18080] =	vst v63  }
0x74: {  	s9 =	rddreg [dreg:$0x1b]  }
0x75: {  	[tilespmem:s9], [sflag:$0x1] =	stream.indirect_vreg.gather [hbm4b:s5+s3], $0x80, v3, vm0, $0xb8;
	[tilespmem:$0x18080] =	vst v63  }
0x76: {  	v3 =	vld [tilespmem:$0x40];
	_ =	sdelay $0x4  }
0x77: {  	v60 =	vshrl.u32 v3, $0x3  }
0x78: {  	v4 =	vmul.u32 $0x30, v60  }
0x79: {  	v3 =	vand.u32 $0x7, v3  }
0x7a: {  	v3 =	vor.u32 v3, v4  }
0x7b: {  	v4 =	vperm.xlane v3, v0;
	_ =	sdelay $0x1  }
0x7c: {  	v4 =	vadd.s32 v1, v4;
	_ =	sdelay $0x3  }
0x7d: {  	s0 =	rddreg [dreg:$0x1c];
	v3 =	vperm.xlane v3, v2  }
0x7e: {  	[tilespmem:s0], [sflag:$0x1] =	stream.indirect_vreg.gather [hbm4b:s2+s3], $0x80, v4, vm0, $0xb8;
	[tilespmem:$0x18080] =	vst v63  }
0x7f: {  	s9 =	rddreg [dreg:$0x1d];
	v3 =	vadd.s32 v1, v3  }
0x80: {  	[tilespmem:s9], [sflag:$0x1] =	stream.indirect_vreg.gather [hbm4b:s4+s3], $0x80, v4, vm0, $0xb8;
	[tilespmem:$0x18080] =	vst v63  }
0x81: {  	s9 =	simm.s32 $0xD080  }
0x82: {  	[tilespmem:s9], [sflag:$0x1] =	stream.indirect_vreg.gather [hbm4b:s5+s3], $0x80, v4, vm0, $0xb8;
	[tilespmem:$0x18080] =	vst v63  }
0x83: {  	_ = 	snop  }
0x84: {  	[tilespmem:s10], [sflag:$0x1] =	stream.indirect_vreg.gather [hbm4b:s2+s3], $0x80, v3, vm0, $0xb8;
	[tilespmem:$0x18080] =	vst v63  }
0x85: {  	_ = 	snop  }
0x86: {  	[tilespmem:s11], [sflag:$0x1] =	stream.indirect_vreg.gather [hbm4b:s4+s3], $0x80, v3, vm0, $0xb8;
	[tilespmem:$0x18080] =	vst v63  }
0x87: {  	_ = 	snop  }
0x88: {  	[tilespmem:s12], [sflag:$0x1] =	stream.indirect_vreg.gather [hbm4b:s5+s3], $0x80, v3, vm0, $0xb8;
	[tilespmem:$0x18080] =	vst v63  }
0x89: {  	v3 =	vld [tilespmem:$0x50];
	_ =	sdelay $0x4  }
0x8a: {  	v61 =	vshrl.u32 v3, $0x3  }
0x8b: {  	v4 =	vmul.u32 $0x30, v61  }
0x8c: {  	v3 =	vand.u32 $0x7, v3  }
0x8d: {  	v3 =	vor.u32 v3, v4  }
0x8e: {  	v4 =	vperm.xlane v3, v0;
	_ =	sdelay $0x1  }
0x8f: {  	v4 =	vadd.s32 v1, v4;
	_ =	sdelay $0x3  }
0x90: {  	v3 =	vperm.xlane v3, v2  }
0x91: {  	[tilespmem:s13], [sflag:$0x1] =	stream.indirect_vreg.gather [hbm4b:s2+s3], $0x80, v4, vm0, $0xb8;
	[tilespmem:$0x18080] =	vst v63  }
0x92: {  	v3 =	vadd.s32 v1, v3  }
0x93: {  	[tilespmem:s14], [sflag:$0x1] =	stream.indirect_vreg.gather [hbm4b:s4+s3], $0x80, v4, vm0, $0xb8;
	[tilespmem:$0x18080] =	vst v63  }
0x94: {  	_ = 	snop  }
0x95: {  	[tilespmem:s15], [sflag:$0x1] =	stream.indirect_vreg.gather [hbm4b:s5+s3], $0x80, v4, vm0, $0xb8;
	[tilespmem:$0x18080] =	vst v63  }
0x96: {  	_ = 	snop  }
0x97: {  	[tilespmem:s16], [sflag:$0x1] =	stream.indirect_vreg.gather [hbm4b:s2+s3], $0x80, v3, vm0, $0xb8;
	[tilespmem:$0x18080] =	vst v63  }
0x98: {  	_ = 	snop  }
0x99: {  	[tilespmem:s17], [sflag:$0x1] =	stream.indirect_vreg.gather [hbm4b:s4+s3], $0x80, v3, vm0, $0xb8;
	[tilespmem:$0x18080] =	vst v63  }
0x9a: {  	_ = 	snop  }
0x9b: {  	[tilespmem:s18], [sflag:$0x1] =	stream.indirect_vreg.gather [hbm4b:s5+s3], $0x80, v3, vm0, $0xb8;
	[tilespmem:$0x18080] =	vst v63  }
0x9c: {  	v3 =	vld [tilespmem:$0x60];
	_ =	sdelay $0x4  }
0x9d: {  	v62 =	vshrl.u32 v3, $0x3  }
0x9e: {  	v4 =	vmul.u32 $0x30, v62  }
0x9f: {  	v3 =	vand.u32 $0x7, v3  }
0xa0: {  	v3 =	vor.u32 v3, v4  }
0xa1: {  	v4 =	vperm.xlane v3, v0;
	_ =	sdelay $0x1  }
0xa2: {  	v4 =	vadd.s32 v1, v4;
	_ =	sdelay $0x3  }
0xa3: {  	v3 =	vperm.xlane v3, v2  }
0xa4: {  	[tilespmem:s19], [sflag:$0x1] =	stream.indirect_vreg.gather [hbm4b:s2+s3], $0x80, v4, vm0, $0xb8;
	[tilespmem:$0x18080] =	vst v63  }
0xa5: {  	v3 =	vadd.s32 v1, v3  }
0xa6: {  	[tilespmem:s20], [sflag:$0x1] =	stream.indirect_vreg.gather [hbm4b:s4+s3], $0x80, v4, vm0, $0xb8;
	[tilespmem:$0x18080] =	vst v63  }
0xa7: {  	_ = 	snop  }
0xa8: {  	[tilespmem:s21], [sflag:$0x1] =	stream.indirect_vreg.gather [hbm4b:s5+s3], $0x80, v4, vm0, $0xb8;
	[tilespmem:$0x18080] =	vst v63  }
0xa9: {  	_ = 	snop  }
0xaa: {  	[tilespmem:s22], [sflag:$0x1] =	stream.indirect_vreg.gather [hbm4b:s2+s3], $0x80, v3, vm0, $0xb8;
	[tilespmem:$0x18080] =	vst v63  }
0xab: {  	_ = 	snop  }
0xac: {  	[tilespmem:s23], [sflag:$0x1] =	stream.indirect_vreg.gather [hbm4b:s4+s3], $0x80, v3, vm0, $0xb8;
	[tilespmem:$0x18080] =	vst v63  }
0xad: {  	_ = 	snop  }
0xae: {  	[tilespmem:s24], [sflag:$0x1] =	stream.indirect_vreg.gather [hbm4b:s5+s3], $0x80, v3, vm0, $0xb8;
	[tilespmem:$0x18080] =	vst v63  }
0xaf: {  	v3 =	vld [tilespmem:$0x70];
	_ =	sdelay $0x4  }
0xb0: {  	v63 =	vshrl.u32 v3, $0x3  }
0xb1: {  	v4 =	vmul.u32 $0x30, v63  }
0xb2: {  	v3 =	vand.u32 $0x7, v3  }
0xb3: {  	v3 =	vor.u32 v3, v4  }
0xb4: {  	v4 =	vperm.xlane v3, v0;
	_ =	sdelay $0x1  }
0xb5: {  	v4 =	vadd.s32 v1, v4;
	_ =	sdelay $0x3  }
0xb6: {  	v3 =	vperm.xlane v3, v2  }
0xb7: {  	[tilespmem:s25], [sflag:$0x1] =	stream.indirect_vreg.gather [hbm4b:s2+s3], $0x80, v4, vm0, $0xb8;
	[tilespmem:$0x18080] =	vst v63  }
0xb8: {  	v3 =	vadd.s32 v1, v3  }
0xb9: {  	[tilespmem:s26], [sflag:$0x1] =	stream.indirect_vreg.gather [hbm4b:s4+s3], $0x80, v4, vm0, $0xb8;
	[tilespmem:$0x18080] =	vst v63  }
0xba: {  	_ = 	snop  }
0xbb: {  	[tilespmem:s28], [sflag:$0x1] =	stream.indirect_vreg.gather [hbm4b:s5+s3], $0x80, v4, vm0, $0xb8;
	[tilespmem:$0x18080] =	vst v63  }
0xbc: {  	_ = 	snop  }
0xbd: {  	[tilespmem:s29], [sflag:$0x1] =	stream.indirect_vreg.gather [hbm4b:s2+s3], $0x80, v3, vm0, $0xb8;
	[tilespmem:$0x18080] =	vst v63  }
0xbe: {  	_ = 	snop  }
0xbf: {  	[tilespmem:s30], [sflag:$0x1] =	stream.indirect_vreg.gather [hbm4b:s4+s3], $0x80, v3, vm0, $0xb8;
	[tilespmem:$0x18080] =	vst v63  }
0xc0: {  	_ = 	snop  }
0xc1: {  	[tilespmem:s31], [sflag:$0x1] =	stream.indirect_vreg.gather [hbm4b:s5+s3], $0x80, v3, vm0, $0xb8;
	[tilespmem:$0x18080] =	vst v63  }
0xc2: {  	_ =	swait.ge [sflag:s1], $0x18000  }
0xc3: {  	p0 =	sne.s32 s6, $0x1;
	[sflag:s1] =	ssyncset.done $0x0  }
.Ltmp0:
0xc4: {  	s9 =	rddreg [dreg:$0x4];
	[sflag:s1] =	ssyncadd.s32 $0xFFFE8000;
	(pc) =	sbr.rel @p0 .LBB2_1-.Ltmp0, $4  }
0xc5: {  	[hbm4b:s9+s3] =	stream.linear.scatter [tilespmem:s8], [sflag:$0x2], $0x18000, $0x38;
	[tilespmem:$0x18080] =	vst v63  }
0xc6: {  	_ =	swait.ge [sflag:s7], $0x18000  }
0xc7: {  	[sflag:s7] =	ssyncset.done $0x0  }
0xc8: {  	s6 =	sadd.s32 $0xFFFFFFFF, s6;
	[sflag:s7] =	ssyncadd.s32 $0xFFFE8000  }
0xc9: {  	_ =	sfence.sel $0x180000  }
0xca: {  	[bflag:$0x0] =	sbarrier.arrive $0xFFFF  }
0xcb: {  	_ =	strace $0x90000053  }
0xcc: {  	s0 =	stileid.u32;
	[bflag:$0x2] =	sbarrier.arrive $0xFFFF  }
0xcd: {  	p0 =	sne.s32 s0, $0x0;
	s0 =	rddreg [dreg:$0x2]  }
0xce: {  	s0 =	sadd.s32 @!p0 $0x100000, s0  }
0xcf: {  	[sflag:s0] =	ssyncadd.tile.s32 @!p0 $0x1;
	_ =	shalt  }
.Lfunc_end2:
_tile_overlayer_lowered:
.L_overlay_start_2:
0xd0: {  	(tag) =	ssettag $0x2  }
0xd1: {  	s0 =	rddreg [dreg:$0x0];
	s2 =	stileid.u32  }
0xd2: {  	s1 =	rddreg [dreg:$0x1];
	p0 =	sne.s32 s2, $0x0  }
0xd3: {  	s3 =	rddreg [dreg:$0x2];
	[bflag:$0x3] =	sbarrier.arrive $0xFFFF;
	s2 =	simm.s32 @!p0 $0x1C02  }
0xd4: {  	[timem:s3], [sflag:s2] =	dma.local @!p0 [hbm:s0], s1  }
0xd5: {  	s0 =	simm.s32 @!p0 $0x2  }
0xd6: {  	_ =	swait.ge @!p0 [sflag:s0], s1  }
0xd7: {  	s1 =	ssub.s32 @!p0 $0x0, s1;
	[sflag:s0] =	ssyncset.done @!p0 $0x0  }
0xd8: {  	[sflag:s0] =	ssyncadd.s32 @!p0 s1  }
0xd9: {  	[bflag:$0x3] =	sbarrier.arrive $0xFFFF  }
0xda: {  	_ =	shalt  }

</sc_bundles>
